<compile_context>
chip_gen: v7x
topology: tpu7x:2x2x1
jax: 0.10.2.dev20260603
libtpu: 0.0.44.dev20260713+nightly
codegen_flags: <defaults>
</compile_context>

<pallas_src>
import functools

import jax
import jax.numpy as jnp
from jax import lax
from jax.experimental import pallas as pl
from jax.experimental.pallas import tpu as pltpu
from jax.experimental.pallas import tpu_sc as plsc

N = 10000
E = 320000
H = 128
C = 10
L = 3
G = 64

NC = 2
NS = 16
CH = 80
NCHUNK = 63
EPT = NCHUNK * CH
NCALL = 2
EPAD = NCALL * NC * NS * EPT

NACC = 10240
HALF = NACC // 2
RPT = NACC // NS
LANES = 16

RB = 1024
NBLK = 10
SHIFTB = HALF // RB



_sc_mesh = plsc.VectorSubcoreMesh(core_axis_name="c", subcore_axis_name="s")


@functools.partial(
    pl.kernel,
    mesh=_sc_mesh,
    out_type=jax.ShapeDtypeStruct((NC, NACC, H), jnp.float32),
    scratch_types=[
        pltpu.VMEM((NCHUNK, CH), jnp.int32),
        pltpu.VMEM((NCHUNK, CH), jnp.int32),
        pltpu.VMEM((CH, H), jnp.float32),
        pltpu.VMEM((CH, H), jnp.float32),
        pltpu.VMEM_SHARED((NACC, H), jnp.float32),
        pltpu.SemaphoreType.DMA,
        pltpu.SemaphoreType.DMA,
    ],
)
def _sc_segment_sum(m_hbm, src_hbm, dst_hbm, zero_hbm, out_hbm,
                    src_v, dst_v, rows_a, rows_b, agg_s, sem_a, sem_b):
    c = lax.axis_index("c")
    s = lax.axis_index("s")

    pltpu.sync_copy(zero_hbm, agg_s.at[pl.ds(s * RPT, RPT)])

    shift = c * HALF

    def gather_start(g, buf, sem):
        pltpu.async_copy(m_hbm.at[src_v.at[g]], buf, sem)

    def gather_wait(g, buf, sem):
        pltpu.make_async_copy(m_hbm.at[src_v.at[g]], buf, sem).wait()

    def scatter_add(g, buf):
        pltpu.sync_copy(buf, agg_s.at[dst_v.at[g]], add=True)

    barrier_done = False
    for k in range(NCALL):
        pltpu.sync_copy(src_hbm.at[k, c, s], src_v)
        pltpu.sync_copy(dst_hbm.at[k, c, s], dst_v)

        def remap_row(r, carry):
            for j in range(CH // LANES):
                d = dst_v[r, pl.ds(j * LANES, LANES)] + shift
                dst_v[r, pl.ds(j * LANES, LANES)] = jnp.where(
                    d >= NACC, d - NACC, d)
            return carry

        lax.fori_loop(0, NCHUNK, remap_row, jnp.int32(0))
        if not barrier_done:
            plsc.subcore_barrier()
            barrier_done = True

        gather_start(0, rows_a, sem_a)

        def body(i, carry):
            g = 2 * i
            gather_start(g + 1, rows_b, sem_b)
            gather_wait(g, rows_a, sem_a)
            scatter_add(g, rows_a)
            gather_start(g + 2, rows_a, sem_a)
            gather_wait(g + 1, rows_b, sem_b)
            scatter_add(g + 1, rows_b)
            return carry

        lax.fori_loop(0, (NCHUNK - 1) // 2, body, jnp.int32(0))
        gather_wait(NCHUNK - 1, rows_a, sem_a)
        scatter_add(NCHUNK - 1, rows_a)

    plsc.subcore_barrier()
    pltpu.sync_copy(agg_s.at[pl.ds(s * RPT, RPT)],
                    out_hbm.at[c, pl.ds(s * RPT, RPT)])



def _mm_body(x_ref, w_ref, m_ref):
    m_ref[...] = jnp.dot(x_ref[...], w_ref[...],
                         preferred_element_type=jnp.float32)


_mm_call = pl.pallas_call(
    _mm_body,
    grid=(NBLK,),
    in_specs=[
        pl.BlockSpec((RB, H), lambda i: (i, 0)),
        pl.BlockSpec((H, H), lambda i: (0, 0)),
    ],
    out_specs=pl.BlockSpec((RB, H), lambda i: (i, 0)),
    out_shape=jax.ShapeDtypeStruct((N, H), jnp.float32),
)


def _gru(h, agg, wih_ref, whh_ref, bih_ref, bhh_ref):
    gi = lax.dot_general(agg, wih_ref[...], (((1,), (1,)), ((), ())),
                         preferred_element_type=jnp.float32) + bih_ref[...]
    gh = lax.dot_general(h, whh_ref[...], (((1,), (1,)), ((), ())),
                         preferred_element_type=jnp.float32) + bhh_ref[...]
    r = jax.nn.sigmoid(gi[:, :H] + gh[:, :H])
    z = jax.nn.sigmoid(gi[:, H:2 * H] + gh[:, H:2 * H])
    n = jnp.tanh(gi[:, 2 * H:] + r * gh[:, 2 * H:])
    return (1.0 - z) * n + z * h


_A0_SPEC = pl.BlockSpec((1, RB, H), lambda i: (0, i, 0))
_A1_SPEC = pl.BlockSpec((1, RB, H), lambda i: (1, (i + SHIFTB) % NBLK, 0))


def _gru_mid_body(h_ref, a0_ref, a1_ref,
                  wih_ref, whh_ref, bih_ref, bhh_ref,
                  wn_ref, h_out, m_out):
    agg = a0_ref[0] + a1_ref[0]
    h_new = _gru(h_ref[...], agg, wih_ref, whh_ref, bih_ref, bhh_ref)
    h_out[...] = h_new
    m_out[...] = jnp.dot(h_new, wn_ref[...], preferred_element_type=jnp.float32)


_gru_mid_call = pl.pallas_call(
    _gru_mid_body,
    grid=(NBLK,),
    in_specs=[
        pl.BlockSpec((RB, H), lambda i: (i, 0)),
        _A0_SPEC,
        _A1_SPEC,
        pl.BlockSpec((3 * H, H), lambda i: (0, 0)),
        pl.BlockSpec((3 * H, H), lambda i: (0, 0)),
        pl.BlockSpec((1, 3 * H), lambda i: (0, 0)),
        pl.BlockSpec((1, 3 * H), lambda i: (0, 0)),
        pl.BlockSpec((H, H), lambda i: (0, 0)),
    ],
    out_specs=[
        pl.BlockSpec((RB, H), lambda i: (i, 0)),
        pl.BlockSpec((RB, H), lambda i: (i, 0)),
    ],
    out_shape=[
        jax.ShapeDtypeStruct((N, H), jnp.float32),
        jax.ShapeDtypeStruct((N, H), jnp.float32),
    ],
)


def _final_body(h_ref, a0_ref, a1_ref,
                wih_ref, whh_ref, bih_ref, bhh_ref,
                lw_ref, lb_ref, gw_ref, gb_ref, batch_ref,
                o_ref, sums_ref, cnt_ref):
    i = pl.program_id(0)

    @pl.when(i == 0)
    def _():
        sums_ref[...] = jnp.zeros_like(sums_ref)
        cnt_ref[...] = jnp.zeros_like(cnt_ref)

    agg = a0_ref[0] + a1_ref[0]
    h_new = _gru(h_ref[...], agg, wih_ref, whh_ref, bih_ref, bhh_ref)
    local = jax.nn.relu(
        lax.dot_general(h_new, lw_ref[...], (((1,), (1,)), ((), ())),
                        preferred_element_type=jnp.float32) + lb_ref[...])

    b = batch_ref[0, 0, :]
    onehot = (b[:, None] == lax.broadcasted_iota(jnp.int32, (RB, G), 1)
              ).astype(jnp.float32)
    sums_ref[...] += lax.dot_general(onehot, local, (((0,), (0,)), ((), ())),
                                     preferred_element_type=jnp.float32)
    cnt_ref[...] += lax.dot_general(onehot, jnp.ones((RB, H), jnp.float32),
                                    (((0,), (0,)), ((), ())),
                                    preferred_element_type=jnp.float32)

    @pl.when(i == NBLK - 1)
    def _():
        pooled = sums_ref[...] / jnp.maximum(cnt_ref[...], 1.0)
        logits = lax.dot_general(pooled, gw_ref[...], (((1,), (1,)), ((), ())),
                                 preferred_element_type=jnp.float32) + gb_ref[...]
        mx = jnp.max(logits, axis=-1, keepdims=True)
        lse = jnp.log(jnp.sum(jnp.exp(logits - mx), axis=-1, keepdims=True))
        o_ref[...] = logits - mx - lse


_final_call = pl.pallas_call(
    _final_body,
    grid=(NBLK,),
    in_specs=[
        pl.BlockSpec((RB, H), lambda i: (i, 0)),
        _A0_SPEC,
        _A1_SPEC,
        pl.BlockSpec((3 * H, H), lambda i: (0, 0)),
        pl.BlockSpec((3 * H, H), lambda i: (0, 0)),
        pl.BlockSpec((1, 3 * H), lambda i: (0, 0)),
        pl.BlockSpec((1, 3 * H), lambda i: (0, 0)),
        pl.BlockSpec((H, H), lambda i: (0, 0)),
        pl.BlockSpec((1, H), lambda i: (0, 0)),
        pl.BlockSpec((C, H), lambda i: (0, 0)),
        pl.BlockSpec((1, C), lambda i: (0, 0)),
        pl.BlockSpec((1, 1, RB), lambda i: (i, 0, 0)),
    ],
    out_specs=pl.BlockSpec((G, C), lambda i: (0, 0)),
    out_shape=jax.ShapeDtypeStruct((G, C), jnp.float32),
    scratch_shapes=[
        pltpu.VMEM((G, H), jnp.float32),
        pltpu.VMEM((G, H), jnp.float32),
    ],
)



def kernel(x, edge_index, batch, weight, w_ih, w_hh, b_ih, b_hh,
           local_W, local_b, global_W, global_b):
    edge = edge_index.astype(jnp.int32)
    pad = EPAD - E
    src5 = jnp.concatenate(
        [edge[0], jnp.zeros((pad,), jnp.int32)]).reshape(
            NCALL, NC, NS, NCHUNK, CH)
    dst5 = jnp.concatenate(
        [edge[1], jnp.full((pad,), N, jnp.int32)]).reshape(
            NCALL, NC, NS, NCHUNK, CH)
    batch3 = jnp.concatenate(
        [batch.astype(jnp.int32),
         jnp.full((NBLK * RB - N,), G, jnp.int32)]).reshape(NBLK, 1, RB)
    zeros = jnp.zeros((RPT, H), jnp.float32)
    bih2 = b_ih.reshape(1, 3 * H)
    bhh2 = b_hh.reshape(1, 3 * H)
    lb2 = local_b.reshape(1, H)
    gb2 = global_b.reshape(1, C)

    h = x
    m = _mm_call(x, weight[0])
    for i in range(L):
        ap = _sc_segment_sum(m, src5, dst5, zeros)
        if i < L - 1:
            h, m = _gru_mid_call(h, ap, ap, w_ih, w_hh, bih2, bhh2,
                                 weight[i + 1])
        else:
            out = _final_call(h, ap, ap, w_ih, w_hh, bih2, bhh2,
                              local_W, lb2, global_W, gb2, batch3)
    return out

# --- scband reference (transcript-rebuilt; emitter-appended) ---
"""Pipeline reference for scband-ggnnwith-local-global-28621662060642 (READ-ONLY COPY).

The authoritative reference and input builder live on the scoring server;
editing this copy changes nothing except your own understanding.
"""

import jax, jax.numpy as jnp
import numpy as np

N = 10000
E = 320000
H = 128
C = 10
L = 3
G = 64

def setup_inputs(seed: int = 0) -> dict:
    key = jax.random.key(seed)
    ks = jax.random.split(key, 16)
    x = jax.random.normal(ks[0], (N, H), dtype=jnp.float32)
    edge_index = jax.random.randint(ks[1], (2, E), 0, N, dtype=jnp.int64)
    batch = jnp.sort(jax.random.randint(ks[2], (N,), 0, G, dtype=jnp.int64))
    weight = jax.random.normal(ks[3], (L, H, H), dtype=jnp.float32) * 0.05
    w_ih = jax.random.normal(ks[4], (3 * H, H), dtype=jnp.float32) * 0.05
    w_hh = jax.random.normal(ks[5], (3 * H, H), dtype=jnp.float32) * 0.05
    b_ih = jnp.zeros((3 * H,), dtype=jnp.float32)
    b_hh = jnp.zeros((3 * H,), dtype=jnp.float32)
    local_W = jax.random.normal(ks[6], (H, H), dtype=jnp.float32) * 0.05
    local_b = jnp.zeros((H,), dtype=jnp.float32)
    global_W = jax.random.normal(ks[7], (C, H), dtype=jnp.float32) * 0.05
    global_b = jnp.zeros((C,), dtype=jnp.float32)
    return {"x": x, "edge_index": edge_index, "batch": batch, "weight": weight,
            "w_ih": w_ih, "w_hh": w_hh, "b_ih": b_ih, "b_hh": b_hh,
            "local_W": local_W, "local_b": local_b, "global_W": global_W, "global_b": global_b}

def reference(x, edge_index, batch, weight, w_ih, w_hh, b_ih, b_hh, local_W, local_b, global_W, global_b):
    src = edge_index[0]
    dst = edge_index[1]
    h = x
    for i in range(L):
        m = h @ weight[i]
        agg = jax.ops.segment_sum(m[src], dst, num_segments=N)
        gi = agg @ w_ih.T + b_ih
        gh = h @ w_hh.T + b_hh
        i_r, i_z, i_n = jnp.split(gi, 3, axis=1)
        h_r, h_z, h_n = jnp.split(gh, 3, axis=1)
        r = jax.nn.sigmoid(i_r + h_r)
        z = jax.nn.sigmoid(i_z + h_z)
        n = jnp.tanh(i_n + r * h_n)
        h = (1.0 - z) * n + z * h
    local = jax.nn.relu(h @ local_W.T + local_b)
    sums = jax.ops.segment_sum(local, batch, num_segments=G)
    counts = jax.ops.segment_sum(jnp.ones((N, 1), dtype=jnp.float32), batch, num_segments=G)
    pooled = sums / jnp.maximum(counts, 1.0)
    out = pooled @ global_W.T + global_b
    return jax.nn.log_softmax(out, axis=-1)

if __name__ == "__main__":
    import jax
    _d = setup_inputs()
    print(jax.jit(kernel)(*tuple(_d.values())))

</pallas_src>

<mosaic_0001>
#map = affine_map<(d0, d1) -> (0, 0)>
#map1 = affine_map<(d0, d1) -> (0, 0, 0, 0, 0)>
#map2 = affine_map<(d0, d1) -> (0, 0, 0)>
module attributes {stable_mosaic.version = 14 : i64} {
  func.func @_sc_segment_sum(%arg0: i32, %arg1: i32, %arg2: memref<10000x128xf32, #tpu.memory_space<hbm>>, %arg3: memref<2x2x16x63x80xi32, #tpu.memory_space<hbm>>, %arg4: memref<2x2x16x63x80xi32, #tpu.memory_space<hbm>>, %arg5: memref<640x128xf32, #tpu.memory_space<hbm>>, %arg6: memref<2x10240x128xf32, #tpu.memory_space<hbm>>, %arg7: memref<63x80xi32, #tpu.memory_space<vmem>>, %arg8: memref<63x80xi32, #tpu.memory_space<vmem>>, %arg9: memref<80x128xf32, #tpu.memory_space<vmem>>, %arg10: memref<80x128xf32, #tpu.memory_space<vmem>>, %arg11: memref<10240x128xf32, #tpu.memory_space<vmem_shared>>, %arg12: memref<!tpu.dma_semaphore, #tpu.memory_space<semaphore_mem>>, %arg13: memref<!tpu.dma_semaphore, #tpu.memory_space<semaphore_mem>>) attributes {dimension_semantics = [#tpu.dimension_semantics<core_parallel>, #tpu.dimension_semantics<subcore_parallel>], iteration_bounds = array<i64: 2, 16>, scalar_prefetch = 0 : i64, scratch_operands = 7 : i64, tpu.core_type = #tpu.core_type<sc_vector_subcore>, window_params = [{transform_indices = #map}, {transform_indices = #map1}, {transform_indices = #map1}, {transform_indices = #map}, {transform_indices = #map2}]} {
    %mul3A = arith.constant 640 : i32
    %mul3A_0 = arith.muli %arg1, %mul3A : i32
    "tpu.region"() ({
      %run_scoped3A_62 = tpu.sem_alloc : memref<!tpu.dma_semaphore, #tpu.memory_space<semaphore_mem>>
      %dma_start3A_63 = arith.constant 0 : i32
      %dma_start3A_64 = tpu.memref_slice %arg11[%mul3A_0, %dma_start3A_63] : memref<10240x128xf32, #tpu.memory_space<vmem_shared>> -> memref<640x128xf32, #tpu.memory_space<vmem_shared>>
      tpu.enqueue_dma source(%arg5 : memref<640x128xf32, #tpu.memory_space<hbm>>) target(%dma_start3A_64 : memref<640x128xf32, #tpu.memory_space<vmem_shared>>) target_semaphore(%run_scoped3A_62 : memref<!tpu.dma_semaphore, #tpu.memory_space<semaphore_mem>>)
      %dma_wait3A_65 = arith.constant 0 : i32
      %dma_wait3A_66 = tpu.memref_slice %arg11[%mul3A_0, %dma_wait3A_65] : memref<10240x128xf32, #tpu.memory_space<vmem_shared>> -> memref<640x128xf32, #tpu.memory_space<vmem_shared>>
      tpu.wait_dma2 semaphore(%run_scoped3A_62 : memref<!tpu.dma_semaphore, #tpu.memory_space<semaphore_mem>>) src(%arg5 : memref<640x128xf32, #tpu.memory_space<hbm>>) dst(%dma_wait3A_66 : memref<640x128xf32, #tpu.memory_space<vmem_shared>>)
      tpu.yield
    }) : () -> ()
    %mul3A_1 = arith.constant 5120 : i32
    %mul3A_2 = arith.muli %arg0, %mul3A_1 : i32
    %run_scoped3A = arith.constant 0 : i32
    "tpu.region"() ({
      %run_scoped3A_62 = tpu.sem_alloc : memref<!tpu.dma_semaphore, #tpu.memory_space<semaphore_mem>>
      %dma_start3A_63 = arith.constant 0 : i32
      %dma_start3A_64 = arith.constant 0 : i32
      %dma_start3A_65 = tpu.memref_slice %arg3[%run_scoped3A, %arg0, %arg1, %dma_start3A_63, %dma_start3A_64] : memref<2x2x16x63x80xi32, #tpu.memory_space<hbm>> -> memref<1x1x1x63x80xi32, #tpu.memory_space<hbm>>
      %dma_start3A_66 = tpu.memref_squeeze %dma_start3A_65 : memref<1x1x1x63x80xi32, #tpu.memory_space<hbm>> -> memref<63x80xi32, #tpu.memory_space<hbm>>
      %dma_start3A_67 = arith.constant 0 : i32
      %dma_start3A_68 = arith.constant 0 : i32
      %dma_start3A_69 = tpu.memref_slice %arg3[%run_scoped3A, %arg0, %arg1, %dma_start3A_67, %dma_start3A_68] : memref<2x2x16x63x80xi32, #tpu.memory_space<hbm>> -> memref<1x1x1x63x80xi32, #tpu.memory_space<hbm>>
      %dma_start3A_70 = tpu.memref_squeeze %dma_start3A_69 : memref<1x1x1x63x80xi32, #tpu.memory_space<hbm>> -> memref<63x80xi32, #tpu.memory_space<hbm>>
      tpu.enqueue_dma source(%dma_start3A_70 : memref<63x80xi32, #tpu.memory_space<hbm>>) target(%arg7 : memref<63x80xi32, #tpu.memory_space<vmem>>) target_semaphore(%run_scoped3A_62 : memref<!tpu.dma_semaphore, #tpu.memory_space<semaphore_mem>>)
      %dma_wait3A_71 = arith.constant 0 : i32
      %dma_wait3A_72 = arith.constant 0 : i32
      %dma_wait3A_73 = tpu.memref_slice %arg3[%run_scoped3A, %arg0, %arg1, %dma_wait3A_71, %dma_wait3A_72] : memref<2x2x16x63x80xi32, #tpu.memory_space<hbm>> -> memref<1x1x1x63x80xi32, #tpu.memory_space<hbm>>
      %dma_wait3A_74 = tpu.memref_squeeze %dma_wait3A_73 : memref<1x1x1x63x80xi32, #tpu.memory_space<hbm>> -> memref<63x80xi32, #tpu.memory_space<hbm>>
      %dma_wait3A_75 = arith.constant 0 : i32
      %dma_wait3A_76 = arith.constant 0 : i32
      %dma_wait3A_77 = tpu.memref_slice %arg3[%run_scoped3A, %arg0, %arg1, %dma_wait3A_75, %dma_wait3A_76] : memref<2x2x16x63x80xi32, #tpu.memory_space<hbm>> -> memref<1x1x1x63x80xi32, #tpu.memory_space<hbm>>
      %dma_wait3A_78 = tpu.memref_squeeze %dma_wait3A_77 : memref<1x1x1x63x80xi32, #tpu.memory_space<hbm>> -> memref<63x80xi32, #tpu.memory_space<hbm>>
      tpu.wait_dma2 semaphore(%run_scoped3A_62 : memref<!tpu.dma_semaphore, #tpu.memory_space<semaphore_mem>>) src(%dma_wait3A_78 : memref<63x80xi32, #tpu.memory_space<hbm>>) dst(%arg7 : memref<63x80xi32, #tpu.memory_space<vmem>>)
      tpu.yield
    }) : () -> ()
    %run_scoped3A_3 = arith.constant 0 : i32
    "tpu.region"() ({
      %run_scoped3A_62 = tpu.sem_alloc : memref<!tpu.dma_semaphore, #tpu.memory_space<semaphore_mem>>
      %dma_start3A_63 = arith.constant 0 : i32
      %dma_start3A_64 = arith.constant 0 : i32
      %dma_start3A_65 = tpu.memref_slice %arg4[%run_scoped3A_3, %arg0, %arg1, %dma_start3A_63, %dma_start3A_64] : memref<2x2x16x63x80xi32, #tpu.memory_space<hbm>> -> memref<1x1x1x63x80xi32, #tpu.memory_space<hbm>>
      %dma_start3A_66 = tpu.memref_squeeze %dma_start3A_65 : memref<1x1x1x63x80xi32, #tpu.memory_space<hbm>> -> memref<63x80xi32, #tpu.memory_space<hbm>>
      %dma_start3A_67 = arith.constant 0 : i32
      %dma_start3A_68 = arith.constant 0 : i32
      %dma_start3A_69 = tpu.memref_slice %arg4[%run_scoped3A_3, %arg0, %arg1, %dma_start3A_67, %dma_start3A_68] : memref<2x2x16x63x80xi32, #tpu.memory_space<hbm>> -> memref<1x1x1x63x80xi32, #tpu.memory_space<hbm>>
      %dma_start3A_70 = tpu.memref_squeeze %dma_start3A_69 : memref<1x1x1x63x80xi32, #tpu.memory_space<hbm>> -> memref<63x80xi32, #tpu.memory_space<hbm>>
      tpu.enqueue_dma source(%dma_start3A_70 : memref<63x80xi32, #tpu.memory_space<hbm>>) target(%arg8 : memref<63x80xi32, #tpu.memory_space<vmem>>) target_semaphore(%run_scoped3A_62 : memref<!tpu.dma_semaphore, #tpu.memory_space<semaphore_mem>>)
      %dma_wait3A_71 = arith.constant 0 : i32
      %dma_wait3A_72 = arith.constant 0 : i32
      %dma_wait3A_73 = tpu.memref_slice %arg4[%run_scoped3A_3, %arg0, %arg1, %dma_wait3A_71, %dma_wait3A_72] : memref<2x2x16x63x80xi32, #tpu.memory_space<hbm>> -> memref<1x1x1x63x80xi32, #tpu.memory_space<hbm>>
      %dma_wait3A_74 = tpu.memref_squeeze %dma_wait3A_73 : memref<1x1x1x63x80xi32, #tpu.memory_space<hbm>> -> memref<63x80xi32, #tpu.memory_space<hbm>>
      %dma_wait3A_75 = arith.constant 0 : i32
      %dma_wait3A_76 = arith.constant 0 : i32
      %dma_wait3A_77 = tpu.memref_slice %arg4[%run_scoped3A_3, %arg0, %arg1, %dma_wait3A_75, %dma_wait3A_76] : memref<2x2x16x63x80xi32, #tpu.memory_space<hbm>> -> memref<1x1x1x63x80xi32, #tpu.memory_space<hbm>>
      %dma_wait3A_78 = tpu.memref_squeeze %dma_wait3A_77 : memref<1x1x1x63x80xi32, #tpu.memory_space<hbm>> -> memref<63x80xi32, #tpu.memory_space<hbm>>
      tpu.wait_dma2 semaphore(%run_scoped3A_62 : memref<!tpu.dma_semaphore, #tpu.memory_space<semaphore_mem>>) src(%dma_wait3A_78 : memref<63x80xi32, #tpu.memory_space<hbm>>) dst(%arg8 : memref<63x80xi32, #tpu.memory_space<vmem>>)
      tpu.yield
    }) : () -> ()
    %scan3A = arith.constant 0 : i32
    %scan3A_4 = arith.constant 0 : i32
    %scan3A_5 = arith.constant 63 : i32
    %scan3A_6 = arith.addi %scan3A_4, %scan3A_5 : i32
    %scan3A_7 = arith.constant 1 : i32
    scf.for %scan3A_62 = %scan3A_4 to %scan3A_6 step %scan3A_7  : i32 {
      %get3A = arith.index_cast %scan3A_62 : i32 to index
      %get3A_63 = arith.constant 0 : index
      %get3A_64 = tpu.vector_load %arg8[%get3A, %get3A_63] {strides = array<i32>} : memref<63x80xi32, #tpu.memory_space<vmem>>, vector<1x16xi32>,
      %get3A_65 = vector.shape_cast %get3A_64 : vector<1x16xi32> to vector<16xi32>
      %add3A = vector.broadcast %mul3A_2 : i32 to vector<16xi32>
      %add3A_66 = arith.addi %get3A_65, %add3A : vector<16xi32>
      %ge3A = arith.constant 10240 : i32
      %ge3A_67 = vector.broadcast %ge3A : i32 to vector<16xi32>
      %ge3A_68 = arith.cmpi sge, %add3A_66, %ge3A_67 : vector<16xi32>
      %sub3A = arith.constant 10240 : i32
      %sub3A_69 = vector.broadcast %sub3A : i32 to vector<16xi32>
      %sub3A_70 = arith.subi %add3A_66, %sub3A_69 : vector<16xi32>
      %select_n3A = arith.select %ge3A_68, %sub3A_70, %add3A_66 : vector<16xi1>, vector<16xi32>
      %swap3A = arith.index_cast %scan3A_62 : i32 to index
      %swap3A_71 = arith.constant 0 : index
      %swap3A_72 = tpu.vector_load %arg8[%swap3A, %swap3A_71] {strides = array<i32>} : memref<63x80xi32, #tpu.memory_space<vmem>>, vector<1x16xi32>,
      %swap3A_73 = vector.shape_cast %swap3A_72 : vector<1x16xi32> to vector<16xi32>
      %swap3A_74 = vector.shape_cast %select_n3A : vector<16xi32> to vector<1x16xi32>
      tpu.vector_store %arg8[%swap3A, %swap3A_71], %swap3A_74 {strides = array<i32>} : memref<63x80xi32, #tpu.memory_space<vmem>>, vector<1x16xi32>,
      %get3A_75 = arith.index_cast %scan3A_62 : i32 to index
      %get3A_76 = arith.constant 16 : index
      %get3A_77 = tpu.vector_load %arg8[%get3A_75, %get3A_76] {strides = array<i32>} : memref<63x80xi32, #tpu.memory_space<vmem>>, vector<1x16xi32>,
      %get3A_78 = vector.shape_cast %get3A_77 : vector<1x16xi32> to vector<16xi32>
      %add3A_79 = vector.broadcast %mul3A_2 : i32 to vector<16xi32>
      %add3A_80 = arith.addi %get3A_78, %add3A_79 : vector<16xi32>
      %ge3A_81 = arith.constant 10240 : i32
      %ge3A_82 = vector.broadcast %ge3A_81 : i32 to vector<16xi32>
      %ge3A_83 = arith.cmpi sge, %add3A_80, %ge3A_82 : vector<16xi32>
      %sub3A_84 = arith.constant 10240 : i32
      %sub3A_85 = vector.broadcast %sub3A_84 : i32 to vector<16xi32>
      %sub3A_86 = arith.subi %add3A_80, %sub3A_85 : vector<16xi32>
      %select_n3A_87 = arith.select %ge3A_83, %sub3A_86, %add3A_80 : vector<16xi1>, vector<16xi32>
      %swap3A_88 = arith.index_cast %scan3A_62 : i32 to index
      %swap3A_89 = arith.constant 16 : index
      %swap3A_90 = tpu.vector_load %arg8[%swap3A_88, %swap3A_89] {strides = array<i32>} : memref<63x80xi32, #tpu.memory_space<vmem>>, vector<1x16xi32>,
      %swap3A_91 = vector.shape_cast %swap3A_90 : vector<1x16xi32> to vector<16xi32>
      %swap3A_92 = vector.shape_cast %select_n3A_87 : vector<16xi32> to vector<1x16xi32>
      tpu.vector_store %arg8[%swap3A_88, %swap3A_89], %swap3A_92 {strides = array<i32>} : memref<63x80xi32, #tpu.memory_space<vmem>>, vector<1x16xi32>,
      %get3A_93 = arith.index_cast %scan3A_62 : i32 to index
      %get3A_94 = arith.constant 32 : index
      %get3A_95 = tpu.vector_load %arg8[%get3A_93, %get3A_94] {strides = array<i32>} : memref<63x80xi32, #tpu.memory_space<vmem>>, vector<1x16xi32>,
      %get3A_96 = vector.shape_cast %get3A_95 : vector<1x16xi32> to vector<16xi32>
      %add3A_97 = vector.broadcast %mul3A_2 : i32 to vector<16xi32>
      %add3A_98 = arith.addi %get3A_96, %add3A_97 : vector<16xi32>
      %ge3A_99 = arith.constant 10240 : i32
      %ge3A_100 = vector.broadcast %ge3A_99 : i32 to vector<16xi32>
      %ge3A_101 = arith.cmpi sge, %add3A_98, %ge3A_100 : vector<16xi32>
      %sub3A_102 = arith.constant 10240 : i32
      %sub3A_103 = vector.broadcast %sub3A_102 : i32 to vector<16xi32>
      %sub3A_104 = arith.subi %add3A_98, %sub3A_103 : vector<16xi32>
      %select_n3A_105 = arith.select %ge3A_101, %sub3A_104, %add3A_98 : vector<16xi1>, vector<16xi32>
      %swap3A_106 = arith.index_cast %scan3A_62 : i32 to index
      %swap3A_107 = arith.constant 32 : index
      %swap3A_108 = tpu.vector_load %arg8[%swap3A_106, %swap3A_107] {strides = array<i32>} : memref<63x80xi32, #tpu.memory_space<vmem>>, vector<1x16xi32>,
      %swap3A_109 = vector.shape_cast %swap3A_108 : vector<1x16xi32> to vector<16xi32>
      %swap3A_110 = vector.shape_cast %select_n3A_105 : vector<16xi32> to vector<1x16xi32>
      tpu.vector_store %arg8[%swap3A_106, %swap3A_107], %swap3A_110 {strides = array<i32>} : memref<63x80xi32, #tpu.memory_space<vmem>>, vector<1x16xi32>,
      %get3A_111 = arith.index_cast %scan3A_62 : i32 to index
      %get3A_112 = arith.constant 48 : index
      %get3A_113 = tpu.vector_load %arg8[%get3A_111, %get3A_112] {strides = array<i32>} : memref<63x80xi32, #tpu.memory_space<vmem>>, vector<1x16xi32>,
      %get3A_114 = vector.shape_cast %get3A_113 : vector<1x16xi32> to vector<16xi32>
      %add3A_115 = vector.broadcast %mul3A_2 : i32 to vector<16xi32>
      %add3A_116 = arith.addi %get3A_114, %add3A_115 : vector<16xi32>
      %ge3A_117 = arith.constant 10240 : i32
      %ge3A_118 = vector.broadcast %ge3A_117 : i32 to vector<16xi32>
      %ge3A_119 = arith.cmpi sge, %add3A_116, %ge3A_118 : vector<16xi32>
      %sub3A_120 = arith.constant 10240 : i32
      %sub3A_121 = vector.broadcast %sub3A_120 : i32 to vector<16xi32>
      %sub3A_122 = arith.subi %add3A_116, %sub3A_121 : vector<16xi32>
      %select_n3A_123 = arith.select %ge3A_119, %sub3A_122, %add3A_116 : vector<16xi1>, vector<16xi32>
      %swap3A_124 = arith.index_cast %scan3A_62 : i32 to index
      %swap3A_125 = arith.constant 48 : index
      %swap3A_126 = tpu.vector_load %arg8[%swap3A_124, %swap3A_125] {strides = array<i32>} : memref<63x80xi32, #tpu.memory_space<vmem>>, vector<1x16xi32>,
      %swap3A_127 = vector.shape_cast %swap3A_126 : vector<1x16xi32> to vector<16xi32>
      %swap3A_128 = vector.shape_cast %select_n3A_123 : vector<16xi32> to vector<1x16xi32>
      tpu.vector_store %arg8[%swap3A_124, %swap3A_125], %swap3A_128 {strides = array<i32>} : memref<63x80xi32, #tpu.memory_space<vmem>>, vector<1x16xi32>,
      %get3A_129 = arith.index_cast %scan3A_62 : i32 to index
      %get3A_130 = arith.constant 64 : index
      %get3A_131 = tpu.vector_load %arg8[%get3A_129, %get3A_130] {strides = array<i32>} : memref<63x80xi32, #tpu.memory_space<vmem>>, vector<1x16xi32>,
      %get3A_132 = vector.shape_cast %get3A_131 : vector<1x16xi32> to vector<16xi32>
      %add3A_133 = vector.broadcast %mul3A_2 : i32 to vector<16xi32>
      %add3A_134 = arith.addi %get3A_132, %add3A_133 : vector<16xi32>
      %ge3A_135 = arith.constant 10240 : i32
      %ge3A_136 = vector.broadcast %ge3A_135 : i32 to vector<16xi32>
      %ge3A_137 = arith.cmpi sge, %add3A_134, %ge3A_136 : vector<16xi32>
      %sub3A_138 = arith.constant 10240 : i32
      %sub3A_139 = vector.broadcast %sub3A_138 : i32 to vector<16xi32>
      %sub3A_140 = arith.subi %add3A_134, %sub3A_139 : vector<16xi32>
      %select_n3A_141 = arith.select %ge3A_137, %sub3A_140, %add3A_134 : vector<16xi1>, vector<16xi32>
      %swap3A_142 = arith.index_cast %scan3A_62 : i32 to index
      %swap3A_143 = arith.constant 64 : index
      %swap3A_144 = tpu.vector_load %arg8[%swap3A_142, %swap3A_143] {strides = array<i32>} : memref<63x80xi32, #tpu.memory_space<vmem>>, vector<1x16xi32>,
      %swap3A_145 = vector.shape_cast %swap3A_144 : vector<1x16xi32> to vector<16xi32>
      %swap3A_146 = vector.shape_cast %select_n3A_141 : vector<16xi32> to vector<1x16xi32>
      tpu.vector_store %arg8[%swap3A_142, %swap3A_143], %swap3A_146 {strides = array<i32>} : memref<63x80xi32, #tpu.memory_space<vmem>>, vector<1x16xi32>,
    }
    %scan3A_8 = arith.constant 63 : i32
    %barrier3A = arith.constant 0 : index
    tpu.barrier barrier_id(%barrier3A)
    %dma_start3A = arith.constant 0 : i32
    %dma_start3A_9 = arith.constant 0 : i32
    %dma_start3A_10 = tpu.memref_slice %arg7[%dma_start3A, %dma_start3A_9] : memref<63x80xi32, #tpu.memory_space<vmem>> -> memref<1x80xi32, #tpu.memory_space<vmem>>
    %dma_start3A_11 = tpu.memref_squeeze %dma_start3A_10 : memref<1x80xi32, #tpu.memory_space<vmem>> -> memref<80xi32, #tpu.memory_space<vmem>>
    %dma_start3A_12 = arith.constant 0 : i32
    %dma_start3A_13 = arith.constant 0 : i32
    %dma_start3A_14 = tpu.memref_slice %arg2[%dma_start3A_12, %dma_start3A_13] : memref<10000x128xf32, #tpu.memory_space<hbm>> -> memref<10000x128xf32, #tpu.memory_space<hbm>>
    tpu.enqueue_indirect_dma source(%dma_start3A_14 : memref<10000x128xf32, #tpu.memory_space<hbm>>) target(%arg9 : memref<80x128xf32, #tpu.memory_space<vmem>>) offsets(%dma_start3A_11 : memref<80xi32, #tpu.memory_space<vmem>>) semaphore(%arg12 : memref<!tpu.dma_semaphore, #tpu.memory_space<semaphore_mem>>)
    %scan3A_15 = arith.constant 0 : i32
    %scan3A_16 = arith.constant 0 : i32
    %scan3A_17 = arith.constant 31 : i32
    %scan3A_18 = arith.addi %scan3A_16, %scan3A_17 : i32
    %scan3A_19 = arith.constant 1 : i32
    scf.for %scan3A_62 = %scan3A_16 to %scan3A_18 step %scan3A_19  : i32 {
      %mul3A_63 = arith.constant 2 : i32
      %mul3A_64 = arith.muli %mul3A_63, %scan3A_62 : i32
      %add3A = arith.constant 1 : i32
      %add3A_65 = arith.addi %mul3A_64, %add3A : i32
      %dma_start3A_66 = arith.constant 0 : i32
      %dma_start3A_67 = tpu.memref_slice %arg7[%add3A_65, %dma_start3A_66] : memref<63x80xi32, #tpu.memory_space<vmem>> -> memref<1x80xi32, #tpu.memory_space<vmem>>
      %dma_start3A_68 = tpu.memref_squeeze %dma_start3A_67 : memref<1x80xi32, #tpu.memory_space<vmem>> -> memref<80xi32, #tpu.memory_space<vmem>>
      %dma_start3A_69 = arith.constant 0 : i32
      %dma_start3A_70 = arith.constant 0 : i32
      %dma_start3A_71 = tpu.memref_slice %arg2[%dma_start3A_69, %dma_start3A_70] : memref<10000x128xf32, #tpu.memory_space<hbm>> -> memref<10000x128xf32, #tpu.memory_space<hbm>>
      tpu.enqueue_indirect_dma source(%dma_start3A_71 : memref<10000x128xf32, #tpu.memory_space<hbm>>) target(%arg10 : memref<80x128xf32, #tpu.memory_space<vmem>>) offsets(%dma_start3A_68 : memref<80xi32, #tpu.memory_space<vmem>>) semaphore(%arg13 : memref<!tpu.dma_semaphore, #tpu.memory_space<semaphore_mem>>)
      %dma_wait3A_72 = arith.constant 0 : i32
      %dma_wait3A_73 = tpu.memref_slice %arg7[%mul3A_64, %dma_wait3A_72] : memref<63x80xi32, #tpu.memory_space<vmem>> -> memref<1x80xi32, #tpu.memory_space<vmem>>
      %dma_wait3A_74 = tpu.memref_squeeze %dma_wait3A_73 : memref<1x80xi32, #tpu.memory_space<vmem>> -> memref<80xi32, #tpu.memory_space<vmem>>
      %dma_wait3A_75 = arith.constant 0 : i32
      %dma_wait3A_76 = arith.constant 0 : i32
      %dma_wait3A_77 = tpu.memref_slice %arg2[%dma_wait3A_75, %dma_wait3A_76] : memref<10000x128xf32, #tpu.memory_space<hbm>> -> memref<10000x128xf32, #tpu.memory_space<hbm>>
      tpu.wait_indirect_dma semaphore(%arg12 : memref<!tpu.dma_semaphore, #tpu.memory_space<semaphore_mem>>) src(%dma_wait3A_77 : memref<10000x128xf32, #tpu.memory_space<hbm>>) dst(%arg9 : memref<80x128xf32, #tpu.memory_space<vmem>>)
      "tpu.region"() ({
        %run_scoped3A_96 = tpu.sem_alloc : memref<!tpu.dma_semaphore, #tpu.memory_space<semaphore_mem>>
        %dma_start3A_97 = arith.constant 0 : i32
        %dma_start3A_98 = tpu.memref_slice %arg8[%mul3A_64, %dma_start3A_97] : memref<63x80xi32, #tpu.memory_space<vmem>> -> memref<1x80xi32, #tpu.memory_space<vmem>>
        %dma_start3A_99 = tpu.memref_squeeze %dma_start3A_98 : memref<1x80xi32, #tpu.memory_space<vmem>> -> memref<80xi32, #tpu.memory_space<vmem>>
        %dma_start3A_100 = arith.constant 0 : i32
        %dma_start3A_101 = arith.constant 0 : i32
        %dma_start3A_102 = tpu.memref_slice %arg11[%dma_start3A_100, %dma_start3A_101] : memref<10240x128xf32, #tpu.memory_space<vmem_shared>> -> memref<10240x128xf32, #tpu.memory_space<vmem_shared>>
        tpu.enqueue_indirect_dma source(%arg9 : memref<80x128xf32, #tpu.memory_space<vmem>>) target(%dma_start3A_102 : memref<10240x128xf32, #tpu.memory_space<vmem_shared>>) offsets(%dma_start3A_99 : memref<80xi32, #tpu.memory_space<vmem>>) semaphore(%run_scoped3A_96 : memref<!tpu.dma_semaphore, #tpu.memory_space<semaphore_mem>>) {add = true}
        %dma_wait3A_103 = arith.constant 0 : i32
        %dma_wait3A_104 = tpu.memref_slice %arg8[%mul3A_64, %dma_wait3A_103] : memref<63x80xi32, #tpu.memory_space<vmem>> -> memref<1x80xi32, #tpu.memory_space<vmem>>
        %dma_wait3A_105 = tpu.memref_squeeze %dma_wait3A_104 : memref<1x80xi32, #tpu.memory_space<vmem>> -> memref<80xi32, #tpu.memory_space<vmem>>
        %dma_wait3A_106 = arith.constant 0 : i32
        %dma_wait3A_107 = arith.constant 0 : i32
        %dma_wait3A_108 = tpu.memref_slice %arg11[%dma_wait3A_106, %dma_wait3A_107] : memref<10240x128xf32, #tpu.memory_space<vmem_shared>> -> memref<10240x128xf32, #tpu.memory_space<vmem_shared>>
        tpu.wait_indirect_dma semaphore(%run_scoped3A_96 : memref<!tpu.dma_semaphore, #tpu.memory_space<semaphore_mem>>) src(%arg9 : memref<80x128xf32, #tpu.memory_space<vmem>>) dst(%dma_wait3A_108 : memref<10240x128xf32, #tpu.memory_space<vmem_shared>>)
        tpu.yield
      }) : () -> ()
      %add3A_78 = arith.constant 2 : i32
      %add3A_79 = arith.addi %mul3A_64, %add3A_78 : i32
      %dma_start3A_80 = arith.constant 0 : i32
      %dma_start3A_81 = tpu.memref_slice %arg7[%add3A_79, %dma_start3A_80] : memref<63x80xi32, #tpu.memory_space<vmem>> -> memref<1x80xi32, #tpu.memory_space<vmem>>
      %dma_start3A_82 = tpu.memref_squeeze %dma_start3A_81 : memref<1x80xi32, #tpu.memory_space<vmem>> -> memref<80xi32, #tpu.memory_space<vmem>>
      %dma_start3A_83 = arith.constant 0 : i32
      %dma_start3A_84 = arith.constant 0 : i32
      %dma_start3A_85 = tpu.memref_slice %arg2[%dma_start3A_83, %dma_start3A_84] : memref<10000x128xf32, #tpu.memory_space<hbm>> -> memref<10000x128xf32, #tpu.memory_space<hbm>>
      tpu.enqueue_indirect_dma source(%dma_start3A_85 : memref<10000x128xf32, #tpu.memory_space<hbm>>) target(%arg9 : memref<80x128xf32, #tpu.memory_space<vmem>>) offsets(%dma_start3A_82 : memref<80xi32, #tpu.memory_space<vmem>>) semaphore(%arg12 : memref<!tpu.dma_semaphore, #tpu.memory_space<semaphore_mem>>)
      %add3A_86 = arith.constant 1 : i32
      %add3A_87 = arith.addi %mul3A_64, %add3A_86 : i32
      %dma_wait3A_88 = arith.constant 0 : i32
      %dma_wait3A_89 = tpu.memref_slice %arg7[%add3A_87, %dma_wait3A_88] : memref<63x80xi32, #tpu.memory_space<vmem>> -> memref<1x80xi32, #tpu.memory_space<vmem>>
      %dma_wait3A_90 = tpu.memref_squeeze %dma_wait3A_89 : memref<1x80xi32, #tpu.memory_space<vmem>> -> memref<80xi32, #tpu.memory_space<vmem>>
      %dma_wait3A_91 = arith.constant 0 : i32
      %dma_wait3A_92 = arith.constant 0 : i32
      %dma_wait3A_93 = tpu.memref_slice %arg2[%dma_wait3A_91, %dma_wait3A_92] : memref<10000x128xf32, #tpu.memory_space<hbm>> -> memref<10000x128xf32, #tpu.memory_space<hbm>>
      tpu.wait_indirect_dma semaphore(%arg13 : memref<!tpu.dma_semaphore, #tpu.memory_space<semaphore_mem>>) src(%dma_wait3A_93 : memref<10000x128xf32, #tpu.memory_space<hbm>>) dst(%arg10 : memref<80x128xf32, #tpu.memory_space<vmem>>)
      %add3A_94 = arith.constant 1 : i32
      %add3A_95 = arith.addi %mul3A_64, %add3A_94 : i32
      "tpu.region"() ({
        %run_scoped3A_96 = tpu.sem_alloc : memref<!tpu.dma_semaphore, #tpu.memory_space<semaphore_mem>>
        %dma_start3A_97 = arith.constant 0 : i32
        %dma_start3A_98 = tpu.memref_slice %arg8[%add3A_95, %dma_start3A_97] : memref<63x80xi32, #tpu.memory_space<vmem>> -> memref<1x80xi32, #tpu.memory_space<vmem>>
        %dma_start3A_99 = tpu.memref_squeeze %dma_start3A_98 : memref<1x80xi32, #tpu.memory_space<vmem>> -> memref<80xi32, #tpu.memory_space<vmem>>
        %dma_start3A_100 = arith.constant 0 : i32
        %dma_start3A_101 = arith.constant 0 : i32
        %dma_start3A_102 = tpu.memref_slice %arg11[%dma_start3A_100, %dma_start3A_101] : memref<10240x128xf32, #tpu.memory_space<vmem_shared>> -> memref<10240x128xf32, #tpu.memory_space<vmem_shared>>
        tpu.enqueue_indirect_dma source(%arg10 : memref<80x128xf32, #tpu.memory_space<vmem>>) target(%dma_start3A_102 : memref<10240x128xf32, #tpu.memory_space<vmem_shared>>) offsets(%dma_start3A_99 : memref<80xi32, #tpu.memory_space<vmem>>) semaphore(%run_scoped3A_96 : memref<!tpu.dma_semaphore, #tpu.memory_space<semaphore_mem>>) {add = true}
        %dma_wait3A_103 = arith.constant 0 : i32
        %dma_wait3A_104 = tpu.memref_slice %arg8[%add3A_95, %dma_wait3A_103] : memref<63x80xi32, #tpu.memory_space<vmem>> -> memref<1x80xi32, #tpu.memory_space<vmem>>
        %dma_wait3A_105 = tpu.memref_squeeze %dma_wait3A_104 : memref<1x80xi32, #tpu.memory_space<vmem>> -> memref<80xi32, #tpu.memory_space<vmem>>
        %dma_wait3A_106 = arith.constant 0 : i32
        %dma_wait3A_107 = arith.constant 0 : i32
        %dma_wait3A_108 = tpu.memref_slice %arg11[%dma_wait3A_106, %dma_wait3A_107] : memref<10240x128xf32, #tpu.memory_space<vmem_shared>> -> memref<10240x128xf32, #tpu.memory_space<vmem_shared>>
        tpu.wait_indirect_dma semaphore(%run_scoped3A_96 : memref<!tpu.dma_semaphore, #tpu.memory_space<semaphore_mem>>) src(%arg10 : memref<80x128xf32, #tpu.memory_space<vmem>>) dst(%dma_wait3A_108 : memref<10240x128xf32, #tpu.memory_space<vmem_shared>>)
        tpu.yield
      }) : () -> ()
    }
    %scan3A_20 = arith.constant 31 : i32
    %dma_wait3A = arith.constant 62 : i32
    %dma_wait3A_21 = arith.constant 0 : i32
    %dma_wait3A_22 = tpu.memref_slice %arg7[%dma_wait3A, %dma_wait3A_21] : memref<63x80xi32, #tpu.memory_space<vmem>> -> memref<1x80xi32, #tpu.memory_space<vmem>>
    %dma_wait3A_23 = tpu.memref_squeeze %dma_wait3A_22 : memref<1x80xi32, #tpu.memory_space<vmem>> -> memref<80xi32, #tpu.memory_space<vmem>>
    %dma_wait3A_24 = arith.constant 0 : i32
    %dma_wait3A_25 = arith.constant 0 : i32
    %dma_wait3A_26 = tpu.memref_slice %arg2[%dma_wait3A_24, %dma_wait3A_25] : memref<10000x128xf32, #tpu.memory_space<hbm>> -> memref<10000x128xf32, #tpu.memory_space<hbm>>
    tpu.wait_indirect_dma semaphore(%arg12 : memref<!tpu.dma_semaphore, #tpu.memory_space<semaphore_mem>>) src(%dma_wait3A_26 : memref<10000x128xf32, #tpu.memory_space<hbm>>) dst(%arg9 : memref<80x128xf32, #tpu.memory_space<vmem>>)
    %run_scoped3A_27 = arith.constant 62 : i32
    "tpu.region"() ({
      %run_scoped3A_62 = tpu.sem_alloc : memref<!tpu.dma_semaphore, #tpu.memory_space<semaphore_mem>>
      %dma_start3A_63 = arith.constant 0 : i32
      %dma_start3A_64 = tpu.memref_slice %arg8[%run_scoped3A_27, %dma_start3A_63] : memref<63x80xi32, #tpu.memory_space<vmem>> -> memref<1x80xi32, #tpu.memory_space<vmem>>
      %dma_start3A_65 = tpu.memref_squeeze %dma_start3A_64 : memref<1x80xi32, #tpu.memory_space<vmem>> -> memref<80xi32, #tpu.memory_space<vmem>>
      %dma_start3A_66 = arith.constant 0 : i32
      %dma_start3A_67 = arith.constant 0 : i32
      %dma_start3A_68 = tpu.memref_slice %arg11[%dma_start3A_66, %dma_start3A_67] : memref<10240x128xf32, #tpu.memory_space<vmem_shared>> -> memref<10240x128xf32, #tpu.memory_space<vmem_shared>>
      tpu.enqueue_indirect_dma source(%arg9 : memref<80x128xf32, #tpu.memory_space<vmem>>) target(%dma_start3A_68 : memref<10240x128xf32, #tpu.memory_space<vmem_shared>>) offsets(%dma_start3A_65 : memref<80xi32, #tpu.memory_space<vmem>>) semaphore(%run_scoped3A_62 : memref<!tpu.dma_semaphore, #tpu.memory_space<semaphore_mem>>) {add = true}
      %dma_wait3A_69 = arith.constant 0 : i32
      %dma_wait3A_70 = tpu.memref_slice %arg8[%run_scoped3A_27, %dma_wait3A_69] : memref<63x80xi32, #tpu.memory_space<vmem>> -> memref<1x80xi32, #tpu.memory_space<vmem>>
      %dma_wait3A_71 = tpu.memref_squeeze %dma_wait3A_70 : memref<1x80xi32, #tpu.memory_space<vmem>> -> memref<80xi32, #tpu.memory_space<vmem>>
      %dma_wait3A_72 = arith.constant 0 : i32
      %dma_wait3A_73 = arith.constant 0 : i32
      %dma_wait3A_74 = tpu.memref_slice %arg11[%dma_wait3A_72, %dma_wait3A_73] : memref<10240x128xf32, #tpu.memory_space<vmem_shared>> -> memref<10240x128xf32, #tpu.memory_space<vmem_shared>>
      tpu.wait_indirect_dma semaphore(%run_scoped3A_62 : memref<!tpu.dma_semaphore, #tpu.memory_space<semaphore_mem>>) src(%arg9 : memref<80x128xf32, #tpu.memory_space<vmem>>) dst(%dma_wait3A_74 : memref<10240x128xf32, #tpu.memory_space<vmem_shared>>)
      tpu.yield
    }) : () -> ()
    %run_scoped3A_28 = arith.constant 1 : i32
    "tpu.region"() ({
      %run_scoped3A_62 = tpu.sem_alloc : memref<!tpu.dma_semaphore, #tpu.memory_space<semaphore_mem>>
      %dma_start3A_63 = arith.constant 0 : i32
      %dma_start3A_64 = arith.constant 0 : i32
      %dma_start3A_65 = tpu.memref_slice %arg3[%run_scoped3A_28, %arg0, %arg1, %dma_start3A_63, %dma_start3A_64] : memref<2x2x16x63x80xi32, #tpu.memory_space<hbm>> -> memref<1x1x1x63x80xi32, #tpu.memory_space<hbm>>
      %dma_start3A_66 = tpu.memref_squeeze %dma_start3A_65 : memref<1x1x1x63x80xi32, #tpu.memory_space<hbm>> -> memref<63x80xi32, #tpu.memory_space<hbm>>
      %dma_start3A_67 = arith.constant 0 : i32
      %dma_start3A_68 = arith.constant 0 : i32
      %dma_start3A_69 = tpu.memref_slice %arg3[%run_scoped3A_28, %arg0, %arg1, %dma_start3A_67, %dma_start3A_68] : memref<2x2x16x63x80xi32, #tpu.memory_space<hbm>> -> memref<1x1x1x63x80xi32, #tpu.memory_space<hbm>>
      %dma_start3A_70 = tpu.memref_squeeze %dma_start3A_69 : memref<1x1x1x63x80xi32, #tpu.memory_space<hbm>> -> memref<63x80xi32, #tpu.memory_space<hbm>>
      tpu.enqueue_dma source(%dma_start3A_70 : memref<63x80xi32, #tpu.memory_space<hbm>>) target(%arg7 : memref<63x80xi32, #tpu.memory_space<vmem>>) target_semaphore(%run_scoped3A_62 : memref<!tpu.dma_semaphore, #tpu.memory_space<semaphore_mem>>)
      %dma_wait3A_71 = arith.constant 0 : i32
      %dma_wait3A_72 = arith.constant 0 : i32
      %dma_wait3A_73 = tpu.memref_slice %arg3[%run_scoped3A_28, %arg0, %arg1, %dma_wait3A_71, %dma_wait3A_72] : memref<2x2x16x63x80xi32, #tpu.memory_space<hbm>> -> memref<1x1x1x63x80xi32, #tpu.memory_space<hbm>>
      %dma_wait3A_74 = tpu.memref_squeeze %dma_wait3A_73 : memref<1x1x1x63x80xi32, #tpu.memory_space<hbm>> -> memref<63x80xi32, #tpu.memory_space<hbm>>
      %dma_wait3A_75 = arith.constant 0 : i32
      %dma_wait3A_76 = arith.constant 0 : i32
      %dma_wait3A_77 = tpu.memref_slice %arg3[%run_scoped3A_28, %arg0, %arg1, %dma_wait3A_75, %dma_wait3A_76] : memref<2x2x16x63x80xi32, #tpu.memory_space<hbm>> -> memref<1x1x1x63x80xi32, #tpu.memory_space<hbm>>
      %dma_wait3A_78 = tpu.memref_squeeze %dma_wait3A_77 : memref<1x1x1x63x80xi32, #tpu.memory_space<hbm>> -> memref<63x80xi32, #tpu.memory_space<hbm>>
      tpu.wait_dma2 semaphore(%run_scoped3A_62 : memref<!tpu.dma_semaphore, #tpu.memory_space<semaphore_mem>>) src(%dma_wait3A_78 : memref<63x80xi32, #tpu.memory_space<hbm>>) dst(%arg7 : memref<63x80xi32, #tpu.memory_space<vmem>>)
      tpu.yield
    }) : () -> ()
    %run_scoped3A_29 = arith.constant 1 : i32
    "tpu.region"() ({
      %run_scoped3A_62 = tpu.sem_alloc : memref<!tpu.dma_semaphore, #tpu.memory_space<semaphore_mem>>
      %dma_start3A_63 = arith.constant 0 : i32
      %dma_start3A_64 = arith.constant 0 : i32
      %dma_start3A_65 = tpu.memref_slice %arg4[%run_scoped3A_29, %arg0, %arg1, %dma_start3A_63, %dma_start3A_64] : memref<2x2x16x63x80xi32, #tpu.memory_space<hbm>> -> memref<1x1x1x63x80xi32, #tpu.memory_space<hbm>>
      %dma_start3A_66 = tpu.memref_squeeze %dma_start3A_65 : memref<1x1x1x63x80xi32, #tpu.memory_space<hbm>> -> memref<63x80xi32, #tpu.memory_space<hbm>>
      %dma_start3A_67 = arith.constant 0 : i32
      %dma_start3A_68 = arith.constant 0 : i32
      %dma_start3A_69 = tpu.memref_slice %arg4[%run_scoped3A_29, %arg0, %arg1, %dma_start3A_67, %dma_start3A_68] : memref<2x2x16x63x80xi32, #tpu.memory_space<hbm>> -> memref<1x1x1x63x80xi32, #tpu.memory_space<hbm>>
      %dma_start3A_70 = tpu.memref_squeeze %dma_start3A_69 : memref<1x1x1x63x80xi32, #tpu.memory_space<hbm>> -> memref<63x80xi32, #tpu.memory_space<hbm>>
      tpu.enqueue_dma source(%dma_start3A_70 : memref<63x80xi32, #tpu.memory_space<hbm>>) target(%arg8 : memref<63x80xi32, #tpu.memory_space<vmem>>) target_semaphore(%run_scoped3A_62 : memref<!tpu.dma_semaphore, #tpu.memory_space<semaphore_mem>>)
      %dma_wait3A_71 = arith.constant 0 : i32
      %dma_wait3A_72 = arith.constant 0 : i32
      %dma_wait3A_73 = tpu.memref_slice %arg4[%run_scoped3A_29, %arg0, %arg1, %dma_wait3A_71, %dma_wait3A_72] : memref<2x2x16x63x80xi32, #tpu.memory_space<hbm>> -> memref<1x1x1x63x80xi32, #tpu.memory_space<hbm>>
      %dma_wait3A_74 = tpu.memref_squeeze %dma_wait3A_73 : memref<1x1x1x63x80xi32, #tpu.memory_space<hbm>> -> memref<63x80xi32, #tpu.memory_space<hbm>>
      %dma_wait3A_75 = arith.constant 0 : i32
      %dma_wait3A_76 = arith.constant 0 : i32
      %dma_wait3A_77 = tpu.memref_slice %arg4[%run_scoped3A_29, %arg0, %arg1, %dma_wait3A_75, %dma_wait3A_76] : memref<2x2x16x63x80xi32, #tpu.memory_space<hbm>> -> memref<1x1x1x63x80xi32, #tpu.memory_space<hbm>>
      %dma_wait3A_78 = tpu.memref_squeeze %dma_wait3A_77 : memref<1x1x1x63x80xi32, #tpu.memory_space<hbm>> -> memref<63x80xi32, #tpu.memory_space<hbm>>
      tpu.wait_dma2 semaphore(%run_scoped3A_62 : memref<!tpu.dma_semaphore, #tpu.memory_space<semaphore_mem>>) src(%dma_wait3A_78 : memref<63x80xi32, #tpu.memory_space<hbm>>) dst(%arg8 : memref<63x80xi32, #tpu.memory_space<vmem>>)
      tpu.yield
    }) : () -> ()
    %scan3A_30 = arith.constant 0 : i32
    %scan3A_31 = arith.constant 0 : i32
    %scan3A_32 = arith.constant 63 : i32
    %scan3A_33 = arith.addi %scan3A_31, %scan3A_32 : i32
    %scan3A_34 = arith.constant 1 : i32
    scf.for %scan3A_62 = %scan3A_31 to %scan3A_33 step %scan3A_34  : i32 {
      %get3A = arith.index_cast %scan3A_62 : i32 to index
      %get3A_63 = arith.constant 0 : index
      %get3A_64 = tpu.vector_load %arg8[%get3A, %get3A_63] {strides = array<i32>} : memref<63x80xi32, #tpu.memory_space<vmem>>, vector<1x16xi32>,
      %get3A_65 = vector.shape_cast %get3A_64 : vector<1x16xi32> to vector<16xi32>
      %add3A = vector.broadcast %mul3A_2 : i32 to vector<16xi32>
      %add3A_66 = arith.addi %get3A_65, %add3A : vector<16xi32>
      %ge3A = arith.constant 10240 : i32
      %ge3A_67 = vector.broadcast %ge3A : i32 to vector<16xi32>
      %ge3A_68 = arith.cmpi sge, %add3A_66, %ge3A_67 : vector<16xi32>
      %sub3A = arith.constant 10240 : i32
      %sub3A_69 = vector.broadcast %sub3A : i32 to vector<16xi32>
      %sub3A_70 = arith.subi %add3A_66, %sub3A_69 : vector<16xi32>
      %select_n3A = arith.select %ge3A_68, %sub3A_70, %add3A_66 : vector<16xi1>, vector<16xi32>
      %swap3A = arith.index_cast %scan3A_62 : i32 to index
      %swap3A_71 = arith.constant 0 : index
      %swap3A_72 = tpu.vector_load %arg8[%swap3A, %swap3A_71] {strides = array<i32>} : memref<63x80xi32, #tpu.memory_space<vmem>>, vector<1x16xi32>,
      %swap3A_73 = vector.shape_cast %swap3A_72 : vector<1x16xi32> to vector<16xi32>
      %swap3A_74 = vector.shape_cast %select_n3A : vector<16xi32> to vector<1x16xi32>
      tpu.vector_store %arg8[%swap3A, %swap3A_71], %swap3A_74 {strides = array<i32>} : memref<63x80xi32, #tpu.memory_space<vmem>>, vector<1x16xi32>,
      %get3A_75 = arith.index_cast %scan3A_62 : i32 to index
      %get3A_76 = arith.constant 16 : index
      %get3A_77 = tpu.vector_load %arg8[%get3A_75, %get3A_76] {strides = array<i32>} : memref<63x80xi32, #tpu.memory_space<vmem>>, vector<1x16xi32>,
      %get3A_78 = vector.shape_cast %get3A_77 : vector<1x16xi32> to vector<16xi32>
      %add3A_79 = vector.broadcast %mul3A_2 : i32 to vector<16xi32>
      %add3A_80 = arith.addi %get3A_78, %add3A_79 : vector<16xi32>
      %ge3A_81 = arith.constant 10240 : i32
      %ge3A_82 = vector.broadcast %ge3A_81 : i32 to vector<16xi32>
      %ge3A_83 = arith.cmpi sge, %add3A_80, %ge3A_82 : vector<16xi32>
      %sub3A_84 = arith.constant 10240 : i32
      %sub3A_85 = vector.broadcast %sub3A_84 : i32 to vector<16xi32>
      %sub3A_86 = arith.subi %add3A_80, %sub3A_85 : vector<16xi32>
      %select_n3A_87 = arith.select %ge3A_83, %sub3A_86, %add3A_80 : vector<16xi1>, vector<16xi32>
      %swap3A_88 = arith.index_cast %scan3A_62 : i32 to index
      %swap3A_89 = arith.constant 16 : index
      %swap3A_90 = tpu.vector_load %arg8[%swap3A_88, %swap3A_89] {strides = array<i32>} : memref<63x80xi32, #tpu.memory_space<vmem>>, vector<1x16xi32>,
      %swap3A_91 = vector.shape_cast %swap3A_90 : vector<1x16xi32> to vector<16xi32>
      %swap3A_92 = vector.shape_cast %select_n3A_87 : vector<16xi32> to vector<1x16xi32>
      tpu.vector_store %arg8[%swap3A_88, %swap3A_89], %swap3A_92 {strides = array<i32>} : memref<63x80xi32, #tpu.memory_space<vmem>>, vector<1x16xi32>,
      %get3A_93 = arith.index_cast %scan3A_62 : i32 to index
      %get3A_94 = arith.constant 32 : index
      %get3A_95 = tpu.vector_load %arg8[%get3A_93, %get3A_94] {strides = array<i32>} : memref<63x80xi32, #tpu.memory_space<vmem>>, vector<1x16xi32>,
      %get3A_96 = vector.shape_cast %get3A_95 : vector<1x16xi32> to vector<16xi32>
      %add3A_97 = vector.broadcast %mul3A_2 : i32 to vector<16xi32>
      %add3A_98 = arith.addi %get3A_96, %add3A_97 : vector<16xi32>
      %ge3A_99 = arith.constant 10240 : i32
      %ge3A_100 = vector.broadcast %ge3A_99 : i32 to vector<16xi32>
      %ge3A_101 = arith.cmpi sge, %add3A_98, %ge3A_100 : vector<16xi32>
      %sub3A_102 = arith.constant 10240 : i32
      %sub3A_103 = vector.broadcast %sub3A_102 : i32 to vector<16xi32>
      %sub3A_104 = arith.subi %add3A_98, %sub3A_103 : vector<16xi32>
      %select_n3A_105 = arith.select %ge3A_101, %sub3A_104, %add3A_98 : vector<16xi1>, vector<16xi32>
      %swap3A_106 = arith.index_cast %scan3A_62 : i32 to index
      %swap3A_107 = arith.constant 32 : index
      %swap3A_108 = tpu.vector_load %arg8[%swap3A_106, %swap3A_107] {strides = array<i32>} : memref<63x80xi32, #tpu.memory_space<vmem>>, vector<1x16xi32>,
      %swap3A_109 = vector.shape_cast %swap3A_108 : vector<1x16xi32> to vector<16xi32>
      %swap3A_110 = vector.shape_cast %select_n3A_105 : vector<16xi32> to vector<1x16xi32>
      tpu.vector_store %arg8[%swap3A_106, %swap3A_107], %swap3A_110 {strides = array<i32>} : memref<63x80xi32, #tpu.memory_space<vmem>>, vector<1x16xi32>,
      %get3A_111 = arith.index_cast %scan3A_62 : i32 to index
      %get3A_112 = arith.constant 48 : index
      %get3A_113 = tpu.vector_load %arg8[%get3A_111, %get3A_112] {strides = array<i32>} : memref<63x80xi32, #tpu.memory_space<vmem>>, vector<1x16xi32>,
      %get3A_114 = vector.shape_cast %get3A_113 : vector<1x16xi32> to vector<16xi32>
      %add3A_115 = vector.broadcast %mul3A_2 : i32 to vector<16xi32>
      %add3A_116 = arith.addi %get3A_114, %add3A_115 : vector<16xi32>
      %ge3A_117 = arith.constant 10240 : i32
      %ge3A_118 = vector.broadcast %ge3A_117 : i32 to vector<16xi32>
      %ge3A_119 = arith.cmpi sge, %add3A_116, %ge3A_118 : vector<16xi32>
      %sub3A_120 = arith.constant 10240 : i32
      %sub3A_121 = vector.broadcast %sub3A_120 : i32 to vector<16xi32>
      %sub3A_122 = arith.subi %add3A_116, %sub3A_121 : vector<16xi32>
      %select_n3A_123 = arith.select %ge3A_119, %sub3A_122, %add3A_116 : vector<16xi1>, vector<16xi32>
      %swap3A_124 = arith.index_cast %scan3A_62 : i32 to index
      %swap3A_125 = arith.constant 48 : index
      %swap3A_126 = tpu.vector_load %arg8[%swap3A_124, %swap3A_125] {strides = array<i32>} : memref<63x80xi32, #tpu.memory_space<vmem>>, vector<1x16xi32>,
      %swap3A_127 = vector.shape_cast %swap3A_126 : vector<1x16xi32> to vector<16xi32>
      %swap3A_128 = vector.shape_cast %select_n3A_123 : vector<16xi32> to vector<1x16xi32>
      tpu.vector_store %arg8[%swap3A_124, %swap3A_125], %swap3A_128 {strides = array<i32>} : memref<63x80xi32, #tpu.memory_space<vmem>>, vector<1x16xi32>,
      %get3A_129 = arith.index_cast %scan3A_62 : i32 to index
      %get3A_130 = arith.constant 64 : index
      %get3A_131 = tpu.vector_load %arg8[%get3A_129, %get3A_130] {strides = array<i32>} : memref<63x80xi32, #tpu.memory_space<vmem>>, vector<1x16xi32>,
      %get3A_132 = vector.shape_cast %get3A_131 : vector<1x16xi32> to vector<16xi32>
      %add3A_133 = vector.broadcast %mul3A_2 : i32 to vector<16xi32>
      %add3A_134 = arith.addi %get3A_132, %add3A_133 : vector<16xi32>
      %ge3A_135 = arith.constant 10240 : i32
      %ge3A_136 = vector.broadcast %ge3A_135 : i32 to vector<16xi32>
      %ge3A_137 = arith.cmpi sge, %add3A_134, %ge3A_136 : vector<16xi32>
      %sub3A_138 = arith.constant 10240 : i32
      %sub3A_139 = vector.broadcast %sub3A_138 : i32 to vector<16xi32>
      %sub3A_140 = arith.subi %add3A_134, %sub3A_139 : vector<16xi32>
      %select_n3A_141 = arith.select %ge3A_137, %sub3A_140, %add3A_134 : vector<16xi1>, vector<16xi32>
      %swap3A_142 = arith.index_cast %scan3A_62 : i32 to index
      %swap3A_143 = arith.constant 64 : index
      %swap3A_144 = tpu.vector_load %arg8[%swap3A_142, %swap3A_143] {strides = array<i32>} : memref<63x80xi32, #tpu.memory_space<vmem>>, vector<1x16xi32>,
      %swap3A_145 = vector.shape_cast %swap3A_144 : vector<1x16xi32> to vector<16xi32>
      %swap3A_146 = vector.shape_cast %select_n3A_141 : vector<16xi32> to vector<1x16xi32>
      tpu.vector_store %arg8[%swap3A_142, %swap3A_143], %swap3A_146 {strides = array<i32>} : memref<63x80xi32, #tpu.memory_space<vmem>>, vector<1x16xi32>,
    }
    %scan3A_35 = arith.constant 63 : i32
    %dma_start3A_36 = arith.constant 0 : i32
    %dma_start3A_37 = arith.constant 0 : i32
    %dma_start3A_38 = tpu.memref_slice %arg7[%dma_start3A_36, %dma_start3A_37] : memref<63x80xi32, #tpu.memory_space<vmem>> -> memref<1x80xi32, #tpu.memory_space<vmem>>
    %dma_start3A_39 = tpu.memref_squeeze %dma_start3A_38 : memref<1x80xi32, #tpu.memory_space<vmem>> -> memref<80xi32, #tpu.memory_space<vmem>>
    %dma_start3A_40 = arith.constant 0 : i32
    %dma_start3A_41 = arith.constant 0 : i32
    %dma_start3A_42 = tpu.memref_slice %arg2[%dma_start3A_40, %dma_start3A_41] : memref<10000x128xf32, #tpu.memory_space<hbm>> -> memref<10000x128xf32, #tpu.memory_space<hbm>>
    tpu.enqueue_indirect_dma source(%dma_start3A_42 : memref<10000x128xf32, #tpu.memory_space<hbm>>) target(%arg9 : memref<80x128xf32, #tpu.memory_space<vmem>>) offsets(%dma_start3A_39 : memref<80xi32, #tpu.memory_space<vmem>>) semaphore(%arg12 : memref<!tpu.dma_semaphore, #tpu.memory_space<semaphore_mem>>)
    %scan3A_43 = arith.constant 0 : i32
    %scan3A_44 = arith.constant 0 : i32
    %scan3A_45 = arith.constant 31 : i32
    %scan3A_46 = arith.addi %scan3A_44, %scan3A_45 : i32
    %scan3A_47 = arith.constant 1 : i32
    scf.for %scan3A_62 = %scan3A_44 to %scan3A_46 step %scan3A_47  : i32 {
      %mul3A_63 = arith.constant 2 : i32
      %mul3A_64 = arith.muli %mul3A_63, %scan3A_62 : i32
      %add3A = arith.constant 1 : i32
      %add3A_65 = arith.addi %mul3A_64, %add3A : i32
      %dma_start3A_66 = arith.constant 0 : i32
      %dma_start3A_67 = tpu.memref_slice %arg7[%add3A_65, %dma_start3A_66] : memref<63x80xi32, #tpu.memory_space<vmem>> -> memref<1x80xi32, #tpu.memory_space<vmem>>
      %dma_start3A_68 = tpu.memref_squeeze %dma_start3A_67 : memref<1x80xi32, #tpu.memory_space<vmem>> -> memref<80xi32, #tpu.memory_space<vmem>>
      %dma_start3A_69 = arith.constant 0 : i32
      %dma_start3A_70 = arith.constant 0 : i32
      %dma_start3A_71 = tpu.memref_slice %arg2[%dma_start3A_69, %dma_start3A_70] : memref<10000x128xf32, #tpu.memory_space<hbm>> -> memref<10000x128xf32, #tpu.memory_space<hbm>>
      tpu.enqueue_indirect_dma source(%dma_start3A_71 : memref<10000x128xf32, #tpu.memory_space<hbm>>) target(%arg10 : memref<80x128xf32, #tpu.memory_space<vmem>>) offsets(%dma_start3A_68 : memref<80xi32, #tpu.memory_space<vmem>>) semaphore(%arg13 : memref<!tpu.dma_semaphore, #tpu.memory_space<semaphore_mem>>)
      %dma_wait3A_72 = arith.constant 0 : i32
      %dma_wait3A_73 = tpu.memref_slice %arg7[%mul3A_64, %dma_wait3A_72] : memref<63x80xi32, #tpu.memory_space<vmem>> -> memref<1x80xi32, #tpu.memory_space<vmem>>
      %dma_wait3A_74 = tpu.memref_squeeze %dma_wait3A_73 : memref<1x80xi32, #tpu.memory_space<vmem>> -> memref<80xi32, #tpu.memory_space<vmem>>
      %dma_wait3A_75 = arith.constant 0 : i32
      %dma_wait3A_76 = arith.constant 0 : i32
      %dma_wait3A_77 = tpu.memref_slice %arg2[%dma_wait3A_75, %dma_wait3A_76] : memref<10000x128xf32, #tpu.memory_space<hbm>> -> memref<10000x128xf32, #tpu.memory_space<hbm>>
      tpu.wait_indirect_dma semaphore(%arg12 : memref<!tpu.dma_semaphore, #tpu.memory_space<semaphore_mem>>) src(%dma_wait3A_77 : memref<10000x128xf32, #tpu.memory_space<hbm>>) dst(%arg9 : memref<80x128xf32, #tpu.memory_space<vmem>>)
      "tpu.region"() ({
        %run_scoped3A_96 = tpu.sem_alloc : memref<!tpu.dma_semaphore, #tpu.memory_space<semaphore_mem>>
        %dma_start3A_97 = arith.constant 0 : i32
        %dma_start3A_98 = tpu.memref_slice %arg8[%mul3A_64, %dma_start3A_97] : memref<63x80xi32, #tpu.memory_space<vmem>> -> memref<1x80xi32, #tpu.memory_space<vmem>>
        %dma_start3A_99 = tpu.memref_squeeze %dma_start3A_98 : memref<1x80xi32, #tpu.memory_space<vmem>> -> memref<80xi32, #tpu.memory_space<vmem>>
        %dma_start3A_100 = arith.constant 0 : i32
        %dma_start3A_101 = arith.constant 0 : i32
        %dma_start3A_102 = tpu.memref_slice %arg11[%dma_start3A_100, %dma_start3A_101] : memref<10240x128xf32, #tpu.memory_space<vmem_shared>> -> memref<10240x128xf32, #tpu.memory_space<vmem_shared>>
        tpu.enqueue_indirect_dma source(%arg9 : memref<80x128xf32, #tpu.memory_space<vmem>>) target(%dma_start3A_102 : memref<10240x128xf32, #tpu.memory_space<vmem_shared>>) offsets(%dma_start3A_99 : memref<80xi32, #tpu.memory_space<vmem>>) semaphore(%run_scoped3A_96 : memref<!tpu.dma_semaphore, #tpu.memory_space<semaphore_mem>>) {add = true}
        %dma_wait3A_103 = arith.constant 0 : i32
        %dma_wait3A_104 = tpu.memref_slice %arg8[%mul3A_64, %dma_wait3A_103] : memref<63x80xi32, #tpu.memory_space<vmem>> -> memref<1x80xi32, #tpu.memory_space<vmem>>
        %dma_wait3A_105 = tpu.memref_squeeze %dma_wait3A_104 : memref<1x80xi32, #tpu.memory_space<vmem>> -> memref<80xi32, #tpu.memory_space<vmem>>
        %dma_wait3A_106 = arith.constant 0 : i32
        %dma_wait3A_107 = arith.constant 0 : i32
        %dma_wait3A_108 = tpu.memref_slice %arg11[%dma_wait3A_106, %dma_wait3A_107] : memref<10240x128xf32, #tpu.memory_space<vmem_shared>> -> memref<10240x128xf32, #tpu.memory_space<vmem_shared>>
        tpu.wait_indirect_dma semaphore(%run_scoped3A_96 : memref<!tpu.dma_semaphore, #tpu.memory_space<semaphore_mem>>) src(%arg9 : memref<80x128xf32, #tpu.memory_space<vmem>>) dst(%dma_wait3A_108 : memref<10240x128xf32, #tpu.memory_space<vmem_shared>>)
        tpu.yield
      }) : () -> ()
      %add3A_78 = arith.constant 2 : i32
      %add3A_79 = arith.addi %mul3A_64, %add3A_78 : i32
      %dma_start3A_80 = arith.constant 0 : i32
      %dma_start3A_81 = tpu.memref_slice %arg7[%add3A_79, %dma_start3A_80] : memref<63x80xi32, #tpu.memory_space<vmem>> -> memref<1x80xi32, #tpu.memory_space<vmem>>
      %dma_start3A_82 = tpu.memref_squeeze %dma_start3A_81 : memref<1x80xi32, #tpu.memory_space<vmem>> -> memref<80xi32, #tpu.memory_space<vmem>>
      %dma_start3A_83 = arith.constant 0 : i32
      %dma_start3A_84 = arith.constant 0 : i32
      %dma_start3A_85 = tpu.memref_slice %arg2[%dma_start3A_83, %dma_start3A_84] : memref<10000x128xf32, #tpu.memory_space<hbm>> -> memref<10000x128xf32, #tpu.memory_space<hbm>>
      tpu.enqueue_indirect_dma source(%dma_start3A_85 : memref<10000x128xf32, #tpu.memory_space<hbm>>) target(%arg9 : memref<80x128xf32, #tpu.memory_space<vmem>>) offsets(%dma_start3A_82 : memref<80xi32, #tpu.memory_space<vmem>>) semaphore(%arg12 : memref<!tpu.dma_semaphore, #tpu.memory_space<semaphore_mem>>)
      %add3A_86 = arith.constant 1 : i32
      %add3A_87 = arith.addi %mul3A_64, %add3A_86 : i32
      %dma_wait3A_88 = arith.constant 0 : i32
      %dma_wait3A_89 = tpu.memref_slice %arg7[%add3A_87, %dma_wait3A_88] : memref<63x80xi32, #tpu.memory_space<vmem>> -> memref<1x80xi32, #tpu.memory_space<vmem>>
      %dma_wait3A_90 = tpu.memref_squeeze %dma_wait3A_89 : memref<1x80xi32, #tpu.memory_space<vmem>> -> memref<80xi32, #tpu.memory_space<vmem>>
      %dma_wait3A_91 = arith.constant 0 : i32
      %dma_wait3A_92 = arith.constant 0 : i32
      %dma_wait3A_93 = tpu.memref_slice %arg2[%dma_wait3A_91, %dma_wait3A_92] : memref<10000x128xf32, #tpu.memory_space<hbm>> -> memref<10000x128xf32, #tpu.memory_space<hbm>>
      tpu.wait_indirect_dma semaphore(%arg13 : memref<!tpu.dma_semaphore, #tpu.memory_space<semaphore_mem>>) src(%dma_wait3A_93 : memref<10000x128xf32, #tpu.memory_space<hbm>>) dst(%arg10 : memref<80x128xf32, #tpu.memory_space<vmem>>)
      %add3A_94 = arith.constant 1 : i32
      %add3A_95 = arith.addi %mul3A_64, %add3A_94 : i32
      "tpu.region"() ({
        %run_scoped3A_96 = tpu.sem_alloc : memref<!tpu.dma_semaphore, #tpu.memory_space<semaphore_mem>>
        %dma_start3A_97 = arith.constant 0 : i32
        %dma_start3A_98 = tpu.memref_slice %arg8[%add3A_95, %dma_start3A_97] : memref<63x80xi32, #tpu.memory_space<vmem>> -> memref<1x80xi32, #tpu.memory_space<vmem>>
        %dma_start3A_99 = tpu.memref_squeeze %dma_start3A_98 : memref<1x80xi32, #tpu.memory_space<vmem>> -> memref<80xi32, #tpu.memory_space<vmem>>
        %dma_start3A_100 = arith.constant 0 : i32
        %dma_start3A_101 = arith.constant 0 : i32
        %dma_start3A_102 = tpu.memref_slice %arg11[%dma_start3A_100, %dma_start3A_101] : memref<10240x128xf32, #tpu.memory_space<vmem_shared>> -> memref<10240x128xf32, #tpu.memory_space<vmem_shared>>
        tpu.enqueue_indirect_dma source(%arg10 : memref<80x128xf32, #tpu.memory_space<vmem>>) target(%dma_start3A_102 : memref<10240x128xf32, #tpu.memory_space<vmem_shared>>) offsets(%dma_start3A_99 : memref<80xi32, #tpu.memory_space<vmem>>) semaphore(%run_scoped3A_96 : memref<!tpu.dma_semaphore, #tpu.memory_space<semaphore_mem>>) {add = true}
        %dma_wait3A_103 = arith.constant 0 : i32
        %dma_wait3A_104 = tpu.memref_slice %arg8[%add3A_95, %dma_wait3A_103] : memref<63x80xi32, #tpu.memory_space<vmem>> -> memref<1x80xi32, #tpu.memory_space<vmem>>
        %dma_wait3A_105 = tpu.memref_squeeze %dma_wait3A_104 : memref<1x80xi32, #tpu.memory_space<vmem>> -> memref<80xi32, #tpu.memory_space<vmem>>
        %dma_wait3A_106 = arith.constant 0 : i32
        %dma_wait3A_107 = arith.constant 0 : i32
        %dma_wait3A_108 = tpu.memref_slice %arg11[%dma_wait3A_106, %dma_wait3A_107] : memref<10240x128xf32, #tpu.memory_space<vmem_shared>> -> memref<10240x128xf32, #tpu.memory_space<vmem_shared>>
        tpu.wait_indirect_dma semaphore(%run_scoped3A_96 : memref<!tpu.dma_semaphore, #tpu.memory_space<semaphore_mem>>) src(%arg10 : memref<80x128xf32, #tpu.memory_space<vmem>>) dst(%dma_wait3A_108 : memref<10240x128xf32, #tpu.memory_space<vmem_shared>>)
        tpu.yield
      }) : () -> ()
    }
    %scan3A_48 = arith.constant 31 : i32
    %dma_wait3A_49 = arith.constant 62 : i32
    %dma_wait3A_50 = arith.constant 0 : i32
    %dma_wait3A_51 = tpu.memref_slice %arg7[%dma_wait3A_49, %dma_wait3A_50] : memref<63x80xi32, #tpu.memory_space<vmem>> -> memref<1x80xi32, #tpu.memory_space<vmem>>
    %dma_wait3A_52 = tpu.memref_squeeze %dma_wait3A_51 : memref<1x80xi32, #tpu.memory_space<vmem>> -> memref<80xi32, #tpu.memory_space<vmem>>
    %dma_wait3A_53 = arith.constant 0 : i32
    %dma_wait3A_54 = arith.constant 0 : i32
    %dma_wait3A_55 = tpu.memref_slice %arg2[%dma_wait3A_53, %dma_wait3A_54] : memref<10000x128xf32, #tpu.memory_space<hbm>> -> memref<10000x128xf32, #tpu.memory_space<hbm>>
    tpu.wait_indirect_dma semaphore(%arg12 : memref<!tpu.dma_semaphore, #tpu.memory_space<semaphore_mem>>) src(%dma_wait3A_55 : memref<10000x128xf32, #tpu.memory_space<hbm>>) dst(%arg9 : memref<80x128xf32, #tpu.memory_space<vmem>>)
    %run_scoped3A_56 = arith.constant 62 : i32
    "tpu.region"() ({
      %run_scoped3A_62 = tpu.sem_alloc : memref<!tpu.dma_semaphore, #tpu.memory_space<semaphore_mem>>
      %dma_start3A_63 = arith.constant 0 : i32
      %dma_start3A_64 = tpu.memref_slice %arg8[%run_scoped3A_56, %dma_start3A_63] : memref<63x80xi32, #tpu.memory_space<vmem>> -> memref<1x80xi32, #tpu.memory_space<vmem>>
      %dma_start3A_65 = tpu.memref_squeeze %dma_start3A_64 : memref<1x80xi32, #tpu.memory_space<vmem>> -> memref<80xi32, #tpu.memory_space<vmem>>
      %dma_start3A_66 = arith.constant 0 : i32
      %dma_start3A_67 = arith.constant 0 : i32
      %dma_start3A_68 = tpu.memref_slice %arg11[%dma_start3A_66, %dma_start3A_67] : memref<10240x128xf32, #tpu.memory_space<vmem_shared>> -> memref<10240x128xf32, #tpu.memory_space<vmem_shared>>
      tpu.enqueue_indirect_dma source(%arg9 : memref<80x128xf32, #tpu.memory_space<vmem>>) target(%dma_start3A_68 : memref<10240x128xf32, #tpu.memory_space<vmem_shared>>) offsets(%dma_start3A_65 : memref<80xi32, #tpu.memory_space<vmem>>) semaphore(%run_scoped3A_62 : memref<!tpu.dma_semaphore, #tpu.memory_space<semaphore_mem>>) {add = true}
      %dma_wait3A_69 = arith.constant 0 : i32
      %dma_wait3A_70 = tpu.memref_slice %arg8[%run_scoped3A_56, %dma_wait3A_69] : memref<63x80xi32, #tpu.memory_space<vmem>> -> memref<1x80xi32, #tpu.memory_space<vmem>>
      %dma_wait3A_71 = tpu.memref_squeeze %dma_wait3A_70 : memref<1x80xi32, #tpu.memory_space<vmem>> -> memref<80xi32, #tpu.memory_space<vmem>>
      %dma_wait3A_72 = arith.constant 0 : i32
      %dma_wait3A_73 = arith.constant 0 : i32
      %dma_wait3A_74 = tpu.memref_slice %arg11[%dma_wait3A_72, %dma_wait3A_73] : memref<10240x128xf32, #tpu.memory_space<vmem_shared>> -> memref<10240x128xf32, #tpu.memory_space<vmem_shared>>
      tpu.wait_indirect_dma semaphore(%run_scoped3A_62 : memref<!tpu.dma_semaphore, #tpu.memory_space<semaphore_mem>>) src(%arg9 : memref<80x128xf32, #tpu.memory_space<vmem>>) dst(%dma_wait3A_74 : memref<10240x128xf32, #tpu.memory_space<vmem_shared>>)
      tpu.yield
    }) : () -> ()
    %barrier3A_57 = arith.constant 0 : index
    tpu.barrier barrier_id(%barrier3A_57)
    %mul3A_58 = arith.constant 640 : i32
    %mul3A_59 = arith.muli %arg1, %mul3A_58 : i32
    %mul3A_60 = arith.constant 640 : i32
    %mul3A_61 = arith.muli %arg1, %mul3A_60 : i32
    "tpu.region"() ({
      %run_scoped3A_62 = tpu.sem_alloc : memref<!tpu.dma_semaphore, #tpu.memory_space<semaphore_mem>>
      %dma_start3A_63 = arith.constant 0 : i32
      %dma_start3A_64 = tpu.memref_slice %arg6[%arg0, %mul3A_61, %dma_start3A_63] : memref<2x10240x128xf32, #tpu.memory_space<hbm>> -> memref<1x640x128xf32, #tpu.memory_space<hbm>>
      %dma_start3A_65 = tpu.memref_squeeze %dma_start3A_64 : memref<1x640x128xf32, #tpu.memory_space<hbm>> -> memref<640x128xf32, #tpu.memory_space<hbm>>
      %dma_start3A_66 = arith.constant 0 : i32
      %dma_start3A_67 = tpu.memref_slice %arg11[%mul3A_59, %dma_start3A_66] : memref<10240x128xf32, #tpu.memory_space<vmem_shared>> -> memref<640x128xf32, #tpu.memory_space<vmem_shared>>
      tpu.enqueue_dma source(%dma_start3A_67 : memref<640x128xf32, #tpu.memory_space<vmem_shared>>) target(%dma_start3A_65 : memref<640x128xf32, #tpu.memory_space<hbm>>) target_semaphore(%run_scoped3A_62 : memref<!tpu.dma_semaphore, #tpu.memory_space<semaphore_mem>>)
      %dma_wait3A_68 = arith.constant 0 : i32
      %dma_wait3A_69 = tpu.memref_slice %arg6[%arg0, %mul3A_61, %dma_wait3A_68] : memref<2x10240x128xf32, #tpu.memory_space<hbm>> -> memref<1x640x128xf32, #tpu.memory_space<hbm>>
      %dma_wait3A_70 = tpu.memref_squeeze %dma_wait3A_69 : memref<1x640x128xf32, #tpu.memory_space<hbm>> -> memref<640x128xf32, #tpu.memory_space<hbm>>
      %dma_wait3A_71 = arith.constant 0 : i32
      %dma_wait3A_72 = tpu.memref_slice %arg11[%mul3A_59, %dma_wait3A_71] : memref<10240x128xf32, #tpu.memory_space<vmem_shared>> -> memref<640x128xf32, #tpu.memory_space<vmem_shared>>
      tpu.wait_dma2 semaphore(%run_scoped3A_62 : memref<!tpu.dma_semaphore, #tpu.memory_space<semaphore_mem>>) src(%dma_wait3A_72 : memref<640x128xf32, #tpu.memory_space<vmem_shared>>) dst(%dma_wait3A_70 : memref<640x128xf32, #tpu.memory_space<hbm>>)
      tpu.yield
    }) : () -> ()
    return
  }
}

#map = affine_map<(d0, d1) -> (0, 0)>
#map1 = affine_map<(d0, d1) -> (0, 0, 0, 0, 0)>
#map2 = affine_map<(d0, d1) -> (0, 0, 0)>
module attributes {stable_mosaic.version = 14 : i64} {
  func.func @_sc_segment_sum(%arg0: i32, %arg1: i32, %arg2: memref<10000x128xf32, #tpu.memory_space<hbm>>, %arg3: memref<2x2x16x63x80xi32, #tpu.memory_space<hbm>>, %arg4: memref<2x2x16x63x80xi32, #tpu.memory_space<hbm>>, %arg5: memref<640x128xf32, #tpu.memory_space<hbm>>, %arg6: memref<2x10240x128xf32, #tpu.memory_space<hbm>>, %arg7: memref<63x80xi32, #tpu.memory_space<vmem>>, %arg8: memref<63x80xi32, #tpu.memory_space<vmem>>, %arg9: memref<80x128xf32, #tpu.memory_space<vmem>>, %arg10: memref<80x128xf32, #tpu.memory_space<vmem>>, %arg11: memref<10240x128xf32, #tpu.memory_space<vmem_shared>>, %arg12: memref<!tpu.dma_semaphore, #tpu.memory_space<semaphore_mem>>, %arg13: memref<!tpu.dma_semaphore, #tpu.memory_space<semaphore_mem>>) attributes {dimension_semantics = [#tpu.dimension_semantics<core_parallel>, #tpu.dimension_semantics<subcore_parallel>], iteration_bounds = array<i64: 2, 16>, scalar_prefetch = 0 : i64, scratch_operands = 7 : i64, tpu.core_type = #tpu.core_type<sc_vector_subcore>, window_params = [{transform_indices = #map}, {transform_indices = #map1}, {transform_indices = #map1}, {transform_indices = #map}, {transform_indices = #map2}]} {
    %mul3A = arith.constant 640 : i32
    %mul3A_0 = arith.muli %arg1, %mul3A : i32
    "tpu.region"() ({
      %run_scoped3A_62 = tpu.sem_alloc : memref<!tpu.dma_semaphore, #tpu.memory_space<semaphore_mem>>
      %dma_start3A_63 = arith.constant 0 : i32
      %dma_start3A_64 = tpu.memref_slice %arg11[%mul3A_0, %dma_start3A_63] : memref<10240x128xf32, #tpu.memory_space<vmem_shared>> -> memref<640x128xf32, #tpu.memory_space<vmem_shared>>
      tpu.enqueue_dma source(%arg5 : memref<640x128xf32, #tpu.memory_space<hbm>>) target(%dma_start3A_64 : memref<640x128xf32, #tpu.memory_space<vmem_shared>>) target_semaphore(%run_scoped3A_62 : memref<!tpu.dma_semaphore, #tpu.memory_space<semaphore_mem>>)
      %dma_wait3A_65 = arith.constant 0 : i32
      %dma_wait3A_66 = tpu.memref_slice %arg11[%mul3A_0, %dma_wait3A_65] : memref<10240x128xf32, #tpu.memory_space<vmem_shared>> -> memref<640x128xf32, #tpu.memory_space<vmem_shared>>
      tpu.wait_dma2 semaphore(%run_scoped3A_62 : memref<!tpu.dma_semaphore, #tpu.memory_space<semaphore_mem>>) src(%arg5 : memref<640x128xf32, #tpu.memory_space<hbm>>) dst(%dma_wait3A_66 : memref<640x128xf32, #tpu.memory_space<vmem_shared>>)
      tpu.yield
    }) : () -> ()
    %mul3A_1 = arith.constant 5120 : i32
    %mul3A_2 = arith.muli %arg0, %mul3A_1 : i32
    %run_scoped3A = arith.constant 0 : i32
    "tpu.region"() ({
      %run_scoped3A_62 = tpu.sem_alloc : memref<!tpu.dma_semaphore, #tpu.memory_space<semaphore_mem>>
      %dma_start3A_63 = arith.constant 0 : i32
      %dma_start3A_64 = arith.constant 0 : i32
      %dma_start3A_65 = tpu.memref_slice %arg3[%run_scoped3A, %arg0, %arg1, %dma_start3A_63, %dma_start3A_64] : memref<2x2x16x63x80xi32, #tpu.memory_space<hbm>> -> memref<1x1x1x63x80xi32, #tpu.memory_space<hbm>>
      %dma_start3A_66 = tpu.memref_squeeze %dma_start3A_65 : memref<1x1x1x63x80xi32, #tpu.memory_space<hbm>> -> memref<63x80xi32, #tpu.memory_space<hbm>>
      %dma_start3A_67 = arith.constant 0 : i32
      %dma_start3A_68 = arith.constant 0 : i32
      %dma_start3A_69 = tpu.memref_slice %arg3[%run_scoped3A, %arg0, %arg1, %dma_start3A_67, %dma_start3A_68] : memref<2x2x16x63x80xi32, #tpu.memory_space<hbm>> -> memref<1x1x1x63x80xi32, #tpu.memory_space<hbm>>
      %dma_start3A_70 = tpu.memref_squeeze %dma_start3A_69 : memref<1x1x1x63x80xi32, #tpu.memory_space<hbm>> -> memref<63x80xi32, #tpu.memory_space<hbm>>
      tpu.enqueue_dma source(%dma_start3A_70 : memref<63x80xi32, #tpu.memory_space<hbm>>) target(%arg7 : memref<63x80xi32, #tpu.memory_space<vmem>>) target_semaphore(%run_scoped3A_62 : memref<!tpu.dma_semaphore, #tpu.memory_space<semaphore_mem>>)
      %dma_wait3A_71 = arith.constant 0 : i32
      %dma_wait3A_72 = arith.constant 0 : i32
      %dma_wait3A_73 = tpu.memref_slice %arg3[%run_scoped3A, %arg0, %arg1, %dma_wait3A_71, %dma_wait3A_72] : memref<2x2x16x63x80xi32, #tpu.memory_space<hbm>> -> memref<1x1x1x63x80xi32, #tpu.memory_space<hbm>>
      %dma_wait3A_74 = tpu.memref_squeeze %dma_wait3A_73 : memref<1x1x1x63x80xi32, #tpu.memory_space<hbm>> -> memref<63x80xi32, #tpu.memory_space<hbm>>
      %dma_wait3A_75 = arith.constant 0 : i32
      %dma_wait3A_76 = arith.constant 0 : i32
      %dma_wait3A_77 = tpu.memref_slice %arg3[%run_scoped3A, %arg0, %arg1, %dma_wait3A_75, %dma_wait3A_76] : memref<2x2x16x63x80xi32, #tpu.memory_space<hbm>> -> memref<1x1x1x63x80xi32, #tpu.memory_space<hbm>>
      %dma_wait3A_78 = tpu.memref_squeeze %dma_wait3A_77 : memref<1x1x1x63x80xi32, #tpu.memory_space<hbm>> -> memref<63x80xi32, #tpu.memory_space<hbm>>
      tpu.wait_dma2 semaphore(%run_scoped3A_62 : memref<!tpu.dma_semaphore, #tpu.memory_space<semaphore_mem>>) src(%dma_wait3A_78 : memref<63x80xi32, #tpu.memory_space<hbm>>) dst(%arg7 : memref<63x80xi32, #tpu.memory_space<vmem>>)
      tpu.yield
    }) : () -> ()
    %run_scoped3A_3 = arith.constant 0 : i32
    "tpu.region"() ({
      %run_scoped3A_62 = tpu.sem_alloc : memref<!tpu.dma_semaphore, #tpu.memory_space<semaphore_mem>>
      %dma_start3A_63 = arith.constant 0 : i32
      %dma_start3A_64 = arith.constant 0 : i32
      %dma_start3A_65 = tpu.memref_slice %arg4[%run_scoped3A_3, %arg0, %arg1, %dma_start3A_63, %dma_start3A_64] : memref<2x2x16x63x80xi32, #tpu.memory_space<hbm>> -> memref<1x1x1x63x80xi32, #tpu.memory_space<hbm>>
      %dma_start3A_66 = tpu.memref_squeeze %dma_start3A_65 : memref<1x1x1x63x80xi32, #tpu.memory_space<hbm>> -> memref<63x80xi32, #tpu.memory_space<hbm>>
      %dma_start3A_67 = arith.constant 0 : i32
      %dma_start3A_68 = arith.constant 0 : i32
      %dma_start3A_69 = tpu.memref_slice %arg4[%run_scoped3A_3, %arg0, %arg1, %dma_start3A_67, %dma_start3A_68] : memref<2x2x16x63x80xi32, #tpu.memory_space<hbm>> -> memref<1x1x1x63x80xi32, #tpu.memory_space<hbm>>
      %dma_start3A_70 = tpu.memref_squeeze %dma_start3A_69 : memref<1x1x1x63x80xi32, #tpu.memory_space<hbm>> -> memref<63x80xi32, #tpu.memory_space<hbm>>
      tpu.enqueue_dma source(%dma_start3A_70 : memref<63x80xi32, #tpu.memory_space<hbm>>) target(%arg8 : memref<63x80xi32, #tpu.memory_space<vmem>>) target_semaphore(%run_scoped3A_62 : memref<!tpu.dma_semaphore, #tpu.memory_space<semaphore_mem>>)
      %dma_wait3A_71 = arith.constant 0 : i32
      %dma_wait3A_72 = arith.constant 0 : i32
      %dma_wait3A_73 = tpu.memref_slice %arg4[%run_scoped3A_3, %arg0, %arg1, %dma_wait3A_71, %dma_wait3A_72] : memref<2x2x16x63x80xi32, #tpu.memory_space<hbm>> -> memref<1x1x1x63x80xi32, #tpu.memory_space<hbm>>
      %dma_wait3A_74 = tpu.memref_squeeze %dma_wait3A_73 : memref<1x1x1x63x80xi32, #tpu.memory_space<hbm>> -> memref<63x80xi32, #tpu.memory_space<hbm>>
      %dma_wait3A_75 = arith.constant 0 : i32
      %dma_wait3A_76 = arith.constant 0 : i32
      %dma_wait3A_77 = tpu.memref_slice %arg4[%run_scoped3A_3, %arg0, %arg1, %dma_wait3A_75, %dma_wait3A_76] : memref<2x2x16x63x80xi32, #tpu.memory_space<hbm>> -> memref<1x1x1x63x80xi32, #tpu.memory_space<hbm>>
      %dma_wait3A_78 = tpu.memref_squeeze %dma_wait3A_77 : memref<1x1x1x63x80xi32, #tpu.memory_space<hbm>> -> memref<63x80xi32, #tpu.memory_space<hbm>>
      tpu.wait_dma2 semaphore(%run_scoped3A_62 : memref<!tpu.dma_semaphore, #tpu.memory_space<semaphore_mem>>) src(%dma_wait3A_78 : memref<63x80xi32, #tpu.memory_space<hbm>>) dst(%arg8 : memref<63x80xi32, #tpu.memory_space<vmem>>)
      tpu.yield
    }) : () -> ()
    %scan3A = arith.constant 0 : i32
    %scan3A_4 = arith.constant 0 : i32
    %scan3A_5 = arith.constant 63 : i32
    %scan3A_6 = arith.addi %scan3A_4, %scan3A_5 : i32
    %scan3A_7 = arith.constant 1 : i32
    scf.for %scan3A_62 = %scan3A_4 to %scan3A_6 step %scan3A_7  : i32 {
      %get3A = arith.index_cast %scan3A_62 : i32 to index
      %get3A_63 = arith.constant 0 : index
      %get3A_64 = tpu.vector_load %arg8[%get3A, %get3A_63] {strides = array<i32>} : memref<63x80xi32, #tpu.memory_space<vmem>>, vector<1x16xi32>,
      %get3A_65 = vector.shape_cast %get3A_64 : vector<1x16xi32> to vector<16xi32>
      %add3A = vector.broadcast %mul3A_2 : i32 to vector<16xi32>
      %add3A_66 = arith.addi %get3A_65, %add3A : vector<16xi32>
      %ge3A = arith.constant 10240 : i32
      %ge3A_67 = vector.broadcast %ge3A : i32 to vector<16xi32>
      %ge3A_68 = arith.cmpi sge, %add3A_66, %ge3A_67 : vector<16xi32>
      %sub3A = arith.constant 10240 : i32
      %sub3A_69 = vector.broadcast %sub3A : i32 to vector<16xi32>
      %sub3A_70 = arith.subi %add3A_66, %sub3A_69 : vector<16xi32>
      %select_n3A = arith.select %ge3A_68, %sub3A_70, %add3A_66 : vector<16xi1>, vector<16xi32>
      %swap3A = arith.index_cast %scan3A_62 : i32 to index
      %swap3A_71 = arith.constant 0 : index
      %swap3A_72 = tpu.vector_load %arg8[%swap3A, %swap3A_71] {strides = array<i32>} : memref<63x80xi32, #tpu.memory_space<vmem>>, vector<1x16xi32>,
      %swap3A_73 = vector.shape_cast %swap3A_72 : vector<1x16xi32> to vector<16xi32>
      %swap3A_74 = vector.shape_cast %select_n3A : vector<16xi32> to vector<1x16xi32>
      tpu.vector_store %arg8[%swap3A, %swap3A_71], %swap3A_74 {strides = array<i32>} : memref<63x80xi32, #tpu.memory_space<vmem>>, vector<1x16xi32>,
      %get3A_75 = arith.index_cast %scan3A_62 : i32 to index
      %get3A_76 = arith.constant 16 : index
      %get3A_77 = tpu.vector_load %arg8[%get3A_75, %get3A_76] {strides = array<i32>} : memref<63x80xi32, #tpu.memory_space<vmem>>, vector<1x16xi32>,
      %get3A_78 = vector.shape_cast %get3A_77 : vector<1x16xi32> to vector<16xi32>
      %add3A_79 = vector.broadcast %mul3A_2 : i32 to vector<16xi32>
      %add3A_80 = arith.addi %get3A_78, %add3A_79 : vector<16xi32>
      %ge3A_81 = arith.constant 10240 : i32
      %ge3A_82 = vector.broadcast %ge3A_81 : i32 to vector<16xi32>
      %ge3A_83 = arith.cmpi sge, %add3A_80, %ge3A_82 : vector<16xi32>
      %sub3A_84 = arith.constant 10240 : i32
      %sub3A_85 = vector.broadcast %sub3A_84 : i32 to vector<16xi32>
      %sub3A_86 = arith.subi %add3A_80, %sub3A_85 : vector<16xi32>
      %select_n3A_87 = arith.select %ge3A_83, %sub3A_86, %add3A_80 : vector<16xi1>, vector<16xi32>
      %swap3A_88 = arith.index_cast %scan3A_62 : i32 to index
      %swap3A_89 = arith.constant 16 : index
      %swap3A_90 = tpu.vector_load %arg8[%swap3A_88, %swap3A_89] {strides = array<i32>} : memref<63x80xi32, #tpu.memory_space<vmem>>, vector<1x16xi32>,
      %swap3A_91 = vector.shape_cast %swap3A_90 : vector<1x16xi32> to vector<16xi32>
      %swap3A_92 = vector.shape_cast %select_n3A_87 : vector<16xi32> to vector<1x16xi32>
      tpu.vector_store %arg8[%swap3A_88, %swap3A_89], %swap3A_92 {strides = array<i32>} : memref<63x80xi32, #tpu.memory_space<vmem>>, vector<1x16xi32>,
      %get3A_93 = arith.index_cast %scan3A_62 : i32 to index
      %get3A_94 = arith.constant 32 : index
      %get3A_95 = tpu.vector_load %arg8[%get3A_93, %get3A_94] {strides = array<i32>} : memref<63x80xi32, #tpu.memory_space<vmem>>, vector<1x16xi32>,
      %get3A_96 = vector.shape_cast %get3A_95 : vector<1x16xi32> to vector<16xi32>
      %add3A_97 = vector.broadcast %mul3A_2 : i32 to vector<16xi32>
      %add3A_98 = arith.addi %get3A_96, %add3A_97 : vector<16xi32>
      %ge3A_99 = arith.constant 10240 : i32
      %ge3A_100 = vector.broadcast %ge3A_99 : i32 to vector<16xi32>
      %ge3A_101 = arith.cmpi sge, %add3A_98, %ge3A_100 : vector<16xi32>
      %sub3A_102 = arith.constant 10240 : i32
      %sub3A_103 = vector.broadcast %sub3A_102 : i32 to vector<16xi32>
      %sub3A_104 = arith.subi %add3A_98, %sub3A_103 : vector<16xi32>
      %select_n3A_105 = arith.select %ge3A_101, %sub3A_104, %add3A_98 : vector<16xi1>, vector<16xi32>
      %swap3A_106 = arith.index_cast %scan3A_62 : i32 to index
      %swap3A_107 = arith.constant 32 : index
      %swap3A_108 = tpu.vector_load %arg8[%swap3A_106, %swap3A_107] {strides = array<i32>} : memref<63x80xi32, #tpu.memory_space<vmem>>, vector<1x16xi32>,
      %swap3A_109 = vector.shape_cast %swap3A_108 : vector<1x16xi32> to vector<16xi32>
      %swap3A_110 = vector.shape_cast %select_n3A_105 : vector<16xi32> to vector<1x16xi32>
      tpu.vector_store %arg8[%swap3A_106, %swap3A_107], %swap3A_110 {strides = array<i32>} : memref<63x80xi32, #tpu.memory_space<vmem>>, vector<1x16xi32>,
      %get3A_111 = arith.index_cast %scan3A_62 : i32 to index
      %get3A_112 = arith.constant 48 : index
      %get3A_113 = tpu.vector_load %arg8[%get3A_111, %get3A_112] {strides = array<i32>} : memref<63x80xi32, #tpu.memory_space<vmem>>, vector<1x16xi32>,
      %get3A_114 = vector.shape_cast %get3A_113 : vector<1x16xi32> to vector<16xi32>
      %add3A_115 = vector.broadcast %mul3A_2 : i32 to vector<16xi32>
      %add3A_116 = arith.addi %get3A_114, %add3A_115 : vector<16xi32>
      %ge3A_117 = arith.constant 10240 : i32
      %ge3A_118 = vector.broadcast %ge3A_117 : i32 to vector<16xi32>
      %ge3A_119 = arith.cmpi sge, %add3A_116, %ge3A_118 : vector<16xi32>
      %sub3A_120 = arith.constant 10240 : i32
      %sub3A_121 = vector.broadcast %sub3A_120 : i32 to vector<16xi32>
      %sub3A_122 = arith.subi %add3A_116, %sub3A_121 : vector<16xi32>
      %select_n3A_123 = arith.select %ge3A_119, %sub3A_122, %add3A_116 : vector<16xi1>, vector<16xi32>
      %swap3A_124 = arith.index_cast %scan3A_62 : i32 to index
      %swap3A_125 = arith.constant 48 : index
      %swap3A_126 = tpu.vector_load %arg8[%swap3A_124, %swap3A_125] {strides = array<i32>} : memref<63x80xi32, #tpu.memory_space<vmem>>, vector<1x16xi32>,
      %swap3A_127 = vector.shape_cast %swap3A_126 : vector<1x16xi32> to vector<16xi32>
      %swap3A_128 = vector.shape_cast %select_n3A_123 : vector<16xi32> to vector<1x16xi32>
      tpu.vector_store %arg8[%swap3A_124, %swap3A_125], %swap3A_128 {strides = array<i32>} : memref<63x80xi32, #tpu.memory_space<vmem>>, vector<1x16xi32>,
      %get3A_129 = arith.index_cast %scan3A_62 : i32 to index
      %get3A_130 = arith.constant 64 : index
      %get3A_131 = tpu.vector_load %arg8[%get3A_129, %get3A_130] {strides = array<i32>} : memref<63x80xi32, #tpu.memory_space<vmem>>, vector<1x16xi32>,
      %get3A_132 = vector.shape_cast %get3A_131 : vector<1x16xi32> to vector<16xi32>
      %add3A_133 = vector.broadcast %mul3A_2 : i32 to vector<16xi32>
      %add3A_134 = arith.addi %get3A_132, %add3A_133 : vector<16xi32>
      %ge3A_135 = arith.constant 10240 : i32
      %ge3A_136 = vector.broadcast %ge3A_135 : i32 to vector<16xi32>
      %ge3A_137 = arith.cmpi sge, %add3A_134, %ge3A_136 : vector<16xi32>
      %sub3A_138 = arith.constant 10240 : i32
      %sub3A_139 = vector.broadcast %sub3A_138 : i32 to vector<16xi32>
      %sub3A_140 = arith.subi %add3A_134, %sub3A_139 : vector<16xi32>
      %select_n3A_141 = arith.select %ge3A_137, %sub3A_140, %add3A_134 : vector<16xi1>, vector<16xi32>
      %swap3A_142 = arith.index_cast %scan3A_62 : i32 to index
      %swap3A_143 = arith.constant 64 : index
      %swap3A_144 = tpu.vector_load %arg8[%swap3A_142, %swap3A_143] {strides = array<i32>} : memref<63x80xi32, #tpu.memory_space<vmem>>, vector<1x16xi32>,
      %swap3A_145 = vector.shape_cast %swap3A_144 : vector<1x16xi32> to vector<16xi32>
      %swap3A_146 = vector.shape_cast %select_n3A_141 : vector<16xi32> to vector<1x16xi32>
      tpu.vector_store %arg8[%swap3A_142, %swap3A_143], %swap3A_146 {strides = array<i32>} : memref<63x80xi32, #tpu.memory_space<vmem>>, vector<1x16xi32>,
    }
    %scan3A_8 = arith.constant 63 : i32
    %barrier3A = arith.constant 0 : index
    tpu.barrier barrier_id(%barrier3A)
    %dma_start3A = arith.constant 0 : i32
    %dma_start3A_9 = arith.constant 0 : i32
    %dma_start3A_10 = tpu.memref_slice %arg7[%dma_start3A, %dma_start3A_9] : memref<63x80xi32, #tpu.memory_space<vmem>> -> memref<1x80xi32, #tpu.memory_space<vmem>>
    %dma_start3A_11 = tpu.memref_squeeze %dma_start3A_10 : memref<1x80xi32, #tpu.memory_space<vmem>> -> memref<80xi32, #tpu.memory_space<vmem>>
    %dma_start3A_12 = arith.constant 0 : i32
    %dma_start3A_13 = arith.constant 0 : i32
    %dma_start3A_14 = tpu.memref_slice %arg2[%dma_start3A_12, %dma_start3A_13] : memref<10000x128xf32, #tpu.memory_space<hbm>> -> memref<10000x128xf32, #tpu.memory_space<hbm>>
    tpu.enqueue_indirect_dma source(%dma_start3A_14 : memref<10000x128xf32, #tpu.memory_space<hbm>>) target(%arg9 : memref<80x128xf32, #tpu.memory_space<vmem>>) offsets(%dma_start3A_11 : memref<80xi32, #tpu.memory_space<vmem>>) semaphore(%arg12 : memref<!tpu.dma_semaphore, #tpu.memory_space<semaphore_mem>>)
    %scan3A_15 = arith.constant 0 : i32
    %scan3A_16 = arith.constant 0 : i32
    %scan3A_17 = arith.constant 31 : i32
    %scan3A_18 = arith.addi %scan3A_16, %scan3A_17 : i32
    %scan3A_19 = arith.constant 1 : i32
    scf.for %scan3A_62 = %scan3A_16 to %scan3A_18 step %scan3A_19  : i32 {
      %mul3A_63 = arith.constant 2 : i32
      %mul3A_64 = arith.muli %mul3A_63, %scan3A_62 : i32
      %add3A = arith.constant 1 : i32
      %add3A_65 = arith.addi %mul3A_64, %add3A : i32
      %dma_start3A_66 = arith.constant 0 : i32
      %dma_start3A_67 = tpu.memref_slice %arg7[%add3A_65, %dma_start3A_66] : memref<63x80xi32, #tpu.memory_space<vmem>> -> memref<1x80xi32, #tpu.memory_space<vmem>>
      %dma_start3A_68 = tpu.memref_squeeze %dma_start3A_67 : memref<1x80xi32, #tpu.memory_space<vmem>> -> memref<80xi32, #tpu.memory_space<vmem>>
      %dma_start3A_69 = arith.constant 0 : i32
      %dma_start3A_70 = arith.constant 0 : i32
      %dma_start3A_71 = tpu.memref_slice %arg2[%dma_start3A_69, %dma_start3A_70] : memref<10000x128xf32, #tpu.memory_space<hbm>> -> memref<10000x128xf32, #tpu.memory_space<hbm>>
      tpu.enqueue_indirect_dma source(%dma_start3A_71 : memref<10000x128xf32, #tpu.memory_space<hbm>>) target(%arg10 : memref<80x128xf32, #tpu.memory_space<vmem>>) offsets(%dma_start3A_68 : memref<80xi32, #tpu.memory_space<vmem>>) semaphore(%arg13 : memref<!tpu.dma_semaphore, #tpu.memory_space<semaphore_mem>>)
      %dma_wait3A_72 = arith.constant 0 : i32
      %dma_wait3A_73 = tpu.memref_slice %arg7[%mul3A_64, %dma_wait3A_72] : memref<63x80xi32, #tpu.memory_space<vmem>> -> memref<1x80xi32, #tpu.memory_space<vmem>>
      %dma_wait3A_74 = tpu.memref_squeeze %dma_wait3A_73 : memref<1x80xi32, #tpu.memory_space<vmem>> -> memref<80xi32, #tpu.memory_space<vmem>>
      %dma_wait3A_75 = arith.constant 0 : i32
      %dma_wait3A_76 = arith.constant 0 : i32
      %dma_wait3A_77 = tpu.memref_slice %arg2[%dma_wait3A_75, %dma_wait3A_76] : memref<10000x128xf32, #tpu.memory_space<hbm>> -> memref<10000x128xf32, #tpu.memory_space<hbm>>
      tpu.wait_indirect_dma semaphore(%arg12 : memref<!tpu.dma_semaphore, #tpu.memory_space<semaphore_mem>>) src(%dma_wait3A_77 : memref<10000x128xf32, #tpu.memory_space<hbm>>) dst(%arg9 : memref<80x128xf32, #tpu.memory_space<vmem>>)
      "tpu.region"() ({
        %run_scoped3A_96 = tpu.sem_alloc : memref<!tpu.dma_semaphore, #tpu.memory_space<semaphore_mem>>
        %dma_start3A_97 = arith.constant 0 : i32
        %dma_start3A_98 = tpu.memref_slice %arg8[%mul3A_64, %dma_start3A_97] : memref<63x80xi32, #tpu.memory_space<vmem>> -> memref<1x80xi32, #tpu.memory_space<vmem>>
        %dma_start3A_99 = tpu.memref_squeeze %dma_start3A_98 : memref<1x80xi32, #tpu.memory_space<vmem>> -> memref<80xi32, #tpu.memory_space<vmem>>
        %dma_start3A_100 = arith.constant 0 : i32
        %dma_start3A_101 = arith.constant 0 : i32
        %dma_start3A_102 = tpu.memref_slice %arg11[%dma_start3A_100, %dma_start3A_101] : memref<10240x128xf32, #tpu.memory_space<vmem_shared>> -> memref<10240x128xf32, #tpu.memory_space<vmem_shared>>
        tpu.enqueue_indirect_dma source(%arg9 : memref<80x128xf32, #tpu.memory_space<vmem>>) target(%dma_start3A_102 : memref<10240x128xf32, #tpu.memory_space<vmem_shared>>) offsets(%dma_start3A_99 : memref<80xi32, #tpu.memory_space<vmem>>) semaphore(%run_scoped3A_96 : memref<!tpu.dma_semaphore, #tpu.memory_space<semaphore_mem>>) {add = true}
        %dma_wait3A_103 = arith.constant 0 : i32
        %dma_wait3A_104 = tpu.memref_slice %arg8[%mul3A_64, %dma_wait3A_103] : memref<63x80xi32, #tpu.memory_space<vmem>> -> memref<1x80xi32, #tpu.memory_space<vmem>>
        %dma_wait3A_105 = tpu.memref_squeeze %dma_wait3A_104 : memref<1x80xi32, #tpu.memory_space<vmem>> -> memref<80xi32, #tpu.memory_space<vmem>>
        %dma_wait3A_106 = arith.constant 0 : i32
        %dma_wait3A_107 = arith.constant 0 : i32
        %dma_wait3A_108 = tpu.memref_slice %arg11[%dma_wait3A_106, %dma_wait3A_107] : memref<10240x128xf32, #tpu.memory_space<vmem_shared>> -> memref<10240x128xf32, #tpu.memory_space<vmem_shared>>
        tpu.wait_indirect_dma semaphore(%run_scoped3A_96 : memref<!tpu.dma_semaphore, #tpu.memory_space<semaphore_mem>>) src(%arg9 : memref<80x128xf32, #tpu.memory_space<vmem>>) dst(%dma_wait3A_108 : memref<10240x128xf32, #tpu.memory_space<vmem_shared>>)
        tpu.yield
      }) : () -> ()
      %add3A_78 = arith.constant 2 : i32
      %add3A_79 = arith.addi %mul3A_64, %add3A_78 : i32
      %dma_start3A_80 = arith.constant 0 : i32
      %dma_start3A_81 = tpu.memref_slice %arg7[%add3A_79, %dma_start3A_80] : memref<63x80xi32, #tpu.memory_space<vmem>> -> memref<1x80xi32, #tpu.memory_space<vmem>>
      %dma_start3A_82 = tpu.memref_squeeze %dma_start3A_81 : memref<1x80xi32, #tpu.memory_space<vmem>> -> memref<80xi32, #tpu.memory_space<vmem>>
      %dma_start3A_83 = arith.constant 0 : i32
      %dma_start3A_84 = arith.constant 0 : i32
      %dma_start3A_85 = tpu.memref_slice %arg2[%dma_start3A_83, %dma_start3A_84] : memref<10000x128xf32, #tpu.memory_space<hbm>> -> memref<10000x128xf32, #tpu.memory_space<hbm>>
      tpu.enqueue_indirect_dma source(%dma_start3A_85 : memref<10000x128xf32, #tpu.memory_space<hbm>>) target(%arg9 : memref<80x128xf32, #tpu.memory_space<vmem>>) offsets(%dma_start3A_82 : memref<80xi32, #tpu.memory_space<vmem>>) semaphore(%arg12 : memref<!tpu.dma_semaphore, #tpu.memory_space<semaphore_mem>>)
      %add3A_86 = arith.constant 1 : i32
      %add3A_87 = arith.addi %mul3A_64, %add3A_86 : i32
      %dma_wait3A_88 = arith.constant 0 : i32
      %dma_wait3A_89 = tpu.memref_slice %arg7[%add3A_87, %dma_wait3A_88] : memref<63x80xi32, #tpu.memory_space<vmem>> -> memref<1x80xi32, #tpu.memory_space<vmem>>
      %dma_wait3A_90 = tpu.memref_squeeze %dma_wait3A_89 : memref<1x80xi32, #tpu.memory_space<vmem>> -> memref<80xi32, #tpu.memory_space<vmem>>
      %dma_wait3A_91 = arith.constant 0 : i32
      %dma_wait3A_92 = arith.constant 0 : i32
      %dma_wait3A_93 = tpu.memref_slice %arg2[%dma_wait3A_91, %dma_wait3A_92] : memref<10000x128xf32, #tpu.memory_space<hbm>> -> memref<10000x128xf32, #tpu.memory_space<hbm>>
      tpu.wait_indirect_dma semaphore(%arg13 : memref<!tpu.dma_semaphore, #tpu.memory_space<semaphore_mem>>) src(%dma_wait3A_93 : memref<10000x128xf32, #tpu.memory_space<hbm>>) dst(%arg10 : memref<80x128xf32, #tpu.memory_space<vmem>>)
      %add3A_94 = arith.constant 1 : i32
      %add3A_95 = arith.addi %mul3A_64, %add3A_94 : i32
      "tpu.region"() ({
        %run_scoped3A_96 = tpu.sem_alloc : memref<!tpu.dma_semaphore, #tpu.memory_space<semaphore_mem>>
        %dma_start3A_97 = arith.constant 0 : i32
        %dma_start3A_98 = tpu.memref_slice %arg8[%add3A_95, %dma_start3A_97] : memref<63x80xi32, #tpu.memory_space<vmem>> -> memref<1x80xi32, #tpu.memory_space<vmem>>
        %dma_start3A_99 = tpu.memref_squeeze %dma_start3A_98 : memref<1x80xi32, #tpu.memory_space<vmem>> -> memref<80xi32, #tpu.memory_space<vmem>>
        %dma_start3A_100 = arith.constant 0 : i32
        %dma_start3A_101 = arith.constant 0 : i32
        %dma_start3A_102 = tpu.memref_slice %arg11[%dma_start3A_100, %dma_start3A_101] : memref<10240x128xf32, #tpu.memory_space<vmem_shared>> -> memref<10240x128xf32, #tpu.memory_space<vmem_shared>>
        tpu.enqueue_indirect_dma source(%arg10 : memref<80x128xf32, #tpu.memory_space<vmem>>) target(%dma_start3A_102 : memref<10240x128xf32, #tpu.memory_space<vmem_shared>>) offsets(%dma_start3A_99 : memref<80xi32, #tpu.memory_space<vmem>>) semaphore(%run_scoped3A_96 : memref<!tpu.dma_semaphore, #tpu.memory_space<semaphore_mem>>) {add = true}
        %dma_wait3A_103 = arith.constant 0 : i32
        %dma_wait3A_104 = tpu.memref_slice %arg8[%add3A_95, %dma_wait3A_103] : memref<63x80xi32, #tpu.memory_space<vmem>> -> memref<1x80xi32, #tpu.memory_space<vmem>>
        %dma_wait3A_105 = tpu.memref_squeeze %dma_wait3A_104 : memref<1x80xi32, #tpu.memory_space<vmem>> -> memref<80xi32, #tpu.memory_space<vmem>>
        %dma_wait3A_106 = arith.constant 0 : i32
        %dma_wait3A_107 = arith.constant 0 : i32
        %dma_wait3A_108 = tpu.memref_slice %arg11[%dma_wait3A_106, %dma_wait3A_107] : memref<10240x128xf32, #tpu.memory_space<vmem_shared>> -> memref<10240x128xf32, #tpu.memory_space<vmem_shared>>
        tpu.wait_indirect_dma semaphore(%run_scoped3A_96 : memref<!tpu.dma_semaphore, #tpu.memory_space<semaphore_mem>>) src(%arg10 : memref<80x128xf32, #tpu.memory_space<vmem>>) dst(%dma_wait3A_108 : memref<10240x128xf32, #tpu.memory_space<vmem_shared>>)
        tpu.yield
      }) : () -> ()
    }
    %scan3A_20 = arith.constant 31 : i32
    %dma_wait3A = arith.constant 62 : i32
    %dma_wait3A_21 = arith.constant 0 : i32
    %dma_wait3A_22 = tpu.memref_slice %arg7[%dma_wait3A, %dma_wait3A_21] : memref<63x80xi32, #tpu.memory_space<vmem>> -> memref<1x80xi32, #tpu.memory_space<vmem>>
    %dma_wait3A_23 = tpu.memref_squeeze %dma_wait3A_22 : memref<1x80xi32, #tpu.memory_space<vmem>> -> memref<80xi32, #tpu.memory_space<vmem>>
    %dma_wait3A_24 = arith.constant 0 : i32
    %dma_wait3A_25 = arith.constant 0 : i32
    %dma_wait3A_26 = tpu.memref_slice %arg2[%dma_wait3A_24, %dma_wait3A_25] : memref<10000x128xf32, #tpu.memory_space<hbm>> -> memref<10000x128xf32, #tpu.memory_space<hbm>>
    tpu.wait_indirect_dma semaphore(%arg12 : memref<!tpu.dma_semaphore, #tpu.memory_space<semaphore_mem>>) src(%dma_wait3A_26 : memref<10000x128xf32, #tpu.memory_space<hbm>>) dst(%arg9 : memref<80x128xf32, #tpu.memory_space<vmem>>)
    %run_scoped3A_27 = arith.constant 62 : i32
    "tpu.region"() ({
      %run_scoped3A_62 = tpu.sem_alloc : memref<!tpu.dma_semaphore, #tpu.memory_space<semaphore_mem>>
      %dma_start3A_63 = arith.constant 0 : i32
      %dma_start3A_64 = tpu.memref_slice %arg8[%run_scoped3A_27, %dma_start3A_63] : memref<63x80xi32, #tpu.memory_space<vmem>> -> memref<1x80xi32, #tpu.memory_space<vmem>>
      %dma_start3A_65 = tpu.memref_squeeze %dma_start3A_64 : memref<1x80xi32, #tpu.memory_space<vmem>> -> memref<80xi32, #tpu.memory_space<vmem>>
      %dma_start3A_66 = arith.constant 0 : i32
      %dma_start3A_67 = arith.constant 0 : i32
      %dma_start3A_68 = tpu.memref_slice %arg11[%dma_start3A_66, %dma_start3A_67] : memref<10240x128xf32, #tpu.memory_space<vmem_shared>> -> memref<10240x128xf32, #tpu.memory_space<vmem_shared>>
      tpu.enqueue_indirect_dma source(%arg9 : memref<80x128xf32, #tpu.memory_space<vmem>>) target(%dma_start3A_68 : memref<10240x128xf32, #tpu.memory_space<vmem_shared>>) offsets(%dma_start3A_65 : memref<80xi32, #tpu.memory_space<vmem>>) semaphore(%run_scoped3A_62 : memref<!tpu.dma_semaphore, #tpu.memory_space<semaphore_mem>>) {add = true}
      %dma_wait3A_69 = arith.constant 0 : i32
      %dma_wait3A_70 = tpu.memref_slice %arg8[%run_scoped3A_27, %dma_wait3A_69] : memref<63x80xi32, #tpu.memory_space<vmem>> -> memref<1x80xi32, #tpu.memory_space<vmem>>
      %dma_wait3A_71 = tpu.memref_squeeze %dma_wait3A_70 : memref<1x80xi32, #tpu.memory_space<vmem>> -> memref<80xi32, #tpu.memory_space<vmem>>
      %dma_wait3A_72 = arith.constant 0 : i32
      %dma_wait3A_73 = arith.constant 0 : i32
      %dma_wait3A_74 = tpu.memref_slice %arg11[%dma_wait3A_72, %dma_wait3A_73] : memref<10240x128xf32, #tpu.memory_space<vmem_shared>> -> memref<10240x128xf32, #tpu.memory_space<vmem_shared>>
      tpu.wait_indirect_dma semaphore(%run_scoped3A_62 : memref<!tpu.dma_semaphore, #tpu.memory_space<semaphore_mem>>) src(%arg9 : memref<80x128xf32, #tpu.memory_space<vmem>>) dst(%dma_wait3A_74 : memref<10240x128xf32, #tpu.memory_space<vmem_shared>>)
      tpu.yield
    }) : () -> ()
    %run_scoped3A_28 = arith.constant 1 : i32
    "tpu.region"() ({
      %run_scoped3A_62 = tpu.sem_alloc : memref<!tpu.dma_semaphore, #tpu.memory_space<semaphore_mem>>
      %dma_start3A_63 = arith.constant 0 : i32
      %dma_start3A_64 = arith.constant 0 : i32
      %dma_start3A_65 = tpu.memref_slice %arg3[%run_scoped3A_28, %arg0, %arg1, %dma_start3A_63, %dma_start3A_64] : memref<2x2x16x63x80xi32, #tpu.memory_space<hbm>> -> memref<1x1x1x63x80xi32, #tpu.memory_space<hbm>>
      %dma_start3A_66 = tpu.memref_squeeze %dma_start3A_65 : memref<1x1x1x63x80xi32, #tpu.memory_space<hbm>> -> memref<63x80xi32, #tpu.memory_space<hbm>>
      %dma_start3A_67 = arith.constant 0 : i32
      %dma_start3A_68 = arith.constant 0 : i32
      %dma_start3A_69 = tpu.memref_slice %arg3[%run_scoped3A_28, %arg0, %arg1, %dma_start3A_67, %dma_start3A_68] : memref<2x2x16x63x80xi32, #tpu.memory_space<hbm>> -> memref<1x1x1x63x80xi32, #tpu.memory_space<hbm>>
      %dma_start3A_70 = tpu.memref_squeeze %dma_start3A_69 : memref<1x1x1x63x80xi32, #tpu.memory_space<hbm>> -> memref<63x80xi32, #tpu.memory_space<hbm>>
      tpu.enqueue_dma source(%dma_start3A_70 : memref<63x80xi32, #tpu.memory_space<hbm>>) target(%arg7 : memref<63x80xi32, #tpu.memory_space<vmem>>) target_semaphore(%run_scoped3A_62 : memref<!tpu.dma_semaphore, #tpu.memory_space<semaphore_mem>>)
      %dma_wait3A_71 = arith.constant 0 : i32
      %dma_wait3A_72 = arith.constant 0 : i32
      %dma_wait3A_73 = tpu.memref_slice %arg3[%run_scoped3A_28, %arg0, %arg1, %dma_wait3A_71, %dma_wait3A_72] : memref<2x2x16x63x80xi32, #tpu.memory_space<hbm>> -> memref<1x1x1x63x80xi32, #tpu.memory_space<hbm>>
      %dma_wait3A_74 = tpu.memref_squeeze %dma_wait3A_73 : memref<1x1x1x63x80xi32, #tpu.memory_space<hbm>> -> memref<63x80xi32, #tpu.memory_space<hbm>>
      %dma_wait3A_75 = arith.constant 0 : i32
      %dma_wait3A_76 = arith.constant 0 : i32
      %dma_wait3A_77 = tpu.memref_slice %arg3[%run_scoped3A_28, %arg0, %arg1, %dma_wait3A_75, %dma_wait3A_76] : memref<2x2x16x63x80xi32, #tpu.memory_space<hbm>> -> memref<1x1x1x63x80xi32, #tpu.memory_space<hbm>>
      %dma_wait3A_78 = tpu.memref_squeeze %dma_wait3A_77 : memref<1x1x1x63x80xi32, #tpu.memory_space<hbm>> -> memref<63x80xi32, #tpu.memory_space<hbm>>
      tpu.wait_dma2 semaphore(%run_scoped3A_62 : memref<!tpu.dma_semaphore, #tpu.memory_space<semaphore_mem>>) src(%dma_wait3A_78 : memref<63x80xi32, #tpu.memory_space<hbm>>) dst(%arg7 : memref<63x80xi32, #tpu.memory_space<vmem>>)
      tpu.yield
    }) : () -> ()
    %run_scoped3A_29 = arith.constant 1 : i32
    "tpu.region"() ({
      %run_scoped3A_62 = tpu.sem_alloc : memref<!tpu.dma_semaphore, #tpu.memory_space<semaphore_mem>>
      %dma_start3A_63 = arith.constant 0 : i32
      %dma_start3A_64 = arith.constant 0 : i32
      %dma_start3A_65 = tpu.memref_slice %arg4[%run_scoped3A_29, %arg0, %arg1, %dma_start3A_63, %dma_start3A_64] : memref<2x2x16x63x80xi32, #tpu.memory_space<hbm>> -> memref<1x1x1x63x80xi32, #tpu.memory_space<hbm>>
      %dma_start3A_66 = tpu.memref_squeeze %dma_start3A_65 : memref<1x1x1x63x80xi32, #tpu.memory_space<hbm>> -> memref<63x80xi32, #tpu.memory_space<hbm>>
      %dma_start3A_67 = arith.constant 0 : i32
      %dma_start3A_68 = arith.constant 0 : i32
      %dma_start3A_69 = tpu.memref_slice %arg4[%run_scoped3A_29, %arg0, %arg1, %dma_start3A_67, %dma_start3A_68] : memref<2x2x16x63x80xi32, #tpu.memory_space<hbm>> -> memref<1x1x1x63x80xi32, #tpu.memory_space<hbm>>
      %dma_start3A_70 = tpu.memref_squeeze %dma_start3A_69 : memref<1x1x1x63x80xi32, #tpu.memory_space<hbm>> -> memref<63x80xi32, #tpu.memory_space<hbm>>
      tpu.enqueue_dma source(%dma_start3A_70 : memref<63x80xi32, #tpu.memory_space<hbm>>) target(%arg8 : memref<63x80xi32, #tpu.memory_space<vmem>>) target_semaphore(%run_scoped3A_62 : memref<!tpu.dma_semaphore, #tpu.memory_space<semaphore_mem>>)
      %dma_wait3A_71 = arith.constant 0 : i32
      %dma_wait3A_72 = arith.constant 0 : i32
      %dma_wait3A_73 = tpu.memref_slice %arg4[%run_scoped3A_29, %arg0, %arg1, %dma_wait3A_71, %dma_wait3A_72] : memref<2x2x16x63x80xi32, #tpu.memory_space<hbm>> -> memref<1x1x1x63x80xi32, #tpu.memory_space<hbm>>
      %dma_wait3A_74 = tpu.memref_squeeze %dma_wait3A_73 : memref<1x1x1x63x80xi32, #tpu.memory_space<hbm>> -> memref<63x80xi32, #tpu.memory_space<hbm>>
      %dma_wait3A_75 = arith.constant 0 : i32
      %dma_wait3A_76 = arith.constant 0 : i32
      %dma_wait3A_77 = tpu.memref_slice %arg4[%run_scoped3A_29, %arg0, %arg1, %dma_wait3A_75, %dma_wait3A_76] : memref<2x2x16x63x80xi32, #tpu.memory_space<hbm>> -> memref<1x1x1x63x80xi32, #tpu.memory_space<hbm>>
      %dma_wait3A_78 = tpu.memref_squeeze %dma_wait3A_77 : memref<1x1x1x63x80xi32, #tpu.memory_space<hbm>> -> memref<63x80xi32, #tpu.memory_space<hbm>>
      tpu.wait_dma2 semaphore(%run_scoped3A_62 : memref<!tpu.dma_semaphore, #tpu.memory_space<semaphore_mem>>) src(%dma_wait3A_78 : memref<63x80xi32, #tpu.memory_space<hbm>>) dst(%arg8 : memref<63x80xi32, #tpu.memory_space<vmem>>)
      tpu.yield
    }) : () -> ()
    %scan3A_30 = arith.constant 0 : i32
    %scan3A_31 = arith.constant 0 : i32
    %scan3A_32 = arith.constant 63 : i32
    %scan3A_33 = arith.addi %scan3A_31, %scan3A_32 : i32
    %scan3A_34 = arith.constant 1 : i32
    scf.for %scan3A_62 = %scan3A_31 to %scan3A_33 step %scan3A_34  : i32 {
      %get3A = arith.index_cast %scan3A_62 : i32 to index
      %get3A_63 = arith.constant 0 : index
      %get3A_64 = tpu.vector_load %arg8[%get3A, %get3A_63] {strides = array<i32>} : memref<63x80xi32, #tpu.memory_space<vmem>>, vector<1x16xi32>,
      %get3A_65 = vector.shape_cast %get3A_64 : vector<1x16xi32> to vector<16xi32>
      %add3A = vector.broadcast %mul3A_2 : i32 to vector<16xi32>
      %add3A_66 = arith.addi %get3A_65, %add3A : vector<16xi32>
      %ge3A = arith.constant 10240 : i32
      %ge3A_67 = vector.broadcast %ge3A : i32 to vector<16xi32>
      %ge3A_68 = arith.cmpi sge, %add3A_66, %ge3A_67 : vector<16xi32>
      %sub3A = arith.constant 10240 : i32
      %sub3A_69 = vector.broadcast %sub3A : i32 to vector<16xi32>
      %sub3A_70 = arith.subi %add3A_66, %sub3A_69 : vector<16xi32>
      %select_n3A = arith.select %ge3A_68, %sub3A_70, %add3A_66 : vector<16xi1>, vector<16xi32>
      %swap3A = arith.index_cast %scan3A_62 : i32 to index
      %swap3A_71 = arith.constant 0 : index
      %swap3A_72 = tpu.vector_load %arg8[%swap3A, %swap3A_71] {strides = array<i32>} : memref<63x80xi32, #tpu.memory_space<vmem>>, vector<1x16xi32>,
      %swap3A_73 = vector.shape_cast %swap3A_72 : vector<1x16xi32> to vector<16xi32>
      %swap3A_74 = vector.shape_cast %select_n3A : vector<16xi32> to vector<1x16xi32>
      tpu.vector_store %arg8[%swap3A, %swap3A_71], %swap3A_74 {strides = array<i32>} : memref<63x80xi32, #tpu.memory_space<vmem>>, vector<1x16xi32>,
      %get3A_75 = arith.index_cast %scan3A_62 : i32 to index
      %get3A_76 = arith.constant 16 : index
      %get3A_77 = tpu.vector_load %arg8[%get3A_75, %get3A_76] {strides = array<i32>} : memref<63x80xi32, #tpu.memory_space<vmem>>, vector<1x16xi32>,
      %get3A_78 = vector.shape_cast %get3A_77 : vector<1x16xi32> to vector<16xi32>
      %add3A_79 = vector.broadcast %mul3A_2 : i32 to vector<16xi32>
      %add3A_80 = arith.addi %get3A_78, %add3A_79 : vector<16xi32>
      %ge3A_81 = arith.constant 10240 : i32
      %ge3A_82 = vector.broadcast %ge3A_81 : i32 to vector<16xi32>
      %ge3A_83 = arith.cmpi sge, %add3A_80, %ge3A_82 : vector<16xi32>
      %sub3A_84 = arith.constant 10240 : i32
      %sub3A_85 = vector.broadcast %sub3A_84 : i32 to vector<16xi32>
      %sub3A_86 = arith.subi %add3A_80, %sub3A_85 : vector<16xi32>
      %select_n3A_87 = arith.select %ge3A_83, %sub3A_86, %add3A_80 : vector<16xi1>, vector<16xi32>
      %swap3A_88 = arith.index_cast %scan3A_62 : i32 to index
      %swap3A_89 = arith.constant 16 : index
      %swap3A_90 = tpu.vector_load %arg8[%swap3A_88, %swap3A_89] {strides = array<i32>} : memref<63x80xi32, #tpu.memory_space<vmem>>, vector<1x16xi32>,
      %swap3A_91 = vector.shape_cast %swap3A_90 : vector<1x16xi32> to vector<16xi32>
      %swap3A_92 = vector.shape_cast %select_n3A_87 : vector<16xi32> to vector<1x16xi32>
      tpu.vector_store %arg8[%swap3A_88, %swap3A_89], %swap3A_92 {strides = array<i32>} : memref<63x80xi32, #tpu.memory_space<vmem>>, vector<1x16xi32>,
      %get3A_93 = arith.index_cast %scan3A_62 : i32 to index
      %get3A_94 = arith.constant 32 : index
      %get3A_95 = tpu.vector_load %arg8[%get3A_93, %get3A_94] {strides = array<i32>} : memref<63x80xi32, #tpu.memory_space<vmem>>, vector<1x16xi32>,
      %get3A_96 = vector.shape_cast %get3A_95 : vector<1x16xi32> to vector<16xi32>
      %add3A_97 = vector.broadcast %mul3A_2 : i32 to vector<16xi32>
      %add3A_98 = arith.addi %get3A_96, %add3A_97 : vector<16xi32>
      %ge3A_99 = arith.constant 10240 : i32
      %ge3A_100 = vector.broadcast %ge3A_99 : i32 to vector<16xi32>
      %ge3A_101 = arith.cmpi sge, %add3A_98, %ge3A_100 : vector<16xi32>
      %sub3A_102 = arith.constant 10240 : i32
      %sub3A_103 = vector.broadcast %sub3A_102 : i32 to vector<16xi32>
      %sub3A_104 = arith.subi %add3A_98, %sub3A_103 : vector<16xi32>
      %select_n3A_105 = arith.select %ge3A_101, %sub3A_104, %add3A_98 : vector<16xi1>, vector<16xi32>
      %swap3A_106 = arith.index_cast %scan3A_62 : i32 to index
      %swap3A_107 = arith.constant 32 : index
      %swap3A_108 = tpu.vector_load %arg8[%swap3A_106, %swap3A_107] {strides = array<i32>} : memref<63x80xi32, #tpu.memory_space<vmem>>, vector<1x16xi32>,
      %swap3A_109 = vector.shape_cast %swap3A_108 : vector<1x16xi32> to vector<16xi32>
      %swap3A_110 = vector.shape_cast %select_n3A_105 : vector<16xi32> to vector<1x16xi32>
      tpu.vector_store %arg8[%swap3A_106, %swap3A_107], %swap3A_110 {strides = array<i32>} : memref<63x80xi32, #tpu.memory_space<vmem>>, vector<1x16xi32>,
      %get3A_111 = arith.index_cast %scan3A_62 : i32 to index
      %get3A_112 = arith.constant 48 : index
      %get3A_113 = tpu.vector_load %arg8[%get3A_111, %get3A_112] {strides = array<i32>} : memref<63x80xi32, #tpu.memory_space<vmem>>, vector<1x16xi32>,
      %get3A_114 = vector.shape_cast %get3A_113 : vector<1x16xi32> to vector<16xi32>
      %add3A_115 = vector.broadcast %mul3A_2 : i32 to vector<16xi32>
      %add3A_116 = arith.addi %get3A_114, %add3A_115 : vector<16xi32>
      %ge3A_117 = arith.constant 10240 : i32
      %ge3A_118 = vector.broadcast %ge3A_117 : i32 to vector<16xi32>
      %ge3A_119 = arith.cmpi sge, %add3A_116, %ge3A_118 : vector<16xi32>
      %sub3A_120 = arith.constant 10240 : i32
      %sub3A_121 = vector.broadcast %sub3A_120 : i32 to vector<16xi32>
      %sub3A_122 = arith.subi %add3A_116, %sub3A_121 : vector<16xi32>
      %select_n3A_123 = arith.select %ge3A_119, %sub3A_122, %add3A_116 : vector<16xi1>, vector<16xi32>
      %swap3A_124 = arith.index_cast %scan3A_62 : i32 to index
      %swap3A_125 = arith.constant 48 : index
      %swap3A_126 = tpu.vector_load %arg8[%swap3A_124, %swap3A_125] {strides = array<i32>} : memref<63x80xi32, #tpu.memory_space<vmem>>, vector<1x16xi32>,
      %swap3A_127 = vector.shape_cast %swap3A_126 : vector<1x16xi32> to vector<16xi32>
      %swap3A_128 = vector.shape_cast %select_n3A_123 : vector<16xi32> to vector<1x16xi32>
      tpu.vector_store %arg8[%swap3A_124, %swap3A_125], %swap3A_128 {strides = array<i32>} : memref<63x80xi32, #tpu.memory_space<vmem>>, vector<1x16xi32>,
      %get3A_129 = arith.index_cast %scan3A_62 : i32 to index
      %get3A_130 = arith.constant 64 : index
      %get3A_131 = tpu.vector_load %arg8[%get3A_129, %get3A_130] {strides = array<i32>} : memref<63x80xi32, #tpu.memory_space<vmem>>, vector<1x16xi32>,
      %get3A_132 = vector.shape_cast %get3A_131 : vector<1x16xi32> to vector<16xi32>
      %add3A_133 = vector.broadcast %mul3A_2 : i32 to vector<16xi32>
      %add3A_134 = arith.addi %get3A_132, %add3A_133 : vector<16xi32>
      %ge3A_135 = arith.constant 10240 : i32
      %ge3A_136 = vector.broadcast %ge3A_135 : i32 to vector<16xi32>
      %ge3A_137 = arith.cmpi sge, %add3A_134, %ge3A_136 : vector<16xi32>
      %sub3A_138 = arith.constant 10240 : i32
      %sub3A_139 = vector.broadcast %sub3A_138 : i32 to vector<16xi32>
      %sub3A_140 = arith.subi %add3A_134, %sub3A_139 : vector<16xi32>
      %select_n3A_141 = arith.select %ge3A_137, %sub3A_140, %add3A_134 : vector<16xi1>, vector<16xi32>
      %swap3A_142 = arith.index_cast %scan3A_62 : i32 to index
      %swap3A_143 = arith.constant 64 : index
      %swap3A_144 = tpu.vector_load %arg8[%swap3A_142, %swap3A_143] {strides = array<i32>} : memref<63x80xi32, #tpu.memory_space<vmem>>, vector<1x16xi32>,
      %swap3A_145 = vector.shape_cast %swap3A_144 : vector<1x16xi32> to vector<16xi32>
      %swap3A_146 = vector.shape_cast %select_n3A_141 : vector<16xi32> to vector<1x16xi32>
      tpu.vector_store %arg8[%swap3A_142, %swap3A_143], %swap3A_146 {strides = array<i32>} : memref<63x80xi32, #tpu.memory_space<vmem>>, vector<1x16xi32>,
    }
    %scan3A_35 = arith.constant 63 : i32
    %dma_start3A_36 = arith.constant 0 : i32
    %dma_start3A_37 = arith.constant 0 : i32
    %dma_start3A_38 = tpu.memref_slice %arg7[%dma_start3A_36, %dma_start3A_37] : memref<63x80xi32, #tpu.memory_space<vmem>> -> memref<1x80xi32, #tpu.memory_space<vmem>>
    %dma_start3A_39 = tpu.memref_squeeze %dma_start3A_38 : memref<1x80xi32, #tpu.memory_space<vmem>> -> memref<80xi32, #tpu.memory_space<vmem>>
    %dma_start3A_40 = arith.constant 0 : i32
    %dma_start3A_41 = arith.constant 0 : i32
    %dma_start3A_42 = tpu.memref_slice %arg2[%dma_start3A_40, %dma_start3A_41] : memref<10000x128xf32, #tpu.memory_space<hbm>> -> memref<10000x128xf32, #tpu.memory_space<hbm>>
    tpu.enqueue_indirect_dma source(%dma_start3A_42 : memref<10000x128xf32, #tpu.memory_space<hbm>>) target(%arg9 : memref<80x128xf32, #tpu.memory_space<vmem>>) offsets(%dma_start3A_39 : memref<80xi32, #tpu.memory_space<vmem>>) semaphore(%arg12 : memref<!tpu.dma_semaphore, #tpu.memory_space<semaphore_mem>>)
    %scan3A_43 = arith.constant 0 : i32
    %scan3A_44 = arith.constant 0 : i32
    %scan3A_45 = arith.constant 31 : i32
    %scan3A_46 = arith.addi %scan3A_44, %scan3A_45 : i32
    %scan3A_47 = arith.constant 1 : i32
    scf.for %scan3A_62 = %scan3A_44 to %scan3A_46 step %scan3A_47  : i32 {
      %mul3A_63 = arith.constant 2 : i32
      %mul3A_64 = arith.muli %mul3A_63, %scan3A_62 : i32
      %add3A = arith.constant 1 : i32
      %add3A_65 = arith.addi %mul3A_64, %add3A : i32
      %dma_start3A_66 = arith.constant 0 : i32
      %dma_start3A_67 = tpu.memref_slice %arg7[%add3A_65, %dma_start3A_66] : memref<63x80xi32, #tpu.memory_space<vmem>> -> memref<1x80xi32, #tpu.memory_space<vmem>>
      %dma_start3A_68 = tpu.memref_squeeze %dma_start3A_67 : memref<1x80xi32, #tpu.memory_space<vmem>> -> memref<80xi32, #tpu.memory_space<vmem>>
      %dma_start3A_69 = arith.constant 0 : i32
      %dma_start3A_70 = arith.constant 0 : i32
      %dma_start3A_71 = tpu.memref_slice %arg2[%dma_start3A_69, %dma_start3A_70] : memref<10000x128xf32, #tpu.memory_space<hbm>> -> memref<10000x128xf32, #tpu.memory_space<hbm>>
      tpu.enqueue_indirect_dma source(%dma_start3A_71 : memref<10000x128xf32, #tpu.memory_space<hbm>>) target(%arg10 : memref<80x128xf32, #tpu.memory_space<vmem>>) offsets(%dma_start3A_68 : memref<80xi32, #tpu.memory_space<vmem>>) semaphore(%arg13 : memref<!tpu.dma_semaphore, #tpu.memory_space<semaphore_mem>>)
      %dma_wait3A_72 = arith.constant 0 : i32
      %dma_wait3A_73 = tpu.memref_slice %arg7[%mul3A_64, %dma_wait3A_72] : memref<63x80xi32, #tpu.memory_space<vmem>> -> memref<1x80xi32, #tpu.memory_space<vmem>>
      %dma_wait3A_74 = tpu.memref_squeeze %dma_wait3A_73 : memref<1x80xi32, #tpu.memory_space<vmem>> -> memref<80xi32, #tpu.memory_space<vmem>>
      %dma_wait3A_75 = arith.constant 0 : i32
      %dma_wait3A_76 = arith.constant 0 : i32
      %dma_wait3A_77 = tpu.memref_slice %arg2[%dma_wait3A_75, %dma_wait3A_76] : memref<10000x128xf32, #tpu.memory_space<hbm>> -> memref<10000x128xf32, #tpu.memory_space<hbm>>
      tpu.wait_indirect_dma semaphore(%arg12 : memref<!tpu.dma_semaphore, #tpu.memory_space<semaphore_mem>>) src(%dma_wait3A_77 : memref<10000x128xf32, #tpu.memory_space<hbm>>) dst(%arg9 : memref<80x128xf32, #tpu.memory_space<vmem>>)
      "tpu.region"() ({
        %run_scoped3A_96 = tpu.sem_alloc : memref<!tpu.dma_semaphore, #tpu.memory_space<semaphore_mem>>
        %dma_start3A_97 = arith.constant 0 : i32
        %dma_start3A_98 = tpu.memref_slice %arg8[%mul3A_64, %dma_start3A_97] : memref<63x80xi32, #tpu.memory_space<vmem>> -> memref<1x80xi32, #tpu.memory_space<vmem>>
        %dma_start3A_99 = tpu.memref_squeeze %dma_start3A_98 : memref<1x80xi32, #tpu.memory_space<vmem>> -> memref<80xi32, #tpu.memory_space<vmem>>
        %dma_start3A_100 = arith.constant 0 : i32
        %dma_start3A_101 = arith.constant 0 : i32
        %dma_start3A_102 = tpu.memref_slice %arg11[%dma_start3A_100, %dma_start3A_101] : memref<10240x128xf32, #tpu.memory_space<vmem_shared>> -> memref<10240x128xf32, #tpu.memory_space<vmem_shared>>
        tpu.enqueue_indirect_dma source(%arg9 : memref<80x128xf32, #tpu.memory_space<vmem>>) target(%dma_start3A_102 : memref<10240x128xf32, #tpu.memory_space<vmem_shared>>) offsets(%dma_start3A_99 : memref<80xi32, #tpu.memory_space<vmem>>) semaphore(%run_scoped3A_96 : memref<!tpu.dma_semaphore, #tpu.memory_space<semaphore_mem>>) {add = true}
        %dma_wait3A_103 = arith.constant 0 : i32
        %dma_wait3A_104 = tpu.memref_slice %arg8[%mul3A_64, %dma_wait3A_103] : memref<63x80xi32, #tpu.memory_space<vmem>> -> memref<1x80xi32, #tpu.memory_space<vmem>>
        %dma_wait3A_105 = tpu.memref_squeeze %dma_wait3A_104 : memref<1x80xi32, #tpu.memory_space<vmem>> -> memref<80xi32, #tpu.memory_space<vmem>>
        %dma_wait3A_106 = arith.constant 0 : i32
        %dma_wait3A_107 = arith.constant 0 : i32
        %dma_wait3A_108 = tpu.memref_slice %arg11[%dma_wait3A_106, %dma_wait3A_107] : memref<10240x128xf32, #tpu.memory_space<vmem_shared>> -> memref<10240x128xf32, #tpu.memory_space<vmem_shared>>
        tpu.wait_indirect_dma semaphore(%run_scoped3A_96 : memref<!tpu.dma_semaphore, #tpu.memory_space<semaphore_mem>>) src(%arg9 : memref<80x128xf32, #tpu.memory_space<vmem>>) dst(%dma_wait3A_108 : memref<10240x128xf32, #tpu.memory_space<vmem_shared>>)
        tpu.yield
      }) : () -> ()
      %add3A_78 = arith.constant 2 : i32
      %add3A_79 = arith.addi %mul3A_64, %add3A_78 : i32
      %dma_start3A_80 = arith.constant 0 : i32
      %dma_start3A_81 = tpu.memref_slice %arg7[%add3A_79, %dma_start3A_80] : memref<63x80xi32, #tpu.memory_space<vmem>> -> memref<1x80xi32, #tpu.memory_space<vmem>>
      %dma_start3A_82 = tpu.memref_squeeze %dma_start3A_81 : memref<1x80xi32, #tpu.memory_space<vmem>> -> memref<80xi32, #tpu.memory_space<vmem>>
      %dma_start3A_83 = arith.constant 0 : i32
      %dma_start3A_84 = arith.constant 0 : i32
      %dma_start3A_85 = tpu.memref_slice %arg2[%dma_start3A_83, %dma_start3A_84] : memref<10000x128xf32, #tpu.memory_space<hbm>> -> memref<10000x128xf32, #tpu.memory_space<hbm>>
      tpu.enqueue_indirect_dma source(%dma_start3A_85 : memref<10000x128xf32, #tpu.memory_space<hbm>>) target(%arg9 : memref<80x128xf32, #tpu.memory_space<vmem>>) offsets(%dma_start3A_82 : memref<80xi32, #tpu.memory_space<vmem>>) semaphore(%arg12 : memref<!tpu.dma_semaphore, #tpu.memory_space<semaphore_mem>>)
      %add3A_86 = arith.constant 1 : i32
      %add3A_87 = arith.addi %mul3A_64, %add3A_86 : i32
      %dma_wait3A_88 = arith.constant 0 : i32
      %dma_wait3A_89 = tpu.memref_slice %arg7[%add3A_87, %dma_wait3A_88] : memref<63x80xi32, #tpu.memory_space<vmem>> -> memref<1x80xi32, #tpu.memory_space<vmem>>
      %dma_wait3A_90 = tpu.memref_squeeze %dma_wait3A_89 : memref<1x80xi32, #tpu.memory_space<vmem>> -> memref<80xi32, #tpu.memory_space<vmem>>
      %dma_wait3A_91 = arith.constant 0 : i32
      %dma_wait3A_92 = arith.constant 0 : i32
      %dma_wait3A_93 = tpu.memref_slice %arg2[%dma_wait3A_91, %dma_wait3A_92] : memref<10000x128xf32, #tpu.memory_space<hbm>> -> memref<10000x128xf32, #tpu.memory_space<hbm>>
      tpu.wait_indirect_dma semaphore(%arg13 : memref<!tpu.dma_semaphore, #tpu.memory_space<semaphore_mem>>) src(%dma_wait3A_93 : memref<10000x128xf32, #tpu.memory_space<hbm>>) dst(%arg10 : memref<80x128xf32, #tpu.memory_space<vmem>>)
      %add3A_94 = arith.constant 1 : i32
      %add3A_95 = arith.addi %mul3A_64, %add3A_94 : i32
      "tpu.region"() ({
        %run_scoped3A_96 = tpu.sem_alloc : memref<!tpu.dma_semaphore, #tpu.memory_space<semaphore_mem>>
        %dma_start3A_97 = arith.constant 0 : i32
        %dma_start3A_98 = tpu.memref_slice %arg8[%add3A_95, %dma_start3A_97] : memref<63x80xi32, #tpu.memory_space<vmem>> -> memref<1x80xi32, #tpu.memory_space<vmem>>
        %dma_start3A_99 = tpu.memref_squeeze %dma_start3A_98 : memref<1x80xi32, #tpu.memory_space<vmem>> -> memref<80xi32, #tpu.memory_space<vmem>>
        %dma_start3A_100 = arith.constant 0 : i32
        %dma_start3A_101 = arith.constant 0 : i32
        %dma_start3A_102 = tpu.memref_slice %arg11[%dma_start3A_100, %dma_start3A_101] : memref<10240x128xf32, #tpu.memory_space<vmem_shared>> -> memref<10240x128xf32, #tpu.memory_space<vmem_shared>>
        tpu.enqueue_indirect_dma source(%arg10 : memref<80x128xf32, #tpu.memory_space<vmem>>) target(%dma_start3A_102 : memref<10240x128xf32, #tpu.memory_space<vmem_shared>>) offsets(%dma_start3A_99 : memref<80xi32, #tpu.memory_space<vmem>>) semaphore(%run_scoped3A_96 : memref<!tpu.dma_semaphore, #tpu.memory_space<semaphore_mem>>) {add = true}
        %dma_wait3A_103 = arith.constant 0 : i32
        %dma_wait3A_104 = tpu.memref_slice %arg8[%add3A_95, %dma_wait3A_103] : memref<63x80xi32, #tpu.memory_space<vmem>> -> memref<1x80xi32, #tpu.memory_space<vmem>>
        %dma_wait3A_105 = tpu.memref_squeeze %dma_wait3A_104 : memref<1x80xi32, #tpu.memory_space<vmem>> -> memref<80xi32, #tpu.memory_space<vmem>>
        %dma_wait3A_106 = arith.constant 0 : i32
        %dma_wait3A_107 = arith.constant 0 : i32
        %dma_wait3A_108 = tpu.memref_slice %arg11[%dma_wait3A_106, %dma_wait3A_107] : memref<10240x128xf32, #tpu.memory_space<vmem_shared>> -> memref<10240x128xf32, #tpu.memory_space<vmem_shared>>
        tpu.wait_indirect_dma semaphore(%run_scoped3A_96 : memref<!tpu.dma_semaphore, #tpu.memory_space<semaphore_mem>>) src(%arg10 : memref<80x128xf32, #tpu.memory_space<vmem>>) dst(%dma_wait3A_108 : memref<10240x128xf32, #tpu.memory_space<vmem_shared>>)
        tpu.yield
      }) : () -> ()
    }
    %scan3A_48 = arith.constant 31 : i32
    %dma_wait3A_49 = arith.constant 62 : i32
    %dma_wait3A_50 = arith.constant 0 : i32
    %dma_wait3A_51 = tpu.memref_slice %arg7[%dma_wait3A_49, %dma_wait3A_50] : memref<63x80xi32, #tpu.memory_space<vmem>> -> memref<1x80xi32, #tpu.memory_space<vmem>>
    %dma_wait3A_52 = tpu.memref_squeeze %dma_wait3A_51 : memref<1x80xi32, #tpu.memory_space<vmem>> -> memref<80xi32, #tpu.memory_space<vmem>>
    %dma_wait3A_53 = arith.constant 0 : i32
    %dma_wait3A_54 = arith.constant 0 : i32
    %dma_wait3A_55 = tpu.memref_slice %arg2[%dma_wait3A_53, %dma_wait3A_54] : memref<10000x128xf32, #tpu.memory_space<hbm>> -> memref<10000x128xf32, #tpu.memory_space<hbm>>
    tpu.wait_indirect_dma semaphore(%arg12 : memref<!tpu.dma_semaphore, #tpu.memory_space<semaphore_mem>>) src(%dma_wait3A_55 : memref<10000x128xf32, #tpu.memory_space<hbm>>) dst(%arg9 : memref<80x128xf32, #tpu.memory_space<vmem>>)
    %run_scoped3A_56 = arith.constant 62 : i32
    "tpu.region"() ({
      %run_scoped3A_62 = tpu.sem_alloc : memref<!tpu.dma_semaphore, #tpu.memory_space<semaphore_mem>>
      %dma_start3A_63 = arith.constant 0 : i32
      %dma_start3A_64 = tpu.memref_slice %arg8[%run_scoped3A_56, %dma_start3A_63] : memref<63x80xi32, #tpu.memory_space<vmem>> -> memref<1x80xi32, #tpu.memory_space<vmem>>
      %dma_start3A_65 = tpu.memref_squeeze %dma_start3A_64 : memref<1x80xi32, #tpu.memory_space<vmem>> -> memref<80xi32, #tpu.memory_space<vmem>>
      %dma_start3A_66 = arith.constant 0 : i32
      %dma_start3A_67 = arith.constant 0 : i32
      %dma_start3A_68 = tpu.memref_slice %arg11[%dma_start3A_66, %dma_start3A_67] : memref<10240x128xf32, #tpu.memory_space<vmem_shared>> -> memref<10240x128xf32, #tpu.memory_space<vmem_shared>>
      tpu.enqueue_indirect_dma source(%arg9 : memref<80x128xf32, #tpu.memory_space<vmem>>) target(%dma_start3A_68 : memref<10240x128xf32, #tpu.memory_space<vmem_shared>>) offsets(%dma_start3A_65 : memref<80xi32, #tpu.memory_space<vmem>>) semaphore(%run_scoped3A_62 : memref<!tpu.dma_semaphore, #tpu.memory_space<semaphore_mem>>) {add = true}
      %dma_wait3A_69 = arith.constant 0 : i32
      %dma_wait3A_70 = tpu.memref_slice %arg8[%run_scoped3A_56, %dma_wait3A_69] : memref<63x80xi32, #tpu.memory_space<vmem>> -> memref<1x80xi32, #tpu.memory_space<vmem>>
      %dma_wait3A_71 = tpu.memref_squeeze %dma_wait3A_70 : memref<1x80xi32, #tpu.memory_space<vmem>> -> memref<80xi32, #tpu.memory_space<vmem>>
      %dma_wait3A_72 = arith.constant 0 : i32
      %dma_wait3A_73 = arith.constant 0 : i32
      %dma_wait3A_74 = tpu.memref_slice %arg11[%dma_wait3A_72, %dma_wait3A_73] : memref<10240x128xf32, #tpu.memory_space<vmem_shared>> -> memref<10240x128xf32, #tpu.memory_space<vmem_shared>>
      tpu.wait_indirect_dma semaphore(%run_scoped3A_62 : memref<!tpu.dma_semaphore, #tpu.memory_space<semaphore_mem>>) src(%arg9 : memref<80x128xf32, #tpu.memory_space<vmem>>) dst(%dma_wait3A_74 : memref<10240x128xf32, #tpu.memory_space<vmem_shared>>)
      tpu.yield
    }) : () -> ()
    %barrier3A_57 = arith.constant 0 : index
    tpu.barrier barrier_id(%barrier3A_57)
    %mul3A_58 = arith.constant 640 : i32
    %mul3A_59 = arith.muli %arg1, %mul3A_58 : i32
    %mul3A_60 = arith.constant 640 : i32
    %mul3A_61 = arith.muli %arg1, %mul3A_60 : i32
    "tpu.region"() ({
      %run_scoped3A_62 = tpu.sem_alloc : memref<!tpu.dma_semaphore, #tpu.memory_space<semaphore_mem>>
      %dma_start3A_63 = arith.constant 0 : i32
      %dma_start3A_64 = tpu.memref_slice %arg6[%arg0, %mul3A_61, %dma_start3A_63] : memref<2x10240x128xf32, #tpu.memory_space<hbm>> -> memref<1x640x128xf32, #tpu.memory_space<hbm>>
      %dma_start3A_65 = tpu.memref_squeeze %dma_start3A_64 : memref<1x640x128xf32, #tpu.memory_space<hbm>> -> memref<640x128xf32, #tpu.memory_space<hbm>>
      %dma_start3A_66 = arith.constant 0 : i32
      %dma_start3A_67 = tpu.memref_slice %arg11[%mul3A_59, %dma_start3A_66] : memref<10240x128xf32, #tpu.memory_space<vmem_shared>> -> memref<640x128xf32, #tpu.memory_space<vmem_shared>>
      tpu.enqueue_dma source(%dma_start3A_67 : memref<640x128xf32, #tpu.memory_space<vmem_shared>>) target(%dma_start3A_65 : memref<640x128xf32, #tpu.memory_space<hbm>>) target_semaphore(%run_scoped3A_62 : memref<!tpu.dma_semaphore, #tpu.memory_space<semaphore_mem>>)
      %dma_wait3A_68 = arith.constant 0 : i32
      %dma_wait3A_69 = tpu.memref_slice %arg6[%arg0, %mul3A_61, %dma_wait3A_68] : memref<2x10240x128xf32, #tpu.memory_space<hbm>> -> memref<1x640x128xf32, #tpu.memory_space<hbm>>
      %dma_wait3A_70 = tpu.memref_squeeze %dma_wait3A_69 : memref<1x640x128xf32, #tpu.memory_space<hbm>> -> memref<640x128xf32, #tpu.memory_space<hbm>>
      %dma_wait3A_71 = arith.constant 0 : i32
      %dma_wait3A_72 = tpu.memref_slice %arg11[%mul3A_59, %dma_wait3A_71] : memref<10240x128xf32, #tpu.memory_space<vmem_shared>> -> memref<640x128xf32, #tpu.memory_space<vmem_shared>>
      tpu.wait_dma2 semaphore(%run_scoped3A_62 : memref<!tpu.dma_semaphore, #tpu.memory_space<semaphore_mem>>) src(%dma_wait3A_72 : memref<640x128xf32, #tpu.memory_space<vmem_shared>>) dst(%dma_wait3A_70 : memref<640x128xf32, #tpu.memory_space<hbm>>)
      tpu.yield
    }) : () -> ()
    return
  }
}

#map = affine_map<(d0, d1) -> (0, 0)>
#map1 = affine_map<(d0, d1) -> (0, 0, 0, 0, 0)>
#map2 = affine_map<(d0, d1) -> (0, 0, 0)>
module attributes {stable_mosaic.version = 14 : i64} {
  func.func @_sc_segment_sum(%arg0: i32, %arg1: i32, %arg2: memref<10000x128xf32, #tpu.memory_space<hbm>>, %arg3: memref<2x2x16x63x80xi32, #tpu.memory_space<hbm>>, %arg4: memref<2x2x16x63x80xi32, #tpu.memory_space<hbm>>, %arg5: memref<640x128xf32, #tpu.memory_space<hbm>>, %arg6: memref<2x10240x128xf32, #tpu.memory_space<hbm>>, %arg7: memref<63x80xi32, #tpu.memory_space<vmem>>, %arg8: memref<63x80xi32, #tpu.memory_space<vmem>>, %arg9: memref<80x128xf32, #tpu.memory_space<vmem>>, %arg10: memref<80x128xf32, #tpu.memory_space<vmem>>, %arg11: memref<10240x128xf32, #tpu.memory_space<vmem_shared>>, %arg12: memref<!tpu.dma_semaphore, #tpu.memory_space<semaphore_mem>>, %arg13: memref<!tpu.dma_semaphore, #tpu.memory_space<semaphore_mem>>) attributes {dimension_semantics = [#tpu.dimension_semantics<core_parallel>, #tpu.dimension_semantics<subcore_parallel>], iteration_bounds = array<i64: 2, 16>, scalar_prefetch = 0 : i64, scratch_operands = 7 : i64, tpu.core_type = #tpu.core_type<sc_vector_subcore>, window_params = [{transform_indices = #map}, {transform_indices = #map1}, {transform_indices = #map1}, {transform_indices = #map}, {transform_indices = #map2}]} {
    %mul3A = arith.constant 640 : i32
    %mul3A_0 = arith.muli %arg1, %mul3A : i32
    "tpu.region"() ({
      %run_scoped3A_62 = tpu.sem_alloc : memref<!tpu.dma_semaphore, #tpu.memory_space<semaphore_mem>>
      %dma_start3A_63 = arith.constant 0 : i32
      %dma_start3A_64 = tpu.memref_slice %arg11[%mul3A_0, %dma_start3A_63] : memref<10240x128xf32, #tpu.memory_space<vmem_shared>> -> memref<640x128xf32, #tpu.memory_space<vmem_shared>>
      tpu.enqueue_dma source(%arg5 : memref<640x128xf32, #tpu.memory_space<hbm>>) target(%dma_start3A_64 : memref<640x128xf32, #tpu.memory_space<vmem_shared>>) target_semaphore(%run_scoped3A_62 : memref<!tpu.dma_semaphore, #tpu.memory_space<semaphore_mem>>)
      %dma_wait3A_65 = arith.constant 0 : i32
      %dma_wait3A_66 = tpu.memref_slice %arg11[%mul3A_0, %dma_wait3A_65] : memref<10240x128xf32, #tpu.memory_space<vmem_shared>> -> memref<640x128xf32, #tpu.memory_space<vmem_shared>>
      tpu.wait_dma2 semaphore(%run_scoped3A_62 : memref<!tpu.dma_semaphore, #tpu.memory_space<semaphore_mem>>) src(%arg5 : memref<640x128xf32, #tpu.memory_space<hbm>>) dst(%dma_wait3A_66 : memref<640x128xf32, #tpu.memory_space<vmem_shared>>)
      tpu.yield
    }) : () -> ()
    %mul3A_1 = arith.constant 5120 : i32
    %mul3A_2 = arith.muli %arg0, %mul3A_1 : i32
    %run_scoped3A = arith.constant 0 : i32
    "tpu.region"() ({
      %run_scoped3A_62 = tpu.sem_alloc : memref<!tpu.dma_semaphore, #tpu.memory_space<semaphore_mem>>
      %dma_start3A_63 = arith.constant 0 : i32
      %dma_start3A_64 = arith.constant 0 : i32
      %dma_start3A_65 = tpu.memref_slice %arg3[%run_scoped3A, %arg0, %arg1, %dma_start3A_63, %dma_start3A_64] : memref<2x2x16x63x80xi32, #tpu.memory_space<hbm>> -> memref<1x1x1x63x80xi32, #tpu.memory_space<hbm>>
      %dma_start3A_66 = tpu.memref_squeeze %dma_start3A_65 : memref<1x1x1x63x80xi32, #tpu.memory_space<hbm>> -> memref<63x80xi32, #tpu.memory_space<hbm>>
      %dma_start3A_67 = arith.constant 0 : i32
      %dma_start3A_68 = arith.constant 0 : i32
      %dma_start3A_69 = tpu.memref_slice %arg3[%run_scoped3A, %arg0, %arg1, %dma_start3A_67, %dma_start3A_68] : memref<2x2x16x63x80xi32, #tpu.memory_space<hbm>> -> memref<1x1x1x63x80xi32, #tpu.memory_space<hbm>>
      %dma_start3A_70 = tpu.memref_squeeze %dma_start3A_69 : memref<1x1x1x63x80xi32, #tpu.memory_space<hbm>> -> memref<63x80xi32, #tpu.memory_space<hbm>>
      tpu.enqueue_dma source(%dma_start3A_70 : memref<63x80xi32, #tpu.memory_space<hbm>>) target(%arg7 : memref<63x80xi32, #tpu.memory_space<vmem>>) target_semaphore(%run_scoped3A_62 : memref<!tpu.dma_semaphore, #tpu.memory_space<semaphore_mem>>)
      %dma_wait3A_71 = arith.constant 0 : i32
      %dma_wait3A_72 = arith.constant 0 : i32
      %dma_wait3A_73 = tpu.memref_slice %arg3[%run_scoped3A, %arg0, %arg1, %dma_wait3A_71, %dma_wait3A_72] : memref<2x2x16x63x80xi32, #tpu.memory_space<hbm>> -> memref<1x1x1x63x80xi32, #tpu.memory_space<hbm>>
      %dma_wait3A_74 = tpu.memref_squeeze %dma_wait3A_73 : memref<1x1x1x63x80xi32, #tpu.memory_space<hbm>> -> memref<63x80xi32, #tpu.memory_space<hbm>>
      %dma_wait3A_75 = arith.constant 0 : i32
      %dma_wait3A_76 = arith.constant 0 : i32
      %dma_wait3A_77 = tpu.memref_slice %arg3[%run_scoped3A, %arg0, %arg1, %dma_wait3A_75, %dma_wait3A_76] : memref<2x2x16x63x80xi32, #tpu.memory_space<hbm>> -> memref<1x1x1x63x80xi32, #tpu.memory_space<hbm>>
      %dma_wait3A_78 = tpu.memref_squeeze %dma_wait3A_77 : memref<1x1x1x63x80xi32, #tpu.memory_space<hbm>> -> memref<63x80xi32, #tpu.memory_space<hbm>>
      tpu.wait_dma2 semaphore(%run_scoped3A_62 : memref<!tpu.dma_semaphore, #tpu.memory_space<semaphore_mem>>) src(%dma_wait3A_78 : memref<63x80xi32, #tpu.memory_space<hbm>>) dst(%arg7 : memref<63x80xi32, #tpu.memory_space<vmem>>)
      tpu.yield
    }) : () -> ()
    %run_scoped3A_3 = arith.constant 0 : i32
    "tpu.region"() ({
      %run_scoped3A_62 = tpu.sem_alloc : memref<!tpu.dma_semaphore, #tpu.memory_space<semaphore_mem>>
      %dma_start3A_63 = arith.constant 0 : i32
      %dma_start3A_64 = arith.constant 0 : i32
      %dma_start3A_65 = tpu.memref_slice %arg4[%run_scoped3A_3, %arg0, %arg1, %dma_start3A_63, %dma_start3A_64] : memref<2x2x16x63x80xi32, #tpu.memory_space<hbm>> -> memref<1x1x1x63x80xi32, #tpu.memory_space<hbm>>
      %dma_start3A_66 = tpu.memref_squeeze %dma_start3A_65 : memref<1x1x1x63x80xi32, #tpu.memory_space<hbm>> -> memref<63x80xi32, #tpu.memory_space<hbm>>
      %dma_start3A_67 = arith.constant 0 : i32
      %dma_start3A_68 = arith.constant 0 : i32
      %dma_start3A_69 = tpu.memref_slice %arg4[%run_scoped3A_3, %arg0, %arg1, %dma_start3A_67, %dma_start3A_68] : memref<2x2x16x63x80xi32, #tpu.memory_space<hbm>> -> memref<1x1x1x63x80xi32, #tpu.memory_space<hbm>>
      %dma_start3A_70 = tpu.memref_squeeze %dma_start3A_69 : memref<1x1x1x63x80xi32, #tpu.memory_space<hbm>> -> memref<63x80xi32, #tpu.memory_space<hbm>>
      tpu.enqueue_dma source(%dma_start3A_70 : memref<63x80xi32, #tpu.memory_space<hbm>>) target(%arg8 : memref<63x80xi32, #tpu.memory_space<vmem>>) target_semaphore(%run_scoped3A_62 : memref<!tpu.dma_semaphore, #tpu.memory_space<semaphore_mem>>)
      %dma_wait3A_71 = arith.constant 0 : i32
      %dma_wait3A_72 = arith.constant 0 : i32
      %dma_wait3A_73 = tpu.memref_slice %arg4[%run_scoped3A_3, %arg0, %arg1, %dma_wait3A_71, %dma_wait3A_72] : memref<2x2x16x63x80xi32, #tpu.memory_space<hbm>> -> memref<1x1x1x63x80xi32, #tpu.memory_space<hbm>>
      %dma_wait3A_74 = tpu.memref_squeeze %dma_wait3A_73 : memref<1x1x1x63x80xi32, #tpu.memory_space<hbm>> -> memref<63x80xi32, #tpu.memory_space<hbm>>
      %dma_wait3A_75 = arith.constant 0 : i32
      %dma_wait3A_76 = arith.constant 0 : i32
      %dma_wait3A_77 = tpu.memref_slice %arg4[%run_scoped3A_3, %arg0, %arg1, %dma_wait3A_75, %dma_wait3A_76] : memref<2x2x16x63x80xi32, #tpu.memory_space<hbm>> -> memref<1x1x1x63x80xi32, #tpu.memory_space<hbm>>
      %dma_wait3A_78 = tpu.memref_squeeze %dma_wait3A_77 : memref<1x1x1x63x80xi32, #tpu.memory_space<hbm>> -> memref<63x80xi32, #tpu.memory_space<hbm>>
      tpu.wait_dma2 semaphore(%run_scoped3A_62 : memref<!tpu.dma_semaphore, #tpu.memory_space<semaphore_mem>>) src(%dma_wait3A_78 : memref<63x80xi32, #tpu.memory_space<hbm>>) dst(%arg8 : memref<63x80xi32, #tpu.memory_space<vmem>>)
      tpu.yield
    }) : () -> ()
    %scan3A = arith.constant 0 : i32
    %scan3A_4 = arith.constant 0 : i32
    %scan3A_5 = arith.constant 63 : i32
    %scan3A_6 = arith.addi %scan3A_4, %scan3A_5 : i32
    %scan3A_7 = arith.constant 1 : i32
    scf.for %scan3A_62 = %scan3A_4 to %scan3A_6 step %scan3A_7  : i32 {
      %get3A = arith.index_cast %scan3A_62 : i32 to index
      %get3A_63 = arith.constant 0 : index
      %get3A_64 = tpu.vector_load %arg8[%get3A, %get3A_63] {strides = array<i32>} : memref<63x80xi32, #tpu.memory_space<vmem>>, vector<1x16xi32>,
      %get3A_65 = vector.shape_cast %get3A_64 : vector<1x16xi32> to vector<16xi32>
      %add3A = vector.broadcast %mul3A_2 : i32 to vector<16xi32>
      %add3A_66 = arith.addi %get3A_65, %add3A : vector<16xi32>
      %ge3A = arith.constant 10240 : i32
      %ge3A_67 = vector.broadcast %ge3A : i32 to vector<16xi32>
      %ge3A_68 = arith.cmpi sge, %add3A_66, %ge3A_67 : vector<16xi32>
      %sub3A = arith.constant 10240 : i32
      %sub3A_69 = vector.broadcast %sub3A : i32 to vector<16xi32>
      %sub3A_70 = arith.subi %add3A_66, %sub3A_69 : vector<16xi32>
      %select_n3A = arith.select %ge3A_68, %sub3A_70, %add3A_66 : vector<16xi1>, vector<16xi32>
      %swap3A = arith.index_cast %scan3A_62 : i32 to index
      %swap3A_71 = arith.constant 0 : index
      %swap3A_72 = tpu.vector_load %arg8[%swap3A, %swap3A_71] {strides = array<i32>} : memref<63x80xi32, #tpu.memory_space<vmem>>, vector<1x16xi32>,
      %swap3A_73 = vector.shape_cast %swap3A_72 : vector<1x16xi32> to vector<16xi32>
      %swap3A_74 = vector.shape_cast %select_n3A : vector<16xi32> to vector<1x16xi32>
      tpu.vector_store %arg8[%swap3A, %swap3A_71], %swap3A_74 {strides = array<i32>} : memref<63x80xi32, #tpu.memory_space<vmem>>, vector<1x16xi32>,
      %get3A_75 = arith.index_cast %scan3A_62 : i32 to index
      %get3A_76 = arith.constant 16 : index
      %get3A_77 = tpu.vector_load %arg8[%get3A_75, %get3A_76] {strides = array<i32>} : memref<63x80xi32, #tpu.memory_space<vmem>>, vector<1x16xi32>,
      %get3A_78 = vector.shape_cast %get3A_77 : vector<1x16xi32> to vector<16xi32>
      %add3A_79 = vector.broadcast %mul3A_2 : i32 to vector<16xi32>
      %add3A_80 = arith.addi %get3A_78, %add3A_79 : vector<16xi32>
      %ge3A_81 = arith.constant 10240 : i32
      %ge3A_82 = vector.broadcast %ge3A_81 : i32 to vector<16xi32>
      %ge3A_83 = arith.cmpi sge, %add3A_80, %ge3A_82 : vector<16xi32>
      %sub3A_84 = arith.constant 10240 : i32
      %sub3A_85 = vector.broadcast %sub3A_84 : i32 to vector<16xi32>
      %sub3A_86 = arith.subi %add3A_80, %sub3A_85 : vector<16xi32>
      %select_n3A_87 = arith.select %ge3A_83, %sub3A_86, %add3A_80 : vector<16xi1>, vector<16xi32>
      %swap3A_88 = arith.index_cast %scan3A_62 : i32 to index
      %swap3A_89 = arith.constant 16 : index
      %swap3A_90 = tpu.vector_load %arg8[%swap3A_88, %swap3A_89] {strides = array<i32>} : memref<63x80xi32, #tpu.memory_space<vmem>>, vector<1x16xi32>,
      %swap3A_91 = vector.shape_cast %swap3A_90 : vector<1x16xi32> to vector<16xi32>
      %swap3A_92 = vector.shape_cast %select_n3A_87 : vector<16xi32> to vector<1x16xi32>
      tpu.vector_store %arg8[%swap3A_88, %swap3A_89], %swap3A_92 {strides = array<i32>} : memref<63x80xi32, #tpu.memory_space<vmem>>, vector<1x16xi32>,
      %get3A_93 = arith.index_cast %scan3A_62 : i32 to index
      %get3A_94 = arith.constant 32 : index
      %get3A_95 = tpu.vector_load %arg8[%get3A_93, %get3A_94] {strides = array<i32>} : memref<63x80xi32, #tpu.memory_space<vmem>>, vector<1x16xi32>,
      %get3A_96 = vector.shape_cast %get3A_95 : vector<1x16xi32> to vector<16xi32>
      %add3A_97 = vector.broadcast %mul3A_2 : i32 to vector<16xi32>
      %add3A_98 = arith.addi %get3A_96, %add3A_97 : vector<16xi32>
      %ge3A_99 = arith.constant 10240 : i32
      %ge3A_100 = vector.broadcast %ge3A_99 : i32 to vector<16xi32>
      %ge3A_101 = arith.cmpi sge, %add3A_98, %ge3A_100 : vector<16xi32>
      %sub3A_102 = arith.constant 10240 : i32
      %sub3A_103 = vector.broadcast %sub3A_102 : i32 to vector<16xi32>
      %sub3A_104 = arith.subi %add3A_98, %sub3A_103 : vector<16xi32>
      %select_n3A_105 = arith.select %ge3A_101, %sub3A_104, %add3A_98 : vector<16xi1>, vector<16xi32>
      %swap3A_106 = arith.index_cast %scan3A_62 : i32 to index
      %swap3A_107 = arith.constant 32 : index
      %swap3A_108 = tpu.vector_load %arg8[%swap3A_106, %swap3A_107] {strides = array<i32>} : memref<63x80xi32, #tpu.memory_space<vmem>>, vector<1x16xi32>,
      %swap3A_109 = vector.shape_cast %swap3A_108 : vector<1x16xi32> to vector<16xi32>
      %swap3A_110 = vector.shape_cast %select_n3A_105 : vector<16xi32> to vector<1x16xi32>
      tpu.vector_store %arg8[%swap3A_106, %swap3A_107], %swap3A_110 {strides = array<i32>} : memref<63x80xi32, #tpu.memory_space<vmem>>, vector<1x16xi32>,
      %get3A_111 = arith.index_cast %scan3A_62 : i32 to index
      %get3A_112 = arith.constant 48 : index
      %get3A_113 = tpu.vector_load %arg8[%get3A_111, %get3A_112] {strides = array<i32>} : memref<63x80xi32, #tpu.memory_space<vmem>>, vector<1x16xi32>,
      %get3A_114 = vector.shape_cast %get3A_113 : vector<1x16xi32> to vector<16xi32>
      %add3A_115 = vector.broadcast %mul3A_2 : i32 to vector<16xi32>
      %add3A_116 = arith.addi %get3A_114, %add3A_115 : vector<16xi32>
      %ge3A_117 = arith.constant 10240 : i32
      %ge3A_118 = vector.broadcast %ge3A_117 : i32 to vector<16xi32>
      %ge3A_119 = arith.cmpi sge, %add3A_116, %ge3A_118 : vector<16xi32>
      %sub3A_120 = arith.constant 10240 : i32
      %sub3A_121 = vector.broadcast %sub3A_120 : i32 to vector<16xi32>
      %sub3A_122 = arith.subi %add3A_116, %sub3A_121 : vector<16xi32>
      %select_n3A_123 = arith.select %ge3A_119, %sub3A_122, %add3A_116 : vector<16xi1>, vector<16xi32>
      %swap3A_124 = arith.index_cast %scan3A_62 : i32 to index
      %swap3A_125 = arith.constant 48 : index
      %swap3A_126 = tpu.vector_load %arg8[%swap3A_124, %swap3A_125] {strides = array<i32>} : memref<63x80xi32, #tpu.memory_space<vmem>>, vector<1x16xi32>,
      %swap3A_127 = vector.shape_cast %swap3A_126 : vector<1x16xi32> to vector<16xi32>
      %swap3A_128 = vector.shape_cast %select_n3A_123 : vector<16xi32> to vector<1x16xi32>
      tpu.vector_store %arg8[%swap3A_124, %swap3A_125], %swap3A_128 {strides = array<i32>} : memref<63x80xi32, #tpu.memory_space<vmem>>, vector<1x16xi32>,
      %get3A_129 = arith.index_cast %scan3A_62 : i32 to index
      %get3A_130 = arith.constant 64 : index
      %get3A_131 = tpu.vector_load %arg8[%get3A_129, %get3A_130] {strides = array<i32>} : memref<63x80xi32, #tpu.memory_space<vmem>>, vector<1x16xi32>,
      %get3A_132 = vector.shape_cast %get3A_131 : vector<1x16xi32> to vector<16xi32>
      %add3A_133 = vector.broadcast %mul3A_2 : i32 to vector<16xi32>
      %add3A_134 = arith.addi %get3A_132, %add3A_133 : vector<16xi32>
      %ge3A_135 = arith.constant 10240 : i32
      %ge3A_136 = vector.broadcast %ge3A_135 : i32 to vector<16xi32>
      %ge3A_137 = arith.cmpi sge, %add3A_134, %ge3A_136 : vector<16xi32>
      %sub3A_138 = arith.constant 10240 : i32
      %sub3A_139 = vector.broadcast %sub3A_138 : i32 to vector<16xi32>
      %sub3A_140 = arith.subi %add3A_134, %sub3A_139 : vector<16xi32>
      %select_n3A_141 = arith.select %ge3A_137, %sub3A_140, %add3A_134 : vector<16xi1>, vector<16xi32>
      %swap3A_142 = arith.index_cast %scan3A_62 : i32 to index
      %swap3A_143 = arith.constant 64 : index
      %swap3A_144 = tpu.vector_load %arg8[%swap3A_142, %swap3A_143] {strides = array<i32>} : memref<63x80xi32, #tpu.memory_space<vmem>>, vector<1x16xi32>,
      %swap3A_145 = vector.shape_cast %swap3A_144 : vector<1x16xi32> to vector<16xi32>
      %swap3A_146 = vector.shape_cast %select_n3A_141 : vector<16xi32> to vector<1x16xi32>
      tpu.vector_store %arg8[%swap3A_142, %swap3A_143], %swap3A_146 {strides = array<i32>} : memref<63x80xi32, #tpu.memory_space<vmem>>, vector<1x16xi32>,
    }
    %scan3A_8 = arith.constant 63 : i32
    %barrier3A = arith.constant 0 : index
    tpu.barrier barrier_id(%barrier3A)
    %dma_start3A = arith.constant 0 : i32
    %dma_start3A_9 = arith.constant 0 : i32
    %dma_start3A_10 = tpu.memref_slice %arg7[%dma_start3A, %dma_start3A_9] : memref<63x80xi32, #tpu.memory_space<vmem>> -> memref<1x80xi32, #tpu.memory_space<vmem>>
    %dma_start3A_11 = tpu.memref_squeeze %dma_start3A_10 : memref<1x80xi32, #tpu.memory_space<vmem>> -> memref<80xi32, #tpu.memory_space<vmem>>
    %dma_start3A_12 = arith.constant 0 : i32
    %dma_start3A_13 = arith.constant 0 : i32
    %dma_start3A_14 = tpu.memref_slice %arg2[%dma_start3A_12, %dma_start3A_13] : memref<10000x128xf32, #tpu.memory_space<hbm>> -> memref<10000x128xf32, #tpu.memory_space<hbm>>
    tpu.enqueue_indirect_dma source(%dma_start3A_14 : memref<10000x128xf32, #tpu.memory_space<hbm>>) target(%arg9 : memref<80x128xf32, #tpu.memory_space<vmem>>) offsets(%dma_start3A_11 : memref<80xi32, #tpu.memory_space<vmem>>) semaphore(%arg12 : memref<!tpu.dma_semaphore, #tpu.memory_space<semaphore_mem>>)
    %scan3A_15 = arith.constant 0 : i32
    %scan3A_16 = arith.constant 0 : i32
    %scan3A_17 = arith.constant 31 : i32
    %scan3A_18 = arith.addi %scan3A_16, %scan3A_17 : i32
    %scan3A_19 = arith.constant 1 : i32
    scf.for %scan3A_62 = %scan3A_16 to %scan3A_18 step %scan3A_19  : i32 {
      %mul3A_63 = arith.constant 2 : i32
      %mul3A_64 = arith.muli %mul3A_63, %scan3A_62 : i32
      %add3A = arith.constant 1 : i32
      %add3A_65 = arith.addi %mul3A_64, %add3A : i32
      %dma_start3A_66 = arith.constant 0 : i32
      %dma_start3A_67 = tpu.memref_slice %arg7[%add3A_65, %dma_start3A_66] : memref<63x80xi32, #tpu.memory_space<vmem>> -> memref<1x80xi32, #tpu.memory_space<vmem>>
      %dma_start3A_68 = tpu.memref_squeeze %dma_start3A_67 : memref<1x80xi32, #tpu.memory_space<vmem>> -> memref<80xi32, #tpu.memory_space<vmem>>
      %dma_start3A_69 = arith.constant 0 : i32
      %dma_start3A_70 = arith.constant 0 : i32
      %dma_start3A_71 = tpu.memref_slice %arg2[%dma_start3A_69, %dma_start3A_70] : memref<10000x128xf32, #tpu.memory_space<hbm>> -> memref<10000x128xf32, #tpu.memory_space<hbm>>
      tpu.enqueue_indirect_dma source(%dma_start3A_71 : memref<10000x128xf32, #tpu.memory_space<hbm>>) target(%arg10 : memref<80x128xf32, #tpu.memory_space<vmem>>) offsets(%dma_start3A_68 : memref<80xi32, #tpu.memory_space<vmem>>) semaphore(%arg13 : memref<!tpu.dma_semaphore, #tpu.memory_space<semaphore_mem>>)
      %dma_wait3A_72 = arith.constant 0 : i32
      %dma_wait3A_73 = tpu.memref_slice %arg7[%mul3A_64, %dma_wait3A_72] : memref<63x80xi32, #tpu.memory_space<vmem>> -> memref<1x80xi32, #tpu.memory_space<vmem>>
      %dma_wait3A_74 = tpu.memref_squeeze %dma_wait3A_73 : memref<1x80xi32, #tpu.memory_space<vmem>> -> memref<80xi32, #tpu.memory_space<vmem>>
      %dma_wait3A_75 = arith.constant 0 : i32
      %dma_wait3A_76 = arith.constant 0 : i32
      %dma_wait3A_77 = tpu.memref_slice %arg2[%dma_wait3A_75, %dma_wait3A_76] : memref<10000x128xf32, #tpu.memory_space<hbm>> -> memref<10000x128xf32, #tpu.memory_space<hbm>>
      tpu.wait_indirect_dma semaphore(%arg12 : memref<!tpu.dma_semaphore, #tpu.memory_space<semaphore_mem>>) src(%dma_wait3A_77 : memref<10000x128xf32, #tpu.memory_space<hbm>>) dst(%arg9 : memref<80x128xf32, #tpu.memory_space<vmem>>)
      "tpu.region"() ({
        %run_scoped3A_96 = tpu.sem_alloc : memref<!tpu.dma_semaphore, #tpu.memory_space<semaphore_mem>>
        %dma_start3A_97 = arith.constant 0 : i32
        %dma_start3A_98 = tpu.memref_slice %arg8[%mul3A_64, %dma_start3A_97] : memref<63x80xi32, #tpu.memory_space<vmem>> -> memref<1x80xi32, #tpu.memory_space<vmem>>
        %dma_start3A_99 = tpu.memref_squeeze %dma_start3A_98 : memref<1x80xi32, #tpu.memory_space<vmem>> -> memref<80xi32, #tpu.memory_space<vmem>>
        %dma_start3A_100 = arith.constant 0 : i32
        %dma_start3A_101 = arith.constant 0 : i32
        %dma_start3A_102 = tpu.memref_slice %arg11[%dma_start3A_100, %dma_start3A_101] : memref<10240x128xf32, #tpu.memory_space<vmem_shared>> -> memref<10240x128xf32, #tpu.memory_space<vmem_shared>>
        tpu.enqueue_indirect_dma source(%arg9 : memref<80x128xf32, #tpu.memory_space<vmem>>) target(%dma_start3A_102 : memref<10240x128xf32, #tpu.memory_space<vmem_shared>>) offsets(%dma_start3A_99 : memref<80xi32, #tpu.memory_space<vmem>>) semaphore(%run_scoped3A_96 : memref<!tpu.dma_semaphore, #tpu.memory_space<semaphore_mem>>) {add = true}
        %dma_wait3A_103 = arith.constant 0 : i32
        %dma_wait3A_104 = tpu.memref_slice %arg8[%mul3A_64, %dma_wait3A_103] : memref<63x80xi32, #tpu.memory_space<vmem>> -> memref<1x80xi32, #tpu.memory_space<vmem>>
        %dma_wait3A_105 = tpu.memref_squeeze %dma_wait3A_104 : memref<1x80xi32, #tpu.memory_space<vmem>> -> memref<80xi32, #tpu.memory_space<vmem>>
        %dma_wait3A_106 = arith.constant 0 : i32
        %dma_wait3A_107 = arith.constant 0 : i32
        %dma_wait3A_108 = tpu.memref_slice %arg11[%dma_wait3A_106, %dma_wait3A_107] : memref<10240x128xf32, #tpu.memory_space<vmem_shared>> -> memref<10240x128xf32, #tpu.memory_space<vmem_shared>>
        tpu.wait_indirect_dma semaphore(%run_scoped3A_96 : memref<!tpu.dma_semaphore, #tpu.memory_space<semaphore_mem>>) src(%arg9 : memref<80x128xf32, #tpu.memory_space<vmem>>) dst(%dma_wait3A_108 : memref<10240x128xf32, #tpu.memory_space<vmem_shared>>)
        tpu.yield
      }) : () -> ()
      %add3A_78 = arith.constant 2 : i32
      %add3A_79 = arith.addi %mul3A_64, %add3A_78 : i32
      %dma_start3A_80 = arith.constant 0 : i32
      %dma_start3A_81 = tpu.memref_slice %arg7[%add3A_79, %dma_start3A_80] : memref<63x80xi32, #tpu.memory_space<vmem>> -> memref<1x80xi32, #tpu.memory_space<vmem>>
      %dma_start3A_82 = tpu.memref_squeeze %dma_start3A_81 : memref<1x80xi32, #tpu.memory_space<vmem>> -> memref<80xi32, #tpu.memory_space<vmem>>
      %dma_start3A_83 = arith.constant 0 : i32
      %dma_start3A_84 = arith.constant 0 : i32
      %dma_start3A_85 = tpu.memref_slice %arg2[%dma_start3A_83, %dma_start3A_84] : memref<10000x128xf32, #tpu.memory_space<hbm>> -> memref<10000x128xf32, #tpu.memory_space<hbm>>
      tpu.enqueue_indirect_dma source(%dma_start3A_85 : memref<10000x128xf32, #tpu.memory_space<hbm>>) target(%arg9 : memref<80x128xf32, #tpu.memory_space<vmem>>) offsets(%dma_start3A_82 : memref<80xi32, #tpu.memory_space<vmem>>) semaphore(%arg12 : memref<!tpu.dma_semaphore, #tpu.memory_space<semaphore_mem>>)
      %add3A_86 = arith.constant 1 : i32
      %add3A_87 = arith.addi %mul3A_64, %add3A_86 : i32
      %dma_wait3A_88 = arith.constant 0 : i32
      %dma_wait3A_89 = tpu.memref_slice %arg7[%add3A_87, %dma_wait3A_88] : memref<63x80xi32, #tpu.memory_space<vmem>> -> memref<1x80xi32, #tpu.memory_space<vmem>>
      %dma_wait3A_90 = tpu.memref_squeeze %dma_wait3A_89 : memref<1x80xi32, #tpu.memory_space<vmem>> -> memref<80xi32, #tpu.memory_space<vmem>>
      %dma_wait3A_91 = arith.constant 0 : i32
      %dma_wait3A_92 = arith.constant 0 : i32
      %dma_wait3A_93 = tpu.memref_slice %arg2[%dma_wait3A_91, %dma_wait3A_92] : memref<10000x128xf32, #tpu.memory_space<hbm>> -> memref<10000x128xf32, #tpu.memory_space<hbm>>
      tpu.wait_indirect_dma semaphore(%arg13 : memref<!tpu.dma_semaphore, #tpu.memory_space<semaphore_mem>>) src(%dma_wait3A_93 : memref<10000x128xf32, #tpu.memory_space<hbm>>) dst(%arg10 : memref<80x128xf32, #tpu.memory_space<vmem>>)
      %add3A_94 = arith.constant 1 : i32
      %add3A_95 = arith.addi %mul3A_64, %add3A_94 : i32
      "tpu.region"() ({
        %run_scoped3A_96 = tpu.sem_alloc : memref<!tpu.dma_semaphore, #tpu.memory_space<semaphore_mem>>
        %dma_start3A_97 = arith.constant 0 : i32
        %dma_start3A_98 = tpu.memref_slice %arg8[%add3A_95, %dma_start3A_97] : memref<63x80xi32, #tpu.memory_space<vmem>> -> memref<1x80xi32, #tpu.memory_space<vmem>>
        %dma_start3A_99 = tpu.memref_squeeze %dma_start3A_98 : memref<1x80xi32, #tpu.memory_space<vmem>> -> memref<80xi32, #tpu.memory_space<vmem>>
        %dma_start3A_100 = arith.constant 0 : i32
        %dma_start3A_101 = arith.constant 0 : i32
        %dma_start3A_102 = tpu.memref_slice %arg11[%dma_start3A_100, %dma_start3A_101] : memref<10240x128xf32, #tpu.memory_space<vmem_shared>> -> memref<10240x128xf32, #tpu.memory_space<vmem_shared>>
        tpu.enqueue_indirect_dma source(%arg10 : memref<80x128xf32, #tpu.memory_space<vmem>>) target(%dma_start3A_102 : memref<10240x128xf32, #tpu.memory_space<vmem_shared>>) offsets(%dma_start3A_99 : memref<80xi32, #tpu.memory_space<vmem>>) semaphore(%run_scoped3A_96 : memref<!tpu.dma_semaphore, #tpu.memory_space<semaphore_mem>>) {add = true}
        %dma_wait3A_103 = arith.constant 0 : i32
        %dma_wait3A_104 = tpu.memref_slice %arg8[%add3A_95, %dma_wait3A_103] : memref<63x80xi32, #tpu.memory_space<vmem>> -> memref<1x80xi32, #tpu.memory_space<vmem>>
        %dma_wait3A_105 = tpu.memref_squeeze %dma_wait3A_104 : memref<1x80xi32, #tpu.memory_space<vmem>> -> memref<80xi32, #tpu.memory_space<vmem>>
        %dma_wait3A_106 = arith.constant 0 : i32
        %dma_wait3A_107 = arith.constant 0 : i32
        %dma_wait3A_108 = tpu.memref_slice %arg11[%dma_wait3A_106, %dma_wait3A_107] : memref<10240x128xf32, #tpu.memory_space<vmem_shared>> -> memref<10240x128xf32, #tpu.memory_space<vmem_shared>>
        tpu.wait_indirect_dma semaphore(%run_scoped3A_96 : memref<!tpu.dma_semaphore, #tpu.memory_space<semaphore_mem>>) src(%arg10 : memref<80x128xf32, #tpu.memory_space<vmem>>) dst(%dma_wait3A_108 : memref<10240x128xf32, #tpu.memory_space<vmem_shared>>)
        tpu.yield
      }) : () -> ()
    }
    %scan3A_20 = arith.constant 31 : i32
    %dma_wait3A = arith.constant 62 : i32
    %dma_wait3A_21 = arith.constant 0 : i32
    %dma_wait3A_22 = tpu.memref_slice %arg7[%dma_wait3A, %dma_wait3A_21] : memref<63x80xi32, #tpu.memory_space<vmem>> -> memref<1x80xi32, #tpu.memory_space<vmem>>
    %dma_wait3A_23 = tpu.memref_squeeze %dma_wait3A_22 : memref<1x80xi32, #tpu.memory_space<vmem>> -> memref<80xi32, #tpu.memory_space<vmem>>
    %dma_wait3A_24 = arith.constant 0 : i32
    %dma_wait3A_25 = arith.constant 0 : i32
    %dma_wait3A_26 = tpu.memref_slice %arg2[%dma_wait3A_24, %dma_wait3A_25] : memref<10000x128xf32, #tpu.memory_space<hbm>> -> memref<10000x128xf32, #tpu.memory_space<hbm>>
    tpu.wait_indirect_dma semaphore(%arg12 : memref<!tpu.dma_semaphore, #tpu.memory_space<semaphore_mem>>) src(%dma_wait3A_26 : memref<10000x128xf32, #tpu.memory_space<hbm>>) dst(%arg9 : memref<80x128xf32, #tpu.memory_space<vmem>>)
    %run_scoped3A_27 = arith.constant 62 : i32
    "tpu.region"() ({
      %run_scoped3A_62 = tpu.sem_alloc : memref<!tpu.dma_semaphore, #tpu.memory_space<semaphore_mem>>
      %dma_start3A_63 = arith.constant 0 : i32
      %dma_start3A_64 = tpu.memref_slice %arg8[%run_scoped3A_27, %dma_start3A_63] : memref<63x80xi32, #tpu.memory_space<vmem>> -> memref<1x80xi32, #tpu.memory_space<vmem>>
      %dma_start3A_65 = tpu.memref_squeeze %dma_start3A_64 : memref<1x80xi32, #tpu.memory_space<vmem>> -> memref<80xi32, #tpu.memory_space<vmem>>
      %dma_start3A_66 = arith.constant 0 : i32
      %dma_start3A_67 = arith.constant 0 : i32
      %dma_start3A_68 = tpu.memref_slice %arg11[%dma_start3A_66, %dma_start3A_67] : memref<10240x128xf32, #tpu.memory_space<vmem_shared>> -> memref<10240x128xf32, #tpu.memory_space<vmem_shared>>
      tpu.enqueue_indirect_dma source(%arg9 : memref<80x128xf32, #tpu.memory_space<vmem>>) target(%dma_start3A_68 : memref<10240x128xf32, #tpu.memory_space<vmem_shared>>) offsets(%dma_start3A_65 : memref<80xi32, #tpu.memory_space<vmem>>) semaphore(%run_scoped3A_62 : memref<!tpu.dma_semaphore, #tpu.memory_space<semaphore_mem>>) {add = true}
      %dma_wait3A_69 = arith.constant 0 : i32
      %dma_wait3A_70 = tpu.memref_slice %arg8[%run_scoped3A_27, %dma_wait3A_69] : memref<63x80xi32, #tpu.memory_space<vmem>> -> memref<1x80xi32, #tpu.memory_space<vmem>>
      %dma_wait3A_71 = tpu.memref_squeeze %dma_wait3A_70 : memref<1x80xi32, #tpu.memory_space<vmem>> -> memref<80xi32, #tpu.memory_space<vmem>>
      %dma_wait3A_72 = arith.constant 0 : i32
      %dma_wait3A_73 = arith.constant 0 : i32
      %dma_wait3A_74 = tpu.memref_slice %arg11[%dma_wait3A_72, %dma_wait3A_73] : memref<10240x128xf32, #tpu.memory_space<vmem_shared>> -> memref<10240x128xf32, #tpu.memory_space<vmem_shared>>
      tpu.wait_indirect_dma semaphore(%run_scoped3A_62 : memref<!tpu.dma_semaphore, #tpu.memory_space<semaphore_mem>>) src(%arg9 : memref<80x128xf32, #tpu.memory_space<vmem>>) dst(%dma_wait3A_74 : memref<10240x128xf32, #tpu.memory_space<vmem_shared>>)
      tpu.yield
    }) : () -> ()
    %run_scoped3A_28 = arith.constant 1 : i32
    "tpu.region"() ({
      %run_scoped3A_62 = tpu.sem_alloc : memref<!tpu.dma_semaphore, #tpu.memory_space<semaphore_mem>>
      %dma_start3A_63 = arith.constant 0 : i32
      %dma_start3A_64 = arith.constant 0 : i32
      %dma_start3A_65 = tpu.memref_slice %arg3[%run_scoped3A_28, %arg0, %arg1, %dma_start3A_63, %dma_start3A_64] : memref<2x2x16x63x80xi32, #tpu.memory_space<hbm>> -> memref<1x1x1x63x80xi32, #tpu.memory_space<hbm>>
      %dma_start3A_66 = tpu.memref_squeeze %dma_start3A_65 : memref<1x1x1x63x80xi32, #tpu.memory_space<hbm>> -> memref<63x80xi32, #tpu.memory_space<hbm>>
      %dma_start3A_67 = arith.constant 0 : i32
      %dma_start3A_68 = arith.constant 0 : i32
      %dma_start3A_69 = tpu.memref_slice %arg3[%run_scoped3A_28, %arg0, %arg1, %dma_start3A_67, %dma_start3A_68] : memref<2x2x16x63x80xi32, #tpu.memory_space<hbm>> -> memref<1x1x1x63x80xi32, #tpu.memory_space<hbm>>
      %dma_start3A_70 = tpu.memref_squeeze %dma_start3A_69 : memref<1x1x1x63x80xi32, #tpu.memory_space<hbm>> -> memref<63x80xi32, #tpu.memory_space<hbm>>
      tpu.enqueue_dma source(%dma_start3A_70 : memref<63x80xi32, #tpu.memory_space<hbm>>) target(%arg7 : memref<63x80xi32, #tpu.memory_space<vmem>>) target_semaphore(%run_scoped3A_62 : memref<!tpu.dma_semaphore, #tpu.memory_space<semaphore_mem>>)
      %dma_wait3A_71 = arith.constant 0 : i32
      %dma_wait3A_72 = arith.constant 0 : i32
      %dma_wait3A_73 = tpu.memref_slice %arg3[%run_scoped3A_28, %arg0, %arg1, %dma_wait3A_71, %dma_wait3A_72] : memref<2x2x16x63x80xi32, #tpu.memory_space<hbm>> -> memref<1x1x1x63x80xi32, #tpu.memory_space<hbm>>
      %dma_wait3A_74 = tpu.memref_squeeze %dma_wait3A_73 : memref<1x1x1x63x80xi32, #tpu.memory_space<hbm>> -> memref<63x80xi32, #tpu.memory_space<hbm>>
      %dma_wait3A_75 = arith.constant 0 : i32
      %dma_wait3A_76 = arith.constant 0 : i32
      %dma_wait3A_77 = tpu.memref_slice %arg3[%run_scoped3A_28, %arg0, %arg1, %dma_wait3A_75, %dma_wait3A_76] : memref<2x2x16x63x80xi32, #tpu.memory_space<hbm>> -> memref<1x1x1x63x80xi32, #tpu.memory_space<hbm>>
      %dma_wait3A_78 = tpu.memref_squeeze %dma_wait3A_77 : memref<1x1x1x63x80xi32, #tpu.memory_space<hbm>> -> memref<63x80xi32, #tpu.memory_space<hbm>>
      tpu.wait_dma2 semaphore(%run_scoped3A_62 : memref<!tpu.dma_semaphore, #tpu.memory_space<semaphore_mem>>) src(%dma_wait3A_78 : memref<63x80xi32, #tpu.memory_space<hbm>>) dst(%arg7 : memref<63x80xi32, #tpu.memory_space<vmem>>)
      tpu.yield
    }) : () -> ()
    %run_scoped3A_29 = arith.constant 1 : i32
    "tpu.region"() ({
      %run_scoped3A_62 = tpu.sem_alloc : memref<!tpu.dma_semaphore, #tpu.memory_space<semaphore_mem>>
      %dma_start3A_63 = arith.constant 0 : i32
      %dma_start3A_64 = arith.constant 0 : i32
      %dma_start3A_65 = tpu.memref_slice %arg4[%run_scoped3A_29, %arg0, %arg1, %dma_start3A_63, %dma_start3A_64] : memref<2x2x16x63x80xi32, #tpu.memory_space<hbm>> -> memref<1x1x1x63x80xi32, #tpu.memory_space<hbm>>
      %dma_start3A_66 = tpu.memref_squeeze %dma_start3A_65 : memref<1x1x1x63x80xi32, #tpu.memory_space<hbm>> -> memref<63x80xi32, #tpu.memory_space<hbm>>
      %dma_start3A_67 = arith.constant 0 : i32
      %dma_start3A_68 = arith.constant 0 : i32
      %dma_start3A_69 = tpu.memref_slice %arg4[%run_scoped3A_29, %arg0, %arg1, %dma_start3A_67, %dma_start3A_68] : memref<2x2x16x63x80xi32, #tpu.memory_space<hbm>> -> memref<1x1x1x63x80xi32, #tpu.memory_space<hbm>>
      %dma_start3A_70 = tpu.memref_squeeze %dma_start3A_69 : memref<1x1x1x63x80xi32, #tpu.memory_space<hbm>> -> memref<63x80xi32, #tpu.memory_space<hbm>>
      tpu.enqueue_dma source(%dma_start3A_70 : memref<63x80xi32, #tpu.memory_space<hbm>>) target(%arg8 : memref<63x80xi32, #tpu.memory_space<vmem>>) target_semaphore(%run_scoped3A_62 : memref<!tpu.dma_semaphore, #tpu.memory_space<semaphore_mem>>)
      %dma_wait3A_71 = arith.constant 0 : i32
      %dma_wait3A_72 = arith.constant 0 : i32
      %dma_wait3A_73 = tpu.memref_slice %arg4[%run_scoped3A_29, %arg0, %arg1, %dma_wait3A_71, %dma_wait3A_72] : memref<2x2x16x63x80xi32, #tpu.memory_space<hbm>> -> memref<1x1x1x63x80xi32, #tpu.memory_space<hbm>>
      %dma_wait3A_74 = tpu.memref_squeeze %dma_wait3A_73 : memref<1x1x1x63x80xi32, #tpu.memory_space<hbm>> -> memref<63x80xi32, #tpu.memory_space<hbm>>
      %dma_wait3A_75 = arith.constant 0 : i32
      %dma_wait3A_76 = arith.constant 0 : i32
      %dma_wait3A_77 = tpu.memref_slice %arg4[%run_scoped3A_29, %arg0, %arg1, %dma_wait3A_75, %dma_wait3A_76] : memref<2x2x16x63x80xi32, #tpu.memory_space<hbm>> -> memref<1x1x1x63x80xi32, #tpu.memory_space<hbm>>
      %dma_wait3A_78 = tpu.memref_squeeze %dma_wait3A_77 : memref<1x1x1x63x80xi32, #tpu.memory_space<hbm>> -> memref<63x80xi32, #tpu.memory_space<hbm>>
      tpu.wait_dma2 semaphore(%run_scoped3A_62 : memref<!tpu.dma_semaphore, #tpu.memory_space<semaphore_mem>>) src(%dma_wait3A_78 : memref<63x80xi32, #tpu.memory_space<hbm>>) dst(%arg8 : memref<63x80xi32, #tpu.memory_space<vmem>>)
      tpu.yield
    }) : () -> ()
    %scan3A_30 = arith.constant 0 : i32
    %scan3A_31 = arith.constant 0 : i32
    %scan3A_32 = arith.constant 63 : i32
    %scan3A_33 = arith.addi %scan3A_31, %scan3A_32 : i32
    %scan3A_34 = arith.constant 1 : i32
    scf.for %scan3A_62 = %scan3A_31 to %scan3A_33 step %scan3A_34  : i32 {
      %get3A = arith.index_cast %scan3A_62 : i32 to index
      %get3A_63 = arith.constant 0 : index
      %get3A_64 = tpu.vector_load %arg8[%get3A, %get3A_63] {strides = array<i32>} : memref<63x80xi32, #tpu.memory_space<vmem>>, vector<1x16xi32>,
      %get3A_65 = vector.shape_cast %get3A_64 : vector<1x16xi32> to vector<16xi32>
      %add3A = vector.broadcast %mul3A_2 : i32 to vector<16xi32>
      %add3A_66 = arith.addi %get3A_65, %add3A : vector<16xi32>
      %ge3A = arith.constant 10240 : i32
      %ge3A_67 = vector.broadcast %ge3A : i32 to vector<16xi32>
      %ge3A_68 = arith.cmpi sge, %add3A_66, %ge3A_67 : vector<16xi32>
      %sub3A = arith.constant 10240 : i32
      %sub3A_69 = vector.broadcast %sub3A : i32 to vector<16xi32>
      %sub3A_70 = arith.subi %add3A_66, %sub3A_69 : vector<16xi32>
      %select_n3A = arith.select %ge3A_68, %sub3A_70, %add3A_66 : vector<16xi1>, vector<16xi32>
      %swap3A = arith.index_cast %scan3A_62 : i32 to index
      %swap3A_71 = arith.constant 0 : index
      %swap3A_72 = tpu.vector_load %arg8[%swap3A, %swap3A_71] {strides = array<i32>} : memref<63x80xi32, #tpu.memory_space<vmem>>, vector<1x16xi32>,
      %swap3A_73 = vector.shape_cast %swap3A_72 : vector<1x16xi32> to vector<16xi32>
      %swap3A_74 = vector.shape_cast %select_n3A : vector<16xi32> to vector<1x16xi32>
      tpu.vector_store %arg8[%swap3A, %swap3A_71], %swap3A_74 {strides = array<i32>} : memref<63x80xi32, #tpu.memory_space<vmem>>, vector<1x16xi32>,
      %get3A_75 = arith.index_cast %scan3A_62 : i32 to index
      %get3A_76 = arith.constant 16 : index
      %get3A_77 = tpu.vector_load %arg8[%get3A_75, %get3A_76] {strides = array<i32>} : memref<63x80xi32, #tpu.memory_space<vmem>>, vector<1x16xi32>,
      %get3A_78 = vector.shape_cast %get3A_77 : vector<1x16xi32> to vector<16xi32>
      %add3A_79 = vector.broadcast %mul3A_2 : i32 to vector<16xi32>
      %add3A_80 = arith.addi %get3A_78, %add3A_79 : vector<16xi32>
      %ge3A_81 = arith.constant 10240 : i32
      %ge3A_82 = vector.broadcast %ge3A_81 : i32 to vector<16xi32>
      %ge3A_83 = arith.cmpi sge, %add3A_80, %ge3A_82 : vector<16xi32>
      %sub3A_84 = arith.constant 10240 : i32
      %sub3A_85 = vector.broadcast %sub3A_84 : i32 to vector<16xi32>
      %sub3A_86 = arith.subi %add3A_80, %sub3A_85 : vector<16xi32>
      %select_n3A_87 = arith.select %ge3A_83, %sub3A_86, %add3A_80 : vector<16xi1>, vector<16xi32>
      %swap3A_88 = arith.index_cast %scan3A_62 : i32 to index
      %swap3A_89 = arith.constant 16 : index
      %swap3A_90 = tpu.vector_load %arg8[%swap3A_88, %swap3A_89] {strides = array<i32>} : memref<63x80xi32, #tpu.memory_space<vmem>>, vector<1x16xi32>,
      %swap3A_91 = vector.shape_cast %swap3A_90 : vector<1x16xi32> to vector<16xi32>
      %swap3A_92 = vector.shape_cast %select_n3A_87 : vector<16xi32> to vector<1x16xi32>
      tpu.vector_store %arg8[%swap3A_88, %swap3A_89], %swap3A_92 {strides = array<i32>} : memref<63x80xi32, #tpu.memory_space<vmem>>, vector<1x16xi32>,
      %get3A_93 = arith.index_cast %scan3A_62 : i32 to index
      %get3A_94 = arith.constant 32 : index
      %get3A_95 = tpu.vector_load %arg8[%get3A_93, %get3A_94] {strides = array<i32>} : memref<63x80xi32, #tpu.memory_space<vmem>>, vector<1x16xi32>,
      %get3A_96 = vector.shape_cast %get3A_95 : vector<1x16xi32> to vector<16xi32>
      %add3A_97 = vector.broadcast %mul3A_2 : i32 to vector<16xi32>
      %add3A_98 = arith.addi %get3A_96, %add3A_97 : vector<16xi32>
      %ge3A_99 = arith.constant 10240 : i32
      %ge3A_100 = vector.broadcast %ge3A_99 : i32 to vector<16xi32>
      %ge3A_101 = arith.cmpi sge, %add3A_98, %ge3A_100 : vector<16xi32>
      %sub3A_102 = arith.constant 10240 : i32
      %sub3A_103 = vector.broadcast %sub3A_102 : i32 to vector<16xi32>
      %sub3A_104 = arith.subi %add3A_98, %sub3A_103 : vector<16xi32>
      %select_n3A_105 = arith.select %ge3A_101, %sub3A_104, %add3A_98 : vector<16xi1>, vector<16xi32>
      %swap3A_106 = arith.index_cast %scan3A_62 : i32 to index
      %swap3A_107 = arith.constant 32 : index
      %swap3A_108 = tpu.vector_load %arg8[%swap3A_106, %swap3A_107] {strides = array<i32>} : memref<63x80xi32, #tpu.memory_space<vmem>>, vector<1x16xi32>,
      %swap3A_109 = vector.shape_cast %swap3A_108 : vector<1x16xi32> to vector<16xi32>
      %swap3A_110 = vector.shape_cast %select_n3A_105 : vector<16xi32> to vector<1x16xi32>
      tpu.vector_store %arg8[%swap3A_106, %swap3A_107], %swap3A_110 {strides = array<i32>} : memref<63x80xi32, #tpu.memory_space<vmem>>, vector<1x16xi32>,
      %get3A_111 = arith.index_cast %scan3A_62 : i32 to index
      %get3A_112 = arith.constant 48 : index
      %get3A_113 = tpu.vector_load %arg8[%get3A_111, %get3A_112] {strides = array<i32>} : memref<63x80xi32, #tpu.memory_space<vmem>>, vector<1x16xi32>,
      %get3A_114 = vector.shape_cast %get3A_113 : vector<1x16xi32> to vector<16xi32>
      %add3A_115 = vector.broadcast %mul3A_2 : i32 to vector<16xi32>
      %add3A_116 = arith.addi %get3A_114, %add3A_115 : vector<16xi32>
      %ge3A_117 = arith.constant 10240 : i32
      %ge3A_118 = vector.broadcast %ge3A_117 : i32 to vector<16xi32>
      %ge3A_119 = arith.cmpi sge, %add3A_116, %ge3A_118 : vector<16xi32>
      %sub3A_120 = arith.constant 10240 : i32
      %sub3A_121 = vector.broadcast %sub3A_120 : i32 to vector<16xi32>
      %sub3A_122 = arith.subi %add3A_116, %sub3A_121 : vector<16xi32>
      %select_n3A_123 = arith.select %ge3A_119, %sub3A_122, %add3A_116 : vector<16xi1>, vector<16xi32>
      %swap3A_124 = arith.index_cast %scan3A_62 : i32 to index
      %swap3A_125 = arith.constant 48 : index
      %swap3A_126 = tpu.vector_load %arg8[%swap3A_124, %swap3A_125] {strides = array<i32>} : memref<63x80xi32, #tpu.memory_space<vmem>>, vector<1x16xi32>,
      %swap3A_127 = vector.shape_cast %swap3A_126 : vector<1x16xi32> to vector<16xi32>
      %swap3A_128 = vector.shape_cast %select_n3A_123 : vector<16xi32> to vector<1x16xi32>
      tpu.vector_store %arg8[%swap3A_124, %swap3A_125], %swap3A_128 {strides = array<i32>} : memref<63x80xi32, #tpu.memory_space<vmem>>, vector<1x16xi32>,
      %get3A_129 = arith.index_cast %scan3A_62 : i32 to index
      %get3A_130 = arith.constant 64 : index
      %get3A_131 = tpu.vector_load %arg8[%get3A_129, %get3A_130] {strides = array<i32>} : memref<63x80xi32, #tpu.memory_space<vmem>>, vector<1x16xi32>,
      %get3A_132 = vector.shape_cast %get3A_131 : vector<1x16xi32> to vector<16xi32>
      %add3A_133 = vector.broadcast %mul3A_2 : i32 to vector<16xi32>
      %add3A_134 = arith.addi %get3A_132, %add3A_133 : vector<16xi32>
      %ge3A_135 = arith.constant 10240 : i32
      %ge3A_136 = vector.broadcast %ge3A_135 : i32 to vector<16xi32>
      %ge3A_137 = arith.cmpi sge, %add3A_134, %ge3A_136 : vector<16xi32>
      %sub3A_138 = arith.constant 10240 : i32
      %sub3A_139 = vector.broadcast %sub3A_138 : i32 to vector<16xi32>
      %sub3A_140 = arith.subi %add3A_134, %sub3A_139 : vector<16xi32>
      %select_n3A_141 = arith.select %ge3A_137, %sub3A_140, %add3A_134 : vector<16xi1>, vector<16xi32>
      %swap3A_142 = arith.index_cast %scan3A_62 : i32 to index
      %swap3A_143 = arith.constant 64 : index
      %swap3A_144 = tpu.vector_load %arg8[%swap3A_142, %swap3A_143] {strides = array<i32>} : memref<63x80xi32, #tpu.memory_space<vmem>>, vector<1x16xi32>,
      %swap3A_145 = vector.shape_cast %swap3A_144 : vector<1x16xi32> to vector<16xi32>
      %swap3A_146 = vector.shape_cast %select_n3A_141 : vector<16xi32> to vector<1x16xi32>
      tpu.vector_store %arg8[%swap3A_142, %swap3A_143], %swap3A_146 {strides = array<i32>} : memref<63x80xi32, #tpu.memory_space<vmem>>, vector<1x16xi32>,
    }
    %scan3A_35 = arith.constant 63 : i32
    %dma_start3A_36 = arith.constant 0 : i32
    %dma_start3A_37 = arith.constant 0 : i32
    %dma_start3A_38 = tpu.memref_slice %arg7[%dma_start3A_36, %dma_start3A_37] : memref<63x80xi32, #tpu.memory_space<vmem>> -> memref<1x80xi32, #tpu.memory_space<vmem>>
    %dma_start3A_39 = tpu.memref_squeeze %dma_start3A_38 : memref<1x80xi32, #tpu.memory_space<vmem>> -> memref<80xi32, #tpu.memory_space<vmem>>
    %dma_start3A_40 = arith.constant 0 : i32
    %dma_start3A_41 = arith.constant 0 : i32
    %dma_start3A_42 = tpu.memref_slice %arg2[%dma_start3A_40, %dma_start3A_41] : memref<10000x128xf32, #tpu.memory_space<hbm>> -> memref<10000x128xf32, #tpu.memory_space<hbm>>
    tpu.enqueue_indirect_dma source(%dma_start3A_42 : memref<10000x128xf32, #tpu.memory_space<hbm>>) target(%arg9 : memref<80x128xf32, #tpu.memory_space<vmem>>) offsets(%dma_start3A_39 : memref<80xi32, #tpu.memory_space<vmem>>) semaphore(%arg12 : memref<!tpu.dma_semaphore, #tpu.memory_space<semaphore_mem>>)
    %scan3A_43 = arith.constant 0 : i32
    %scan3A_44 = arith.constant 0 : i32
    %scan3A_45 = arith.constant 31 : i32
    %scan3A_46 = arith.addi %scan3A_44, %scan3A_45 : i32
    %scan3A_47 = arith.constant 1 : i32
    scf.for %scan3A_62 = %scan3A_44 to %scan3A_46 step %scan3A_47  : i32 {
      %mul3A_63 = arith.constant 2 : i32
      %mul3A_64 = arith.muli %mul3A_63, %scan3A_62 : i32
      %add3A = arith.constant 1 : i32
      %add3A_65 = arith.addi %mul3A_64, %add3A : i32
      %dma_start3A_66 = arith.constant 0 : i32
      %dma_start3A_67 = tpu.memref_slice %arg7[%add3A_65, %dma_start3A_66] : memref<63x80xi32, #tpu.memory_space<vmem>> -> memref<1x80xi32, #tpu.memory_space<vmem>>
      %dma_start3A_68 = tpu.memref_squeeze %dma_start3A_67 : memref<1x80xi32, #tpu.memory_space<vmem>> -> memref<80xi32, #tpu.memory_space<vmem>>
      %dma_start3A_69 = arith.constant 0 : i32
      %dma_start3A_70 = arith.constant 0 : i32
      %dma_start3A_71 = tpu.memref_slice %arg2[%dma_start3A_69, %dma_start3A_70] : memref<10000x128xf32, #tpu.memory_space<hbm>> -> memref<10000x128xf32, #tpu.memory_space<hbm>>
      tpu.enqueue_indirect_dma source(%dma_start3A_71 : memref<10000x128xf32, #tpu.memory_space<hbm>>) target(%arg10 : memref<80x128xf32, #tpu.memory_space<vmem>>) offsets(%dma_start3A_68 : memref<80xi32, #tpu.memory_space<vmem>>) semaphore(%arg13 : memref<!tpu.dma_semaphore, #tpu.memory_space<semaphore_mem>>)
      %dma_wait3A_72 = arith.constant 0 : i32
      %dma_wait3A_73 = tpu.memref_slice %arg7[%mul3A_64, %dma_wait3A_72] : memref<63x80xi32, #tpu.memory_space<vmem>> -> memref<1x80xi32, #tpu.memory_space<vmem>>
      %dma_wait3A_74 = tpu.memref_squeeze %dma_wait3A_73 : memref<1x80xi32, #tpu.memory_space<vmem>> -> memref<80xi32, #tpu.memory_space<vmem>>
      %dma_wait3A_75 = arith.constant 0 : i32
      %dma_wait3A_76 = arith.constant 0 : i32
      %dma_wait3A_77 = tpu.memref_slice %arg2[%dma_wait3A_75, %dma_wait3A_76] : memref<10000x128xf32, #tpu.memory_space<hbm>> -> memref<10000x128xf32, #tpu.memory_space<hbm>>
      tpu.wait_indirect_dma semaphore(%arg12 : memref<!tpu.dma_semaphore, #tpu.memory_space<semaphore_mem>>) src(%dma_wait3A_77 : memref<10000x128xf32, #tpu.memory_space<hbm>>) dst(%arg9 : memref<80x128xf32, #tpu.memory_space<vmem>>)
      "tpu.region"() ({
        %run_scoped3A_96 = tpu.sem_alloc : memref<!tpu.dma_semaphore, #tpu.memory_space<semaphore_mem>>
        %dma_start3A_97 = arith.constant 0 : i32
        %dma_start3A_98 = tpu.memref_slice %arg8[%mul3A_64, %dma_start3A_97] : memref<63x80xi32, #tpu.memory_space<vmem>> -> memref<1x80xi32, #tpu.memory_space<vmem>>
        %dma_start3A_99 = tpu.memref_squeeze %dma_start3A_98 : memref<1x80xi32, #tpu.memory_space<vmem>> -> memref<80xi32, #tpu.memory_space<vmem>>
        %dma_start3A_100 = arith.constant 0 : i32
        %dma_start3A_101 = arith.constant 0 : i32
        %dma_start3A_102 = tpu.memref_slice %arg11[%dma_start3A_100, %dma_start3A_101] : memref<10240x128xf32, #tpu.memory_space<vmem_shared>> -> memref<10240x128xf32, #tpu.memory_space<vmem_shared>>
        tpu.enqueue_indirect_dma source(%arg9 : memref<80x128xf32, #tpu.memory_space<vmem>>) target(%dma_start3A_102 : memref<10240x128xf32, #tpu.memory_space<vmem_shared>>) offsets(%dma_start3A_99 : memref<80xi32, #tpu.memory_space<vmem>>) semaphore(%run_scoped3A_96 : memref<!tpu.dma_semaphore, #tpu.memory_space<semaphore_mem>>) {add = true}
        %dma_wait3A_103 = arith.constant 0 : i32
        %dma_wait3A_104 = tpu.memref_slice %arg8[%mul3A_64, %dma_wait3A_103] : memref<63x80xi32, #tpu.memory_space<vmem>> -> memref<1x80xi32, #tpu.memory_space<vmem>>
        %dma_wait3A_105 = tpu.memref_squeeze %dma_wait3A_104 : memref<1x80xi32, #tpu.memory_space<vmem>> -> memref<80xi32, #tpu.memory_space<vmem>>
        %dma_wait3A_106 = arith.constant 0 : i32
        %dma_wait3A_107 = arith.constant 0 : i32
        %dma_wait3A_108 = tpu.memref_slice %arg11[%dma_wait3A_106, %dma_wait3A_107] : memref<10240x128xf32, #tpu.memory_space<vmem_shared>> -> memref<10240x128xf32, #tpu.memory_space<vmem_shared>>
        tpu.wait_indirect_dma semaphore(%run_scoped3A_96 : memref<!tpu.dma_semaphore, #tpu.memory_space<semaphore_mem>>) src(%arg9 : memref<80x128xf32, #tpu.memory_space<vmem>>) dst(%dma_wait3A_108 : memref<10240x128xf32, #tpu.memory_space<vmem_shared>>)
        tpu.yield
      }) : () -> ()
      %add3A_78 = arith.constant 2 : i32
      %add3A_79 = arith.addi %mul3A_64, %add3A_78 : i32
      %dma_start3A_80 = arith.constant 0 : i32
      %dma_start3A_81 = tpu.memref_slice %arg7[%add3A_79, %dma_start3A_80] : memref<63x80xi32, #tpu.memory_space<vmem>> -> memref<1x80xi32, #tpu.memory_space<vmem>>
      %dma_start3A_82 = tpu.memref_squeeze %dma_start3A_81 : memref<1x80xi32, #tpu.memory_space<vmem>> -> memref<80xi32, #tpu.memory_space<vmem>>
      %dma_start3A_83 = arith.constant 0 : i32
      %dma_start3A_84 = arith.constant 0 : i32
      %dma_start3A_85 = tpu.memref_slice %arg2[%dma_start3A_83, %dma_start3A_84] : memref<10000x128xf32, #tpu.memory_space<hbm>> -> memref<10000x128xf32, #tpu.memory_space<hbm>>
      tpu.enqueue_indirect_dma source(%dma_start3A_85 : memref<10000x128xf32, #tpu.memory_space<hbm>>) target(%arg9 : memref<80x128xf32, #tpu.memory_space<vmem>>) offsets(%dma_start3A_82 : memref<80xi32, #tpu.memory_space<vmem>>) semaphore(%arg12 : memref<!tpu.dma_semaphore, #tpu.memory_space<semaphore_mem>>)
      %add3A_86 = arith.constant 1 : i32
      %add3A_87 = arith.addi %mul3A_64, %add3A_86 : i32
      %dma_wait3A_88 = arith.constant 0 : i32
      %dma_wait3A_89 = tpu.memref_slice %arg7[%add3A_87, %dma_wait3A_88] : memref<63x80xi32, #tpu.memory_space<vmem>> -> memref<1x80xi32, #tpu.memory_space<vmem>>
      %dma_wait3A_90 = tpu.memref_squeeze %dma_wait3A_89 : memref<1x80xi32, #tpu.memory_space<vmem>> -> memref<80xi32, #tpu.memory_space<vmem>>
      %dma_wait3A_91 = arith.constant 0 : i32
      %dma_wait3A_92 = arith.constant 0 : i32
      %dma_wait3A_93 = tpu.memref_slice %arg2[%dma_wait3A_91, %dma_wait3A_92] : memref<10000x128xf32, #tpu.memory_space<hbm>> -> memref<10000x128xf32, #tpu.memory_space<hbm>>
      tpu.wait_indirect_dma semaphore(%arg13 : memref<!tpu.dma_semaphore, #tpu.memory_space<semaphore_mem>>) src(%dma_wait3A_93 : memref<10000x128xf32, #tpu.memory_space<hbm>>) dst(%arg10 : memref<80x128xf32, #tpu.memory_space<vmem>>)
      %add3A_94 = arith.constant 1 : i32
      %add3A_95 = arith.addi %mul3A_64, %add3A_94 : i32
      "tpu.region"() ({
        %run_scoped3A_96 = tpu.sem_alloc : memref<!tpu.dma_semaphore, #tpu.memory_space<semaphore_mem>>
        %dma_start3A_97 = arith.constant 0 : i32
        %dma_start3A_98 = tpu.memref_slice %arg8[%add3A_95, %dma_start3A_97] : memref<63x80xi32, #tpu.memory_space<vmem>> -> memref<1x80xi32, #tpu.memory_space<vmem>>
        %dma_start3A_99 = tpu.memref_squeeze %dma_start3A_98 : memref<1x80xi32, #tpu.memory_space<vmem>> -> memref<80xi32, #tpu.memory_space<vmem>>
        %dma_start3A_100 = arith.constant 0 : i32
        %dma_start3A_101 = arith.constant 0 : i32
        %dma_start3A_102 = tpu.memref_slice %arg11[%dma_start3A_100, %dma_start3A_101] : memref<10240x128xf32, #tpu.memory_space<vmem_shared>> -> memref<10240x128xf32, #tpu.memory_space<vmem_shared>>
        tpu.enqueue_indirect_dma source(%arg10 : memref<80x128xf32, #tpu.memory_space<vmem>>) target(%dma_start3A_102 : memref<10240x128xf32, #tpu.memory_space<vmem_shared>>) offsets(%dma_start3A_99 : memref<80xi32, #tpu.memory_space<vmem>>) semaphore(%run_scoped3A_96 : memref<!tpu.dma_semaphore, #tpu.memory_space<semaphore_mem>>) {add = true}
        %dma_wait3A_103 = arith.constant 0 : i32
        %dma_wait3A_104 = tpu.memref_slice %arg8[%add3A_95, %dma_wait3A_103] : memref<63x80xi32, #tpu.memory_space<vmem>> -> memref<1x80xi32, #tpu.memory_space<vmem>>
        %dma_wait3A_105 = tpu.memref_squeeze %dma_wait3A_104 : memref<1x80xi32, #tpu.memory_space<vmem>> -> memref<80xi32, #tpu.memory_space<vmem>>
        %dma_wait3A_106 = arith.constant 0 : i32
        %dma_wait3A_107 = arith.constant 0 : i32
        %dma_wait3A_108 = tpu.memref_slice %arg11[%dma_wait3A_106, %dma_wait3A_107] : memref<10240x128xf32, #tpu.memory_space<vmem_shared>> -> memref<10240x128xf32, #tpu.memory_space<vmem_shared>>
        tpu.wait_indirect_dma semaphore(%run_scoped3A_96 : memref<!tpu.dma_semaphore, #tpu.memory_space<semaphore_mem>>) src(%arg10 : memref<80x128xf32, #tpu.memory_space<vmem>>) dst(%dma_wait3A_108 : memref<10240x128xf32, #tpu.memory_space<vmem_shared>>)
        tpu.yield
      }) : () -> ()
    }
    %scan3A_48 = arith.constant 31 : i32
    %dma_wait3A_49 = arith.constant 62 : i32
    %dma_wait3A_50 = arith.constant 0 : i32
    %dma_wait3A_51 = tpu.memref_slice %arg7[%dma_wait3A_49, %dma_wait3A_50] : memref<63x80xi32, #tpu.memory_space<vmem>> -> memref<1x80xi32, #tpu.memory_space<vmem>>
    %dma_wait3A_52 = tpu.memref_squeeze %dma_wait3A_51 : memref<1x80xi32, #tpu.memory_space<vmem>> -> memref<80xi32, #tpu.memory_space<vmem>>
    %dma_wait3A_53 = arith.constant 0 : i32
    %dma_wait3A_54 = arith.constant 0 : i32
    %dma_wait3A_55 = tpu.memref_slice %arg2[%dma_wait3A_53, %dma_wait3A_54] : memref<10000x128xf32, #tpu.memory_space<hbm>> -> memref<10000x128xf32, #tpu.memory_space<hbm>>
    tpu.wait_indirect_dma semaphore(%arg12 : memref<!tpu.dma_semaphore, #tpu.memory_space<semaphore_mem>>) src(%dma_wait3A_55 : memref<10000x128xf32, #tpu.memory_space<hbm>>) dst(%arg9 : memref<80x128xf32, #tpu.memory_space<vmem>>)
    %run_scoped3A_56 = arith.constant 62 : i32
    "tpu.region"() ({
      %run_scoped3A_62 = tpu.sem_alloc : memref<!tpu.dma_semaphore, #tpu.memory_space<semaphore_mem>>
      %dma_start3A_63 = arith.constant 0 : i32
      %dma_start3A_64 = tpu.memref_slice %arg8[%run_scoped3A_56, %dma_start3A_63] : memref<63x80xi32, #tpu.memory_space<vmem>> -> memref<1x80xi32, #tpu.memory_space<vmem>>
      %dma_start3A_65 = tpu.memref_squeeze %dma_start3A_64 : memref<1x80xi32, #tpu.memory_space<vmem>> -> memref<80xi32, #tpu.memory_space<vmem>>
      %dma_start3A_66 = arith.constant 0 : i32
      %dma_start3A_67 = arith.constant 0 : i32
      %dma_start3A_68 = tpu.memref_slice %arg11[%dma_start3A_66, %dma_start3A_67] : memref<10240x128xf32, #tpu.memory_space<vmem_shared>> -> memref<10240x128xf32, #tpu.memory_space<vmem_shared>>
      tpu.enqueue_indirect_dma source(%arg9 : memref<80x128xf32, #tpu.memory_space<vmem>>) target(%dma_start3A_68 : memref<10240x128xf32, #tpu.memory_space<vmem_shared>>) offsets(%dma_start3A_65 : memref<80xi32, #tpu.memory_space<vmem>>) semaphore(%run_scoped3A_62 : memref<!tpu.dma_semaphore, #tpu.memory_space<semaphore_mem>>) {add = true}
      %dma_wait3A_69 = arith.constant 0 : i32
      %dma_wait3A_70 = tpu.memref_slice %arg8[%run_scoped3A_56, %dma_wait3A_69] : memref<63x80xi32, #tpu.memory_space<vmem>> -> memref<1x80xi32, #tpu.memory_space<vmem>>
      %dma_wait3A_71 = tpu.memref_squeeze %dma_wait3A_70 : memref<1x80xi32, #tpu.memory_space<vmem>> -> memref<80xi32, #tpu.memory_space<vmem>>
      %dma_wait3A_72 = arith.constant 0 : i32
      %dma_wait3A_73 = arith.constant 0 : i32
      %dma_wait3A_74 = tpu.memref_slice %arg11[%dma_wait3A_72, %dma_wait3A_73] : memref<10240x128xf32, #tpu.memory_space<vmem_shared>> -> memref<10240x128xf32, #tpu.memory_space<vmem_shared>>
      tpu.wait_indirect_dma semaphore(%run_scoped3A_62 : memref<!tpu.dma_semaphore, #tpu.memory_space<semaphore_mem>>) src(%arg9 : memref<80x128xf32, #tpu.memory_space<vmem>>) dst(%dma_wait3A_74 : memref<10240x128xf32, #tpu.memory_space<vmem_shared>>)
      tpu.yield
    }) : () -> ()
    %barrier3A_57 = arith.constant 0 : index
    tpu.barrier barrier_id(%barrier3A_57)
    %mul3A_58 = arith.constant 640 : i32
    %mul3A_59 = arith.muli %arg1, %mul3A_58 : i32
    %mul3A_60 = arith.constant 640 : i32
    %mul3A_61 = arith.muli %arg1, %mul3A_60 : i32
    "tpu.region"() ({
      %run_scoped3A_62 = tpu.sem_alloc : memref<!tpu.dma_semaphore, #tpu.memory_space<semaphore_mem>>
      %dma_start3A_63 = arith.constant 0 : i32
      %dma_start3A_64 = tpu.memref_slice %arg6[%arg0, %mul3A_61, %dma_start3A_63] : memref<2x10240x128xf32, #tpu.memory_space<hbm>> -> memref<1x640x128xf32, #tpu.memory_space<hbm>>
      %dma_start3A_65 = tpu.memref_squeeze %dma_start3A_64 : memref<1x640x128xf32, #tpu.memory_space<hbm>> -> memref<640x128xf32, #tpu.memory_space<hbm>>
      %dma_start3A_66 = arith.constant 0 : i32
      %dma_start3A_67 = tpu.memref_slice %arg11[%mul3A_59, %dma_start3A_66] : memref<10240x128xf32, #tpu.memory_space<vmem_shared>> -> memref<640x128xf32, #tpu.memory_space<vmem_shared>>
      tpu.enqueue_dma source(%dma_start3A_67 : memref<640x128xf32, #tpu.memory_space<vmem_shared>>) target(%dma_start3A_65 : memref<640x128xf32, #tpu.memory_space<hbm>>) target_semaphore(%run_scoped3A_62 : memref<!tpu.dma_semaphore, #tpu.memory_space<semaphore_mem>>)
      %dma_wait3A_68 = arith.constant 0 : i32
      %dma_wait3A_69 = tpu.memref_slice %arg6[%arg0, %mul3A_61, %dma_wait3A_68] : memref<2x10240x128xf32, #tpu.memory_space<hbm>> -> memref<1x640x128xf32, #tpu.memory_space<hbm>>
      %dma_wait3A_70 = tpu.memref_squeeze %dma_wait3A_69 : memref<1x640x128xf32, #tpu.memory_space<hbm>> -> memref<640x128xf32, #tpu.memory_space<hbm>>
      %dma_wait3A_71 = arith.constant 0 : i32
      %dma_wait3A_72 = tpu.memref_slice %arg11[%mul3A_59, %dma_wait3A_71] : memref<10240x128xf32, #tpu.memory_space<vmem_shared>> -> memref<640x128xf32, #tpu.memory_space<vmem_shared>>
      tpu.wait_dma2 semaphore(%run_scoped3A_62 : memref<!tpu.dma_semaphore, #tpu.memory_space<semaphore_mem>>) src(%dma_wait3A_72 : memref<640x128xf32, #tpu.memory_space<vmem_shared>>) dst(%dma_wait3A_70 : memref<640x128xf32, #tpu.memory_space<hbm>>)
      tpu.yield
    }) : () -> ()
    return
  }
}

module attributes {stable_mosaic.version = 14 : i64} {
  func.func @_mm_body(%arg0: i32, %arg1: memref<1024x128xf32, #tpu.memory_space<vmem>>, %arg2: memref<128x128xf32, #tpu.memory_space<vmem>>, %arg3: memref<1024x128xf32, #tpu.memory_space<vmem>>) attributes {dimension_semantics = [#tpu.dimension_semantics<arbitrary>], iteration_bounds = array<i64: 10>, scalar_prefetch = 0 : i64, scratch_operands = 0 : i64, tpu.core_type = #tpu.core_type<tc>, window_params = [{transform_indices = @transform_0, window_bounds = array<i64: 1024, 128>}, {pipeline_mode = #tpu.pipeline_mode<synchronous>, transform_indices = @transform_1, window_bounds = array<i64: 128, 128>}, {transform_indices = @transform_2, window_bounds = array<i64: 1024, 128>}]} {
    %get3A = arith.constant 0 : index
    %get3A_0 = arith.constant 0 : index
    %get3A_1 = vector.load %arg1[%get3A, %get3A_0] : memref<1024x128xf32, #tpu.memory_space<vmem>>, vector<1024x128xf32>
    %get3A_2 = arith.constant 0 : index
    %get3A_3 = arith.constant 0 : index
    %get3A_4 = vector.load %arg2[%get3A_2, %get3A_3] : memref<128x128xf32, #tpu.memory_space<vmem>>, vector<128x128xf32>
    %dot_general3A = arith.constant dense<0.000000e+00> : vector<1024x128xf32>
    %dot_general3A_5 = tpu.matmul %get3A_1, %get3A_4, %dot_general3A {dimension_numbers = #tpu.dot_dimension_numbers<[1], [0], [0], [1], [0, 0, 1, 1], [], []>, transpose_lhs_hint = false} : vector<1024x128xf32>, vector<128x128xf32>, vector<1024x128xf32> -> vector<1024x128xf32>
    %swap3A = arith.constant 0 : index
    %swap3A_6 = arith.constant 0 : index
    %swap3A_7 = vector.load %arg3[%swap3A, %swap3A_6] : memref<1024x128xf32, #tpu.memory_space<vmem>>, vector<1024x128xf32>
    tpu.vector_store %arg3[%swap3A, %swap3A_6], %dot_general3A_5 {strides = array<i32>} : memref<1024x128xf32, #tpu.memory_space<vmem>>, vector<1024x128xf32>,
    return
  }
  func.func @transform_0(%arg0: i32) -> (i32, i32) {
    %c0_i32 = arith.constant 0 : i32
    %c0_i32_0 = arith.constant 0 : i32
    return %arg0, %c0_i32 : i32, i32
  }
  func.func @transform_1(%arg0: i32) -> (i32, i32) {
    %c0_i32 = arith.constant 0 : i32
    %c0_i32_0 = arith.constant 0 : i32
    %c0_i32_1 = arith.constant 0 : i32
    return %c0_i32, %c0_i32_0 : i32, i32
  }
  func.func @transform_2(%arg0: i32) -> (i32, i32) {
    %c0_i32 = arith.constant 0 : i32
    %c0_i32_0 = arith.constant 0 : i32
    return %arg0, %c0_i32 : i32, i32
  }
}

module attributes {stable_mosaic.version = 14 : i64} {
  func.func @_gru_mid_body(%arg0: i32, %arg1: memref<1024x128xf32, #tpu.memory_space<vmem>>, %arg2: memref<1x1024x128xf32, #tpu.memory_space<vmem>>, %arg3: memref<1x1024x128xf32, #tpu.memory_space<vmem>>, %arg4: memref<384x128xf32, #tpu.memory_space<vmem>>, %arg5: memref<384x128xf32, #tpu.memory_space<vmem>>, %arg6: memref<1x384xf32, #tpu.memory_space<vmem>>, %arg7: memref<1x384xf32, #tpu.memory_space<vmem>>, %arg8: memref<128x128xf32, #tpu.memory_space<vmem>>, %arg9: memref<1024x128xf32, #tpu.memory_space<vmem>>, %arg10: memref<1024x128xf32, #tpu.memory_space<vmem>>) attributes {dimension_semantics = [#tpu.dimension_semantics<arbitrary>], iteration_bounds = array<i64: 10>, scalar_prefetch = 0 : i64, scratch_operands = 0 : i64, tpu.core_type = #tpu.core_type<tc>, window_params = [{transform_indices = @transform_0, window_bounds = array<i64: 1024, 128>}, {transform_indices = @transform_1, window_bounds = array<i64: 1, 1024, 128>}, {transform_indices = @transform_2, window_bounds = array<i64: 1, 1024, 128>}, {pipeline_mode = #tpu.pipeline_mode<synchronous>, transform_indices = @transform_3, window_bounds = array<i64: 384, 128>}, {pipeline_mode = #tpu.pipeline_mode<synchronous>, transform_indices = @transform_4, window_bounds = array<i64: 384, 128>}, {pipeline_mode = #tpu.pipeline_mode<synchronous>, transform_indices = @transform_5, window_bounds = array<i64: 1, 384>}, {pipeline_mode = #tpu.pipeline_mode<synchronous>, transform_indices = @transform_6, window_bounds = array<i64: 1, 384>}, {pipeline_mode = #tpu.pipeline_mode<synchronous>, transform_indices = @transform_7, window_bounds = array<i64: 128, 128>}, {transform_indices = @transform_8, window_bounds = array<i64: 1024, 128>}, {transform_indices = @transform_9, window_bounds = array<i64: 1024, 128>}]} {
    %get3A = arith.constant 0 : index
    %get3A_0 = arith.constant 0 : index
    %get3A_1 = arith.constant 0 : index
    %get3A_2 = vector.load %arg2[%get3A, %get3A_0, %get3A_1] : memref<1x1024x128xf32, #tpu.memory_space<vmem>>, vector<1x1024x128xf32>
    %get3A_3 = vector.shape_cast %get3A_2 : vector<1x1024x128xf32> to vector<1024x128xf32>
    %get3A_4 = arith.constant 0 : index
    %get3A_5 = arith.constant 0 : index
    %get3A_6 = arith.constant 0 : index
    %get3A_7 = vector.load %arg3[%get3A_4, %get3A_5, %get3A_6] : memref<1x1024x128xf32, #tpu.memory_space<vmem>>, vector<1x1024x128xf32>
    %get3A_8 = vector.shape_cast %get3A_7 : vector<1x1024x128xf32> to vector<1024x128xf32>
    %add3A = arith.addf %get3A_3, %get3A_8 : vector<1024x128xf32>
    %get3A_9 = arith.constant 0 : index
    %get3A_10 = arith.constant 0 : index
    %get3A_11 = vector.load %arg1[%get3A_9, %get3A_10] : memref<1024x128xf32, #tpu.memory_space<vmem>>, vector<1024x128xf32>
    %get3A_12 = arith.constant 0 : index
    %get3A_13 = arith.constant 0 : index
    %get3A_14 = vector.load %arg4[%get3A_12, %get3A_13] : memref<384x128xf32, #tpu.memory_space<vmem>>, vector<384x128xf32>
    %dot_general3A = arith.constant dense<0.000000e+00> : vector<1024x384xf32>
    %dot_general3A_15 = tpu.matmul %add3A, %get3A_14, %dot_general3A {dimension_numbers = #tpu.dot_dimension_numbers<[1], [1], [0], [0], [0, 0, 1, 0], [], []>, transpose_lhs_hint = false} : vector<1024x128xf32>, vector<384x128xf32>, vector<1024x384xf32> -> vector<1024x384xf32>
    %get3A_16 = arith.constant 0 : index
    %get3A_17 = arith.constant 0 : index
    %get3A_18 = vector.load %arg6[%get3A_16, %get3A_17] : memref<1x384xf32, #tpu.memory_space<vmem>>, vector<1x384xf32>
    %add3A_19 = vector.broadcast %get3A_18 : vector<1x384xf32> to vector<1024x384xf32>
    %add3A_20 = arith.addf %dot_general3A_15, %add3A_19 : vector<1024x384xf32>
    %get3A_21 = arith.constant 0 : index
    %get3A_22 = arith.constant 0 : index
    %get3A_23 = vector.load %arg5[%get3A_21, %get3A_22] : memref<384x128xf32, #tpu.memory_space<vmem>>, vector<384x128xf32>
    %dot_general3A_24 = arith.constant dense<0.000000e+00> : vector<1024x384xf32>
    %dot_general3A_25 = tpu.matmul %get3A_11, %get3A_23, %dot_general3A_24 {dimension_numbers = #tpu.dot_dimension_numbers<[1], [1], [0], [0], [0, 0, 1, 0], [], []>, transpose_lhs_hint = false} : vector<1024x128xf32>, vector<384x128xf32>, vector<1024x384xf32> -> vector<1024x384xf32>
    %get3A_26 = arith.constant 0 : index
    %get3A_27 = arith.constant 0 : index
    %get3A_28 = vector.load %arg7[%get3A_26, %get3A_27] : memref<1x384xf32, #tpu.memory_space<vmem>>, vector<1x384xf32>
    %add3A_29 = vector.broadcast %get3A_28 : vector<1x384xf32> to vector<1024x384xf32>
    %add3A_30 = arith.addf %dot_general3A_25, %add3A_29 : vector<1024x384xf32>
    %slice3A = vector.extract_strided_slice %add3A_20 {offsets = [0, 0], sizes = [1024, 128], strides = [1, 1]} : vector<1024x384xf32> to vector<1024x128xf32>
    %slice3A_31 = vector.extract_strided_slice %add3A_30 {offsets = [0, 0], sizes = [1024, 128], strides = [1, 1]} : vector<1024x384xf32> to vector<1024x128xf32>
    %add3A_32 = arith.addf %slice3A, %slice3A_31 : vector<1024x128xf32>
    %logistic3A = arith.negf %add3A_32 : vector<1024x128xf32>
    %logistic3A_33 = math.exp %logistic3A : vector<1024x128xf32>
    %logistic3A_34 = arith.constant 1.000000e+00 : f32
    %logistic3A_35 = vector.broadcast %logistic3A_34 : f32 to vector<1024x128xf32>
    %logistic3A_36 = arith.addf %logistic3A_35, %logistic3A_33 : vector<1024x128xf32>
    %logistic3A_37 = arith.divf %logistic3A_35, %logistic3A_36 : vector<1024x128xf32>
    %slice3A_38 = vector.extract_strided_slice %add3A_20 {offsets = [0, 128], sizes = [1024, 128], strides = [1, 1]} : vector<1024x384xf32> to vector<1024x128xf32>
    %slice3A_39 = vector.extract_strided_slice %add3A_30 {offsets = [0, 128], sizes = [1024, 128], strides = [1, 1]} : vector<1024x384xf32> to vector<1024x128xf32>
    %add3A_40 = arith.addf %slice3A_38, %slice3A_39 : vector<1024x128xf32>
    %logistic3A_41 = arith.negf %add3A_40 : vector<1024x128xf32>
    %logistic3A_42 = math.exp %logistic3A_41 : vector<1024x128xf32>
    %logistic3A_43 = arith.constant 1.000000e+00 : f32
    %logistic3A_44 = vector.broadcast %logistic3A_43 : f32 to vector<1024x128xf32>
    %logistic3A_45 = arith.addf %logistic3A_44, %logistic3A_42 : vector<1024x128xf32>
    %logistic3A_46 = arith.divf %logistic3A_44, %logistic3A_45 : vector<1024x128xf32>
    %slice3A_47 = vector.extract_strided_slice %add3A_20 {offsets = [0, 256], sizes = [1024, 128], strides = [1, 1]} : vector<1024x384xf32> to vector<1024x128xf32>
    %slice3A_48 = vector.extract_strided_slice %add3A_30 {offsets = [0, 256], sizes = [1024, 128], strides = [1, 1]} : vector<1024x384xf32> to vector<1024x128xf32>
    %mul3A = arith.mulf %logistic3A_37, %slice3A_48 : vector<1024x128xf32>
    %add3A_49 = arith.addf %slice3A_47, %mul3A : vector<1024x128xf32>
    %tanh3A = math.tanh %add3A_49 : vector<1024x128xf32>
    %sub3A = arith.constant 1.000000e+00 : f32
    %sub3A_50 = vector.broadcast %sub3A : f32 to vector<1024x128xf32>
    %sub3A_51 = arith.subf %sub3A_50, %logistic3A_46 : vector<1024x128xf32>
    %mul3A_52 = arith.mulf %sub3A_51, %tanh3A : vector<1024x128xf32>
    %mul3A_53 = arith.mulf %logistic3A_46, %get3A_11 : vector<1024x128xf32>
    %add3A_54 = arith.addf %mul3A_52, %mul3A_53 : vector<1024x128xf32>
    %swap3A = arith.constant 0 : index
    %swap3A_55 = arith.constant 0 : index
    %swap3A_56 = vector.load %arg9[%swap3A, %swap3A_55] : memref<1024x128xf32, #tpu.memory_space<vmem>>, vector<1024x128xf32>
    tpu.vector_store %arg9[%swap3A, %swap3A_55], %add3A_54 {strides = array<i32>} : memref<1024x128xf32, #tpu.memory_space<vmem>>, vector<1024x128xf32>,
    %get3A_57 = arith.constant 0 : index
    %get3A_58 = arith.constant 0 : index
    %get3A_59 = vector.load %arg8[%get3A_57, %get3A_58] : memref<128x128xf32, #tpu.memory_space<vmem>>, vector<128x128xf32>
    %dot_general3A_60 = arith.constant dense<0.000000e+00> : vector<1024x128xf32>
    %dot_general3A_61 = tpu.matmul %add3A_54, %get3A_59, %dot_general3A_60 {dimension_numbers = #tpu.dot_dimension_numbers<[1], [0], [0], [1], [0, 0, 1, 1], [], []>, transpose_lhs_hint = false} : vector<1024x128xf32>, vector<128x128xf32>, vector<1024x128xf32> -> vector<1024x128xf32>
    %swap3A_62 = arith.constant 0 : index
    %swap3A_63 = arith.constant 0 : index
    %swap3A_64 = vector.load %arg10[%swap3A_62, %swap3A_63] : memref<1024x128xf32, #tpu.memory_space<vmem>>, vector<1024x128xf32>
    tpu.vector_store %arg10[%swap3A_62, %swap3A_63], %dot_general3A_61 {strides = array<i32>} : memref<1024x128xf32, #tpu.memory_space<vmem>>, vector<1024x128xf32>,
    return
  }
  func.func @transform_0(%arg0: i32) -> (i32, i32) {
    %c0_i32 = arith.constant 0 : i32
    %c0_i32_0 = arith.constant 0 : i32
    return %arg0, %c0_i32 : i32, i32
  }
  func.func @transform_1(%arg0: i32) -> (i32, i32, i32) {
    %c0_i32 = arith.constant 0 : i32
    %c0_i32_0 = arith.constant 0 : i32
    %c0_i32_1 = arith.constant 0 : i32
    return %c0_i32, %arg0, %c0_i32_0 : i32, i32, i32
  }
  func.func @transform_2(%arg0: i32) -> (i32, i32, i32) {
    %add3A = arith.constant 5 : i32
    %add3A_0 = arith.addi %arg0, %add3A : i32
    %jit3A = arith.constant 10 : i32
    %eq3A = arith.constant 0 : i32
    %eq3A_1 = arith.cmpi eq, %jit3A, %eq3A : i32
    %jit3A_2 = arith.constant 1 : i32
    %select_n3A = arith.select %eq3A_1, %jit3A_2, %jit3A : i32
    %rem3A = arith.remsi %add3A_0, %select_n3A : i32
    %ne3A = arith.constant 0 : i32
    %ne3A_3 = arith.cmpi ne, %rem3A, %ne3A : i32
    %lt3A = arith.constant 0 : i32
    %lt3A_4 = arith.cmpi slt, %rem3A, %lt3A : i32
    %lt3A_5 = arith.constant 0 : i32
    %lt3A_6 = arith.cmpi slt, %select_n3A, %lt3A_5 : i32
    %ne3A_7 = arith.xori %lt3A_4, %lt3A_6 : i1
    %and3A = arith.andi %ne3A_7, %ne3A_3 : i1
    %add3A_8 = arith.addi %rem3A, %select_n3A : i32
    %select_n3A_9 = arith.select %and3A, %add3A_8, %rem3A : i32
    %c1_i32 = arith.constant 1 : i32
    %c0_i32 = arith.constant 0 : i32
    %c0_i32_10 = arith.constant 0 : i32
    return %c1_i32, %select_n3A_9, %c0_i32 : i32, i32, i32
  }
  func.func @transform_3(%arg0: i32) -> (i32, i32) {
    %c0_i32 = arith.constant 0 : i32
    %c0_i32_0 = arith.constant 0 : i32
    %c0_i32_1 = arith.constant 0 : i32
    return %c0_i32, %c0_i32_0 : i32, i32
  }
  func.func @transform_4(%arg0: i32) -> (i32, i32) {
    %c0_i32 = arith.constant 0 : i32
    %c0_i32_0 = arith.constant 0 : i32
    %c0_i32_1 = arith.constant 0 : i32
    return %c0_i32, %c0_i32_0 : i32, i32
  }
  func.func @transform_5(%arg0: i32) -> (i32, i32) {
    %c0_i32 = arith.constant 0 : i32
    %c0_i32_0 = arith.constant 0 : i32
    %c0_i32_1 = arith.constant 0 : i32
    return %c0_i32, %c0_i32_0 : i32, i32
  }
  func.func @transform_6(%arg0: i32) -> (i32, i32) {
    %c0_i32 = arith.constant 0 : i32
    %c0_i32_0 = arith.constant 0 : i32
    %c0_i32_1 = arith.constant 0 : i32
    return %c0_i32, %c0_i32_0 : i32, i32
  }
  func.func @transform_7(%arg0: i32) -> (i32, i32) {
    %c0_i32 = arith.constant 0 : i32
    %c0_i32_0 = arith.constant 0 : i32
    %c0_i32_1 = arith.constant 0 : i32
    return %c0_i32, %c0_i32_0 : i32, i32
  }
  func.func @transform_8(%arg0: i32) -> (i32, i32) {
    %c0_i32 = arith.constant 0 : i32
    %c0_i32_0 = arith.constant 0 : i32
    return %arg0, %c0_i32 : i32, i32
  }
  func.func @transform_9(%arg0: i32) -> (i32, i32) {
    %c0_i32 = arith.constant 0 : i32
    %c0_i32_0 = arith.constant 0 : i32
    return %arg0, %c0_i32 : i32, i32
  }
}

module attributes {stable_mosaic.version = 14 : i64} {
  func.func @_final_body(%arg0: i32, %arg1: memref<1024x128xf32, #tpu.memory_space<vmem>>, %arg2: memref<1x1024x128xf32, #tpu.memory_space<vmem>>, %arg3: memref<1x1024x128xf32, #tpu.memory_space<vmem>>, %arg4: memref<384x128xf32, #tpu.memory_space<vmem>>, %arg5: memref<384x128xf32, #tpu.memory_space<vmem>>, %arg6: memref<1x384xf32, #tpu.memory_space<vmem>>, %arg7: memref<1x384xf32, #tpu.memory_space<vmem>>, %arg8: memref<128x128xf32, #tpu.memory_space<vmem>>, %arg9: memref<1x128xf32, #tpu.memory_space<vmem>>, %arg10: memref<10x128xf32, #tpu.memory_space<vmem>>, %arg11: memref<1x10xf32, #tpu.memory_space<vmem>>, %arg12: memref<1x1x1024xi32, #tpu.memory_space<vmem>>, %arg13: memref<64x10xf32, #tpu.memory_space<vmem>>, %arg14: memref<64x128xf32, #tpu.memory_space<vmem>>, %arg15: memref<64x128xf32, #tpu.memory_space<vmem>>) attributes {dimension_semantics = [#tpu.dimension_semantics<arbitrary>], iteration_bounds = array<i64: 10>, scalar_prefetch = 0 : i64, scratch_operands = 2 : i64, tpu.core_type = #tpu.core_type<tc>, window_params = [{transform_indices = @transform_0, window_bounds = array<i64: 1024, 128>}, {transform_indices = @transform_1, window_bounds = array<i64: 1, 1024, 128>}, {transform_indices = @transform_2, window_bounds = array<i64: 1, 1024, 128>}, {pipeline_mode = #tpu.pipeline_mode<synchronous>, transform_indices = @transform_3, window_bounds = array<i64: 384, 128>}, {pipeline_mode = #tpu.pipeline_mode<synchronous>, transform_indices = @transform_4, window_bounds = array<i64: 384, 128>}, {pipeline_mode = #tpu.pipeline_mode<synchronous>, transform_indices = @transform_5, window_bounds = array<i64: 1, 384>}, {pipeline_mode = #tpu.pipeline_mode<synchronous>, transform_indices = @transform_6, window_bounds = array<i64: 1, 384>}, {pipeline_mode = #tpu.pipeline_mode<synchronous>, transform_indices = @transform_7, window_bounds = array<i64: 128, 128>}, {pipeline_mode = #tpu.pipeline_mode<synchronous>, transform_indices = @transform_8, window_bounds = array<i64: 1, 128>}, {pipeline_mode = #tpu.pipeline_mode<synchronous>, transform_indices = @transform_9, window_bounds = array<i64: 10, 128>}, {pipeline_mode = #tpu.pipeline_mode<synchronous>, transform_indices = @transform_10, window_bounds = array<i64: 1, 10>}, {transform_indices = @transform_11, window_bounds = array<i64: 1, 1, 1024>}, {pipeline_mode = #tpu.pipeline_mode<synchronous>, transform_indices = @transform_12, window_bounds = array<i64: 64, 10>}]} {
    %eq3A = arith.constant 0 : i32
    %eq3A_0 = arith.cmpi eq, %arg0, %eq3A : i32
    %convert_element_type3A = arith.extui %eq3A_0 : i1 to i32
    %cond3A = arith.constant 0 : i32
    %cond3A_1 = arith.cmpi ne, %convert_element_type3A, %cond3A : i32
    scf.if %cond3A_1 {
      %broadcast_in_dim3A_102 = arith.constant 0.000000e+00 : f32
      %broadcast_in_dim3A_103 = vector.broadcast %broadcast_in_dim3A_102 : f32 to vector<64x128xf32>
      %swap3A_104 = arith.constant 0 : index
      %swap3A_105 = arith.constant 0 : index
      %swap3A_106 = vector.load %arg14[%swap3A_104, %swap3A_105] : memref<64x128xf32, #tpu.memory_space<vmem>>, vector<64x128xf32>
      tpu.vector_store %arg14[%swap3A_104, %swap3A_105], %broadcast_in_dim3A_103 {strides = array<i32>} : memref<64x128xf32, #tpu.memory_space<vmem>>, vector<64x128xf32>,
      %broadcast_in_dim3A_107 = arith.constant 0.000000e+00 : f32
      %broadcast_in_dim3A_108 = vector.broadcast %broadcast_in_dim3A_107 : f32 to vector<64x128xf32>
      %swap3A_109 = arith.constant 0 : index
      %swap3A_110 = arith.constant 0 : index
      %swap3A_111 = vector.load %arg15[%swap3A_109, %swap3A_110] : memref<64x128xf32, #tpu.memory_space<vmem>>, vector<64x128xf32>
      tpu.vector_store %arg15[%swap3A_109, %swap3A_110], %broadcast_in_dim3A_108 {strides = array<i32>} : memref<64x128xf32, #tpu.memory_space<vmem>>, vector<64x128xf32>,
    } else {
    }
    %get3A = arith.constant 0 : index
    %get3A_2 = arith.constant 0 : index
    %get3A_3 = arith.constant 0 : index
    %get3A_4 = vector.load %arg2[%get3A, %get3A_2, %get3A_3] : memref<1x1024x128xf32, #tpu.memory_space<vmem>>, vector<1x1024x128xf32>
    %get3A_5 = vector.shape_cast %get3A_4 : vector<1x1024x128xf32> to vector<1024x128xf32>
    %get3A_6 = arith.constant 0 : index
    %get3A_7 = arith.constant 0 : index
    %get3A_8 = arith.constant 0 : index
    %get3A_9 = vector.load %arg3[%get3A_6, %get3A_7, %get3A_8] : memref<1x1024x128xf32, #tpu.memory_space<vmem>>, vector<1x1024x128xf32>
    %get3A_10 = vector.shape_cast %get3A_9 : vector<1x1024x128xf32> to vector<1024x128xf32>
    %add3A = arith.addf %get3A_5, %get3A_10 : vector<1024x128xf32>
    %get3A_11 = arith.constant 0 : index
    %get3A_12 = arith.constant 0 : index
    %get3A_13 = vector.load %arg1[%get3A_11, %get3A_12] : memref<1024x128xf32, #tpu.memory_space<vmem>>, vector<1024x128xf32>
    %get3A_14 = arith.constant 0 : index
    %get3A_15 = arith.constant 0 : index
    %get3A_16 = vector.load %arg4[%get3A_14, %get3A_15] : memref<384x128xf32, #tpu.memory_space<vmem>>, vector<384x128xf32>
    %dot_general3A = arith.constant dense<0.000000e+00> : vector<1024x384xf32>
    %dot_general3A_17 = tpu.matmul %add3A, %get3A_16, %dot_general3A {dimension_numbers = #tpu.dot_dimension_numbers<[1], [1], [0], [0], [0, 0, 1, 0], [], []>, transpose_lhs_hint = false} : vector<1024x128xf32>, vector<384x128xf32>, vector<1024x384xf32> -> vector<1024x384xf32>
    %get3A_18 = arith.constant 0 : index
    %get3A_19 = arith.constant 0 : index
    %get3A_20 = vector.load %arg6[%get3A_18, %get3A_19] : memref<1x384xf32, #tpu.memory_space<vmem>>, vector<1x384xf32>
    %add3A_21 = vector.broadcast %get3A_20 : vector<1x384xf32> to vector<1024x384xf32>
    %add3A_22 = arith.addf %dot_general3A_17, %add3A_21 : vector<1024x384xf32>
    %get3A_23 = arith.constant 0 : index
    %get3A_24 = arith.constant 0 : index
    %get3A_25 = vector.load %arg5[%get3A_23, %get3A_24] : memref<384x128xf32, #tpu.memory_space<vmem>>, vector<384x128xf32>
    %dot_general3A_26 = arith.constant dense<0.000000e+00> : vector<1024x384xf32>
    %dot_general3A_27 = tpu.matmul %get3A_13, %get3A_25, %dot_general3A_26 {dimension_numbers = #tpu.dot_dimension_numbers<[1], [1], [0], [0], [0, 0, 1, 0], [], []>, transpose_lhs_hint = false} : vector<1024x128xf32>, vector<384x128xf32>, vector<1024x384xf32> -> vector<1024x384xf32>
    %get3A_28 = arith.constant 0 : index
    %get3A_29 = arith.constant 0 : index
    %get3A_30 = vector.load %arg7[%get3A_28, %get3A_29] : memref<1x384xf32, #tpu.memory_space<vmem>>, vector<1x384xf32>
    %add3A_31 = vector.broadcast %get3A_30 : vector<1x384xf32> to vector<1024x384xf32>
    %add3A_32 = arith.addf %dot_general3A_27, %add3A_31 : vector<1024x384xf32>
    %slice3A = vector.extract_strided_slice %add3A_22 {offsets = [0, 0], sizes = [1024, 128], strides = [1, 1]} : vector<1024x384xf32> to vector<1024x128xf32>
    %slice3A_33 = vector.extract_strided_slice %add3A_32 {offsets = [0, 0], sizes = [1024, 128], strides = [1, 1]} : vector<1024x384xf32> to vector<1024x128xf32>
    %add3A_34 = arith.addf %slice3A, %slice3A_33 : vector<1024x128xf32>
    %logistic3A = arith.negf %add3A_34 : vector<1024x128xf32>
    %logistic3A_35 = math.exp %logistic3A : vector<1024x128xf32>
    %logistic3A_36 = arith.constant 1.000000e+00 : f32
    %logistic3A_37 = vector.broadcast %logistic3A_36 : f32 to vector<1024x128xf32>
    %logistic3A_38 = arith.addf %logistic3A_37, %logistic3A_35 : vector<1024x128xf32>
    %logistic3A_39 = arith.divf %logistic3A_37, %logistic3A_38 : vector<1024x128xf32>
    %slice3A_40 = vector.extract_strided_slice %add3A_22 {offsets = [0, 128], sizes = [1024, 128], strides = [1, 1]} : vector<1024x384xf32> to vector<1024x128xf32>
    %slice3A_41 = vector.extract_strided_slice %add3A_32 {offsets = [0, 128], sizes = [1024, 128], strides = [1, 1]} : vector<1024x384xf32> to vector<1024x128xf32>
    %add3A_42 = arith.addf %slice3A_40, %slice3A_41 : vector<1024x128xf32>
    %logistic3A_43 = arith.negf %add3A_42 : vector<1024x128xf32>
    %logistic3A_44 = math.exp %logistic3A_43 : vector<1024x128xf32>
    %logistic3A_45 = arith.constant 1.000000e+00 : f32
    %logistic3A_46 = vector.broadcast %logistic3A_45 : f32 to vector<1024x128xf32>
    %logistic3A_47 = arith.addf %logistic3A_46, %logistic3A_44 : vector<1024x128xf32>
    %logistic3A_48 = arith.divf %logistic3A_46, %logistic3A_47 : vector<1024x128xf32>
    %slice3A_49 = vector.extract_strided_slice %add3A_22 {offsets = [0, 256], sizes = [1024, 128], strides = [1, 1]} : vector<1024x384xf32> to vector<1024x128xf32>
    %slice3A_50 = vector.extract_strided_slice %add3A_32 {offsets = [0, 256], sizes = [1024, 128], strides = [1, 1]} : vector<1024x384xf32> to vector<1024x128xf32>
    %mul3A = arith.mulf %logistic3A_39, %slice3A_50 : vector<1024x128xf32>
    %add3A_51 = arith.addf %slice3A_49, %mul3A : vector<1024x128xf32>
    %tanh3A = math.tanh %add3A_51 : vector<1024x128xf32>
    %sub3A = arith.constant 1.000000e+00 : f32
    %sub3A_52 = vector.broadcast %sub3A : f32 to vector<1024x128xf32>
    %sub3A_53 = arith.subf %sub3A_52, %logistic3A_48 : vector<1024x128xf32>
    %mul3A_54 = arith.mulf %sub3A_53, %tanh3A : vector<1024x128xf32>
    %mul3A_55 = arith.mulf %logistic3A_48, %get3A_13 : vector<1024x128xf32>
    %add3A_56 = arith.addf %mul3A_54, %mul3A_55 : vector<1024x128xf32>
    %get3A_57 = arith.constant 0 : index
    %get3A_58 = arith.constant 0 : index
    %get3A_59 = vector.load %arg8[%get3A_57, %get3A_58] : memref<128x128xf32, #tpu.memory_space<vmem>>, vector<128x128xf32>
    %dot_general3A_60 = arith.constant dense<0.000000e+00> : vector<1024x128xf32>
    %dot_general3A_61 = tpu.matmul %add3A_56, %get3A_59, %dot_general3A_60 {dimension_numbers = #tpu.dot_dimension_numbers<[1], [1], [0], [0], [0, 0, 1, 0], [], []>, transpose_lhs_hint = false} : vector<1024x128xf32>, vector<128x128xf32>, vector<1024x128xf32> -> vector<1024x128xf32>
    %get3A_62 = arith.constant 0 : index
    %get3A_63 = arith.constant 0 : index
    %get3A_64 = vector.load %arg9[%get3A_62, %get3A_63] : memref<1x128xf32, #tpu.memory_space<vmem>>, vector<1x128xf32>
    %add3A_65 = vector.broadcast %get3A_64 : vector<1x128xf32> to vector<1024x128xf32>
    %add3A_66 = arith.addf %dot_general3A_61, %add3A_65 : vector<1024x128xf32>
    %max3A = arith.constant 0.000000e+00 : f32
    %max3A_67 = vector.broadcast %max3A : f32 to vector<1024x128xf32>
    %max3A_68 = arith.maximumf %add3A_66, %max3A_67 : vector<1024x128xf32>
    %get3A_69 = arith.constant 0 : index
    %get3A_70 = arith.constant 0 : index
    %get3A_71 = arith.constant 0 : index
    %get3A_72 = vector.load %arg12[%get3A_69, %get3A_70, %get3A_71] : memref<1x1x1024xi32, #tpu.memory_space<vmem>>, vector<1x1x1024xi32>
    %get3A_73 = vector.shape_cast %get3A_72 : vector<1x1x1024xi32> to vector<1024xi32>
    %broadcast_in_dim3A = vector.shape_cast %get3A_73 : vector<1024xi32> to vector<1024x1xi32>
    %iota3A = tpu.iota {dimensions = array<i32: 1>} : vector<1024x64xi32>
    %eq3A_74 = vector.broadcast %broadcast_in_dim3A : vector<1024x1xi32> to vector<1024x64xi32>
    %eq3A_75 = arith.cmpi eq, %eq3A_74, %iota3A : vector<1024x64xi32>
    %convert_element_type3A_76 = arith.extui %eq3A_75 : vector<1024x64xi1> to vector<1024x64xi32>
    %convert_element_type3A_77 = arith.sitofp %convert_element_type3A_76 : vector<1024x64xi32> to vector<1024x64xf32>
    %get3A_78 = arith.constant 0 : index
    %get3A_79 = arith.constant 0 : index
    %get3A_80 = vector.load %arg14[%get3A_78, %get3A_79] : memref<64x128xf32, #tpu.memory_space<vmem>>, vector<64x128xf32>
    %dot_general3A_81 = arith.constant dense<0.000000e+00> : vector<64x128xf32>
    %dot_general3A_82 = tpu.matmul %convert_element_type3A_77, %max3A_68, %dot_general3A_81 {dimension_numbers = #tpu.dot_dimension_numbers<[0], [0], [1], [1], [0, 1, 1, 1], [], []>, transpose_lhs_hint = false} : vector<1024x64xf32>, vector<1024x128xf32>, vector<64x128xf32> -> vector<64x128xf32>
    %add3A_83 = arith.addf %get3A_80, %dot_general3A_82 : vector<64x128xf32>
    %swap3A = arith.constant 0 : index
    %swap3A_84 = arith.constant 0 : index
    %swap3A_85 = vector.load %arg14[%swap3A, %swap3A_84] : memref<64x128xf32, #tpu.memory_space<vmem>>, vector<64x128xf32>
    tpu.vector_store %arg14[%swap3A, %swap3A_84], %add3A_83 {strides = array<i32>} : memref<64x128xf32, #tpu.memory_space<vmem>>, vector<64x128xf32>,
    %get3A_86 = arith.constant 0 : index
    %get3A_87 = arith.constant 0 : index
    %get3A_88 = vector.load %arg15[%get3A_86, %get3A_87] : memref<64x128xf32, #tpu.memory_space<vmem>>, vector<64x128xf32>
    %broadcast_in_dim3A_89 = arith.constant 1.000000e+00 : f32
    %broadcast_in_dim3A_90 = vector.broadcast %broadcast_in_dim3A_89 : f32 to vector<1024x128xf32>
    %dot_general3A_91 = arith.constant dense<0.000000e+00> : vector<64x128xf32>
    %dot_general3A_92 = tpu.matmul %convert_element_type3A_77, %broadcast_in_dim3A_90, %dot_general3A_91 {dimension_numbers = #tpu.dot_dimension_numbers<[0], [0], [1], [1], [0, 1, 1, 1], [], []>, transpose_lhs_hint = false} : vector<1024x64xf32>, vector<1024x128xf32>, vector<64x128xf32> -> vector<64x128xf32>
    %add3A_93 = arith.addf %get3A_88, %dot_general3A_92 : vector<64x128xf32>
    %swap3A_94 = arith.constant 0 : index
    %swap3A_95 = arith.constant 0 : index
    %swap3A_96 = vector.load %arg15[%swap3A_94, %swap3A_95] : memref<64x128xf32, #tpu.memory_space<vmem>>, vector<64x128xf32>
    tpu.vector_store %arg15[%swap3A_94, %swap3A_95], %add3A_93 {strides = array<i32>} : memref<64x128xf32, #tpu.memory_space<vmem>>, vector<64x128xf32>,
    %eq3A_97 = arith.constant 9 : i32
    %eq3A_98 = arith.cmpi eq, %arg0, %eq3A_97 : i32
    %convert_element_type3A_99 = arith.extui %eq3A_98 : i1 to i32
    %cond3A_100 = arith.constant 0 : i32
    %cond3A_101 = arith.cmpi ne, %convert_element_type3A_99, %cond3A_100 : i32
    scf.if %cond3A_101 {
      %get3A_102 = arith.constant 0 : index
      %get3A_103 = arith.constant 0 : index
      %get3A_104 = vector.load %arg14[%get3A_102, %get3A_103] : memref<64x128xf32, #tpu.memory_space<vmem>>, vector<64x128xf32>
      %get3A_105 = arith.constant 0 : index
      %get3A_106 = arith.constant 0 : index
      %get3A_107 = vector.load %arg15[%get3A_105, %get3A_106] : memref<64x128xf32, #tpu.memory_space<vmem>>, vector<64x128xf32>
      %max3A_108 = arith.constant 1.000000e+00 : f32
      %max3A_109 = vector.broadcast %max3A_108 : f32 to vector<64x128xf32>
      %max3A_110 = arith.maximumf %get3A_107, %max3A_109 : vector<64x128xf32>
      %div3A = arith.divf %get3A_104, %max3A_110 : vector<64x128xf32>
      %get3A_111 = arith.constant 0 : index
      %get3A_112 = arith.constant 0 : index
      %get3A_113 = vector.load %arg10[%get3A_111, %get3A_112] : memref<10x128xf32, #tpu.memory_space<vmem>>, vector<10x128xf32>
      %dot_general3A_114 = arith.constant dense<0.000000e+00> : vector<64x10xf32>
      %dot_general3A_115 = tpu.matmul %div3A, %get3A_113, %dot_general3A_114 {dimension_numbers = #tpu.dot_dimension_numbers<[1], [1], [0], [0], [0, 0, 1, 0], [], []>, transpose_lhs_hint = false} : vector<64x128xf32>, vector<10x128xf32>, vector<64x10xf32> -> vector<64x10xf32>
      %get3A_116 = arith.constant 0 : index
      %get3A_117 = arith.constant 0 : index
      %get3A_118 = vector.load %arg11[%get3A_116, %get3A_117] : memref<1x10xf32, #tpu.memory_space<vmem>>, vector<1x10xf32>
      %add3A_119 = vector.broadcast %get3A_118 : vector<1x10xf32> to vector<64x10xf32>
      %add3A_120 = arith.addf %dot_general3A_115, %add3A_119 : vector<64x10xf32>
      %reduce_max3A = arith.constant dense<0xFF800000> : vector<64xf32>
      %reduce_max3A_121 = vector.multi_reduction <maximumf>, %add3A_120, %reduce_max3A [1] : vector<64x10xf32> to vector<64xf32>
      %broadcast_in_dim3A_122 = vector.shape_cast %reduce_max3A_121 : vector<64xf32> to vector<64x1xf32>
      %sub3A_123 = vector.broadcast %broadcast_in_dim3A_122 : vector<64x1xf32> to vector<64x10xf32>
      %sub3A_124 = arith.subf %add3A_120, %sub3A_123 : vector<64x10xf32>
      %exp3A = math.exp %sub3A_124 : vector<64x10xf32>
      %reduce_sum3A = arith.constant dense<0.000000e+00> : vector<64xf32>
      %reduce_sum3A_125 = vector.multi_reduction <add>, %exp3A, %reduce_sum3A [1] : vector<64x10xf32> to vector<64xf32>
      %broadcast_in_dim3A_126 = vector.shape_cast %reduce_sum3A_125 : vector<64xf32> to vector<64x1xf32>
      %log3A = math.log %broadcast_in_dim3A_126 : vector<64x1xf32>
      %sub3A_127 = vector.broadcast %broadcast_in_dim3A_122 : vector<64x1xf32> to vector<64x10xf32>
      %sub3A_128 = arith.subf %add3A_120, %sub3A_127 : vector<64x10xf32>
      %sub3A_129 = vector.broadcast %log3A : vector<64x1xf32> to vector<64x10xf32>
      %sub3A_130 = arith.subf %sub3A_128, %sub3A_129 : vector<64x10xf32>
      %swap3A_131 = arith.constant 0 : index
      %swap3A_132 = arith.constant 0 : index
      %swap3A_133 = vector.load %arg13[%swap3A_131, %swap3A_132] : memref<64x10xf32, #tpu.memory_space<vmem>>, vector<64x10xf32>
      tpu.vector_store %arg13[%swap3A_131, %swap3A_132], %sub3A_130 {strides = array<i32>} : memref<64x10xf32, #tpu.memory_space<vmem>>, vector<64x10xf32>,
    } else {
    }
    return
  }
  func.func @transform_0(%arg0: i32) -> (i32, i32) {
    %c0_i32 = arith.constant 0 : i32
    %c0_i32_0 = arith.constant 0 : i32
    return %arg0, %c0_i32 : i32, i32
  }
  func.func @transform_1(%arg0: i32) -> (i32, i32, i32) {
    %c0_i32 = arith.constant 0 : i32
    %c0_i32_0 = arith.constant 0 : i32
    %c0_i32_1 = arith.constant 0 : i32
    return %c0_i32, %arg0, %c0_i32_0 : i32, i32, i32
  }
  func.func @transform_2(%arg0: i32) -> (i32, i32, i32) {
    %add3A = arith.constant 5 : i32
    %add3A_0 = arith.addi %arg0, %add3A : i32
    %jit3A = arith.constant 10 : i32
    %eq3A = arith.constant 0 : i32
    %eq3A_1 = arith.cmpi eq, %jit3A, %eq3A : i32
    %jit3A_2 = arith.constant 1 : i32
    %select_n3A = arith.select %eq3A_1, %jit3A_2, %jit3A : i32
    %rem3A = arith.remsi %add3A_0, %select_n3A : i32
    %ne3A = arith.constant 0 : i32
    %ne3A_3 = arith.cmpi ne, %rem3A, %ne3A : i32
    %lt3A = arith.constant 0 : i32
    %lt3A_4 = arith.cmpi slt, %rem3A, %lt3A : i32
    %lt3A_5 = arith.constant 0 : i32
    %lt3A_6 = arith.cmpi slt, %select_n3A, %lt3A_5 : i32
    %ne3A_7 = arith.xori %lt3A_4, %lt3A_6 : i1
    %and3A = arith.andi %ne3A_7, %ne3A_3 : i1
    %add3A_8 = arith.addi %rem3A, %select_n3A : i32
    %select_n3A_9 = arith.select %and3A, %add3A_8, %rem3A : i32
    %c1_i32 = arith.constant 1 : i32
    %c0_i32 = arith.constant 0 : i32
    %c0_i32_10 = arith.constant 0 : i32
    return %c1_i32, %select_n3A_9, %c0_i32 : i32, i32, i32
  }
  func.func @transform_3(%arg0: i32) -> (i32, i32) {
    %c0_i32 = arith.constant 0 : i32
    %c0_i32_0 = arith.constant 0 : i32
    %c0_i32_1 = arith.constant 0 : i32
    return %c0_i32, %c0_i32_0 : i32, i32
  }
  func.func @transform_4(%arg0: i32) -> (i32, i32) {
    %c0_i32 = arith.constant 0 : i32
    %c0_i32_0 = arith.constant 0 : i32
    %c0_i32_1 = arith.constant 0 : i32
    return %c0_i32, %c0_i32_0 : i32, i32
  }
  func.func @transform_5(%arg0: i32) -> (i32, i32) {
    %c0_i32 = arith.constant 0 : i32
    %c0_i32_0 = arith.constant 0 : i32
    %c0_i32_1 = arith.constant 0 : i32
    return %c0_i32, %c0_i32_0 : i32, i32
  }
  func.func @transform_6(%arg0: i32) -> (i32, i32) {
    %c0_i32 = arith.constant 0 : i32
    %c0_i32_0 = arith.constant 0 : i32
    %c0_i32_1 = arith.constant 0 : i32
    return %c0_i32, %c0_i32_0 : i32, i32
  }
  func.func @transform_7(%arg0: i32) -> (i32, i32) {
    %c0_i32 = arith.constant 0 : i32
    %c0_i32_0 = arith.constant 0 : i32
    %c0_i32_1 = arith.constant 0 : i32
    return %c0_i32, %c0_i32_0 : i32, i32
  }
  func.func @transform_8(%arg0: i32) -> (i32, i32) {
    %c0_i32 = arith.constant 0 : i32
    %c0_i32_0 = arith.constant 0 : i32
    %c0_i32_1 = arith.constant 0 : i32
    return %c0_i32, %c0_i32_0 : i32, i32
  }
  func.func @transform_9(%arg0: i32) -> (i32, i32) {
    %c0_i32 = arith.constant 0 : i32
    %c0_i32_0 = arith.constant 0 : i32
    %c0_i32_1 = arith.constant 0 : i32
    return %c0_i32, %c0_i32_0 : i32, i32
  }
  func.func @transform_10(%arg0: i32) -> (i32, i32) {
    %c0_i32 = arith.constant 0 : i32
    %c0_i32_0 = arith.constant 0 : i32
    %c0_i32_1 = arith.constant 0 : i32
    return %c0_i32, %c0_i32_0 : i32, i32
  }
  func.func @transform_11(%arg0: i32) -> (i32, i32, i32) {
    %c0_i32 = arith.constant 0 : i32
    %c0_i32_0 = arith.constant 0 : i32
    %c0_i32_1 = arith.constant 0 : i32
    return %arg0, %c0_i32, %c0_i32_0 : i32, i32, i32
  }
  func.func @transform_12(%arg0: i32) -> (i32, i32) {
    %c0_i32 = arith.constant 0 : i32
    %c0_i32_0 = arith.constant 0 : i32
    %c0_i32_1 = arith.constant 0 : i32
    return %c0_i32, %c0_i32_0 : i32, i32
  }
}

</mosaic_0001>

<sc_bundles>
// kernel: kernel.12.cloned.1.call-start
scs
__scs_entry_jumppad:
0x0: {  	(pc) =	sbr.rel $0x88, $3  }
0x1: {  	(tag) =	ssettag $0x0;
	lr =	simm.s32 $0x1  }
0x2: {  	[smem:$0x3F95] =	sst lr;
	_ =	strace $0xD0000000  }
0x3: {  	_ = 	snop  }
0x4: {  	_ = 	snop  }
0x5: {  	_ = 	snop  }
0x6: {  	_ = 	snop  }
0x7: {  	_ = 	snop  }
__scs_overlays_trampoline_lowered:
0x8: {  	[smem:$0x3FA4] =	sst s0  }
0x9: {  	[smem:$0x3FA5] =	sst s1  }
0xa: {  	[smem:$0x3FA6] =	sst s2  }
0xb: {  	[smem:$0x3FA7] =	sst s3  }
0xc: {  	[smem:$0x3FA8] =	sst s4  }
0xd: {  	[smem:$0x3FA9] =	sst s5  }
0xe: {  	[smem:$0x3FAA] =	sst s6  }
0xf: {  	[smem:$0x3FAB] =	sst s7  }
0x10: {  	[smem:$0x3FAC] =	sst s8  }
0x11: {  	[smem:$0x3FAD] =	sst s9;
	s0 =	simm.s32 @!p0 $0x0  }
0x12: {  	s1 =	sld [smem:$0x3F93];
	s0 =	simm.s32 @p0 $0x1  }
0x13: {  	[smem:$0x3FAE] =	sst s0;
	s0 =	simm.s32 @!p1 $0x0  }
0x14: {  	s2 =	sld [smem:$0x3F92];
	s0 =	simm.s32 @p1 $0x1  }
0x15: {  	[smem:$0x3FAF] =	sst s0;
	s0 =	simm.s32 @!p2 $0x0  }
0x16: {  	s3 =	sld [smem:$0x3FDB];
	s0 =	simm.s32 @p2 $0x1  }
0x17: {  	s4 =	simm.s32 $0x1BF5;
	[smem:$0x3FB1] =	sst s0  }
0x18: {  	s0 =	sld [smem:$0x3F94];
	_ =	swait.ge [sflag:s4], $0x0  }
0x19: {  	s7 =	sld [smem:$0x3F95]  }
0x1a: {  	s8 =	sadd.s32 $0xFFFFE003, lr  }
0x1b: {  	s9 =	sadd.s32 $0xFFFFFEF7, lr;
	s5 =	simm.s32 $0xFFFFFFFF;
	p2 =	slt.u32 s8, $0xFFFFF086  }
0x1c: {  	p1 =	slt.u32 s9, $0xF7A;
	s5 =	simm.s32 @!p2 $0x0  }
0x1d: {  	s5 =	simm.s32 @p1 $0x1;
	p0 =	seq.s32 s7, s2  }
0x1e: {  	s7 =	smul.u32 @!p0 $0xF7A, s2;
	p2 =	seq.s32 @!p0 s5, $0x0  }
0x1f: {  	s9 =	smul.u32 $0xF7A, s1;
	s8 =	simm.s32 @!p0 $0x1BF5;
	p2 =	por !p2, p0  }
0x20: {  	[sflag:s8] =	ssyncset.s32 @!p0 $0xFFFFF086;
	s6 =	sadd.s32 @!p0 s3, s7;
	s7 =	simm.s32 @!p0 $0x108  }
0x21: {  	s3 =	sadd.s32 s3, s9;
	s6 =	sadd.s32 @!p0 $0x88, s6;
	s7 =	simm.s32 @p2 $0x1082  }
0x22: {  	[simem:s7], [sflag:s8] =	dma.local @!p0 [hbm:s6], $0xF7A  }
0x23: {  	s9 =	sor.u32 $0xD0000000, s2;
	s6 =	simm.s32 $0x108;
	_ =	swait.ge @!p0 [sflag:s8], $0x0  }
0x24: {  	s3 =	sadd.s32 $0x88, s3;
	s6 =	simm.s32 @!p1 $0x1082;
	[sflag:s4] =	ssyncset.s32 $0xFFFFF086  }
0x25: {  	[simem:s6], [sflag:s4] =	dma.local [hbm:s3], $0xF7A  }
0x26: {  	[smem:$0x3F95] =	sst s1;
	(tag) =	ssettag s2;
	_ =	strace s9  }
0x27: {  	s1 =	sld [smem:$0x3FA5]  }
0x28: {  	s2 =	sld [smem:$0x3FA6]  }
0x29: {  	s4 =	sld [smem:$0x3FA8]  }
0x2a: {  	p0 =	seq.s32 s5, $0x0;
	s5 =	sld [smem:$0x3FA9]  }
0x2b: {  	s6 =	sld [smem:$0x3FAA]  }
0x2c: {  	s7 =	sld [smem:$0x3FAB]  }
0x2d: {  	s3 =	simm.s32 $0x108;
	s8 =	sld [smem:$0x3FAC]  }
0x2e: {  	s3 =	simm.s32 @!p0 $0x1082;
	s9 =	sld [smem:$0x3FAD]  }
0x2f: {  	lr =	sadd.s32 s0, s3;
	s0 =	sld [smem:$0x3FA4]  }
0x30: {  	s3 =	sld [smem:$0x3FA7]  }
0x31: {  	[smem:$0x3FB0] =	sst s10  }
0x32: {  	s10 =	sld [smem:$0x3FAE];
	_ =	sdelay $0x3  }
0x33: {  	p0 =	seq.s32 s10, $0x1;
	s10 =	sld [smem:$0x3FB0];
	_ =	sdelay $0x3  }
0x34: {  	[smem:$0x3FB0] =	sst s10  }
0x35: {  	s10 =	sld [smem:$0x3FAF];
	_ =	sdelay $0x3  }
0x36: {  	p1 =	seq.s32 s10, $0x1;
	s10 =	sld [smem:$0x3FB0];
	_ =	sdelay $0x3  }
0x37: {  	[smem:$0x3FB0] =	sst s10  }
0x38: {  	s10 =	sld [smem:$0x3FB1]  }
0x39: {  	_ = 	snop;
	(pc) =	sbr.ind lr, $3  }
0x3a: {  	_ = 	snop  }
0x3b: {  	_ = 	snop  }
0x3c: {  	p2 =	seq.s32 s10, $0x1;
	s10 =	sld [smem:$0x3FB0]  }
0x3d: {  	_ =	shalt  }
0x3e: {  	_ =	shalt  }
0x3f: {  	_ =	shalt  }
0x40: {  	_ =	shalt  }
0x41: {  	_ =	shalt  }
0x42: {  	_ =	shalt  }
0x43: {  	_ =	shalt  }
0x44: {  	_ =	shalt  }
0x45: {  	_ =	shalt  }
0x46: {  	_ =	shalt  }
0x47: {  	_ =	shalt  }
0x48: {  	_ =	shalt  }
0x49: {  	_ =	shalt  }
0x4a: {  	_ =	shalt  }
0x4b: {  	_ =	shalt  }
0x4c: {  	_ =	shalt  }
0x4d: {  	_ =	shalt  }
0x4e: {  	_ =	shalt  }
0x4f: {  	_ =	shalt  }
0x50: {  	_ =	shalt  }
0x51: {  	_ =	shalt  }
0x52: {  	_ =	shalt  }
0x53: {  	_ =	shalt  }
0x54: {  	_ =	shalt  }
0x55: {  	_ =	shalt  }
0x56: {  	_ =	shalt  }
0x57: {  	_ =	shalt  }
0x58: {  	_ =	shalt  }
0x59: {  	_ =	shalt  }
0x5a: {  	_ =	shalt  }
0x5b: {  	_ =	shalt  }
0x5c: {  	_ =	shalt  }
0x5d: {  	_ =	shalt  }
0x5e: {  	_ =	shalt  }
0x5f: {  	_ =	shalt  }
0x60: {  	_ =	shalt  }
0x61: {  	_ =	shalt  }
0x62: {  	_ =	shalt  }
0x63: {  	_ =	shalt  }
0x64: {  	_ =	shalt  }
0x65: {  	_ =	shalt  }
0x66: {  	_ =	shalt  }
0x67: {  	_ =	shalt  }
0x68: {  	_ =	shalt  }
0x69: {  	_ =	shalt  }
0x6a: {  	_ =	shalt  }
0x6b: {  	_ =	shalt  }
0x6c: {  	_ =	shalt  }
0x6d: {  	_ =	shalt  }
0x6e: {  	_ =	shalt  }
0x6f: {  	_ =	shalt  }
0x70: {  	_ =	shalt  }
0x71: {  	_ =	shalt  }
0x72: {  	_ =	shalt  }
0x73: {  	_ =	shalt  }
0x74: {  	_ =	shalt  }
0x75: {  	_ =	shalt  }
0x76: {  	_ =	shalt  }
0x77: {  	_ =	shalt  }
0x78: {  	_ =	shalt  }
0x79: {  	_ =	shalt  }
0x7a: {  	_ =	shalt  }
0x7b: {  	_ =	shalt  }
0x7c: {  	_ =	shalt  }
0x7d: {  	_ =	shalt  }
0x7e: {  	_ =	shalt  }
0x7f: {  	_ =	shalt  }
0x80: {  	_ =	shalt  }
0x81: {  	_ =	shalt  }
0x82: {  	_ =	shalt  }
0x83: {  	_ =	shalt  }
0x84: {  	_ =	shalt  }
0x85: {  	_ =	shalt  }
0x86: {  	_ =	shalt  }
0x87: {  	_ =	shalt  }
.Lfunc_end0:
.L_simem_size_0:
called_computation.1_lowered:
.L_overlay_start_0:
0x88: {  	s2 =	sld [smem:$0x3FD9]  }
0x89: {  	s3 =	sld [smem:$0x3FFE];
	_ =	sdelay $0x1  }
0x8a: {  	s1 =	srdreg.scid  }
0x8b: {  	s0 =	sand.u32 $0x1, s1  }
0x8c: {  	s16 =	sshll.u32 s0, $0xA;
	s2 =	sadd.s32 s3, s2  }
0x8d: {  	s2 =	sadd.s32 s2, s16  }
0x8e: {  	[smem:$0x3FBC] =	sst s2  }
0x8f: {  	_ = 	snop  }
0x90: {  	(tm) =	ssettm $0x1  }
0x91: {  	s17 =	sld [smem:$0x3FFB];
	_ =	sdelay $0x3  }
0x92: {  	_ =	strace s17  }
0x93: {  	s2 =	sld [smem:$0x3FFC];
	_ =	sdelay $0x3  }
0x94: {  	_ =	strace s2  }
0x95: {  	s2 =	sld [smem:$0x3FFD];
	_ =	sdelay $0x3  }
0x96: {  	_ =	strace s2  }
0x97: {  	_ =	strace $0x8FFFFFFF  }
0x98: {  	s18 =	sld [smem:$0x3FDB];
	_ =	sdelay $0x1  }
0x99: {  	s19 =	simm.s32 $_scs_section_size  }
0x9a: {  	s4 =	simm.s32 $_size__tile_overlayer_lowered;
	s5 =	simm.s32 $_tile_overlayer_lowered  }
0x9b: {  	s22 =	simm.s32 $0x1BFF;
	s21 =	sshll.u32 s5, $0x1;
	s2 =	sadd.s32 s19, s18  }
0x9c: {  	s6 =	simm.s32 $0x0;
	s20 =	sshll.u32 s4, $0x1;
	s4 =	sadd.s32 s21, s2  }
0x9d: {  	[timem:s6], [sflag:s22] =	dma.local [hbm:s4], s20  }
0x9e: {  	_ =	swait.ge [sflag:s22], s20  }
0x9f: {  	s3 =	ssub.s32 $0x0, s20;
	[sflag:s22] =	ssyncset.done $0x0  }
0xa0: {  	[sflag:s22] =	ssyncadd.s32 s3;
	_ =	sdelay $0x1  }
0xa1: {  	s23 =	simm.s32 $0x1B8B  }
0xa2: {  	_ =	swait.ge [sflag:s23], $0x1  }
0xa3: {  	[sflag:s23] =	ssyncset.done $0x0  }
0xa4: {  	s25 =	simm.s32 $0x1B8E;
	s24 =	sld [smem:$0x3FFE];
	[sflag:s23] =	ssyncadd.s32 $0xFFFFFFFF  }
0xa5: {  	s26 =	simm.s32 $execute0_lowered;
	[smem:$0x3FD2] =	sst s25  }
0xa6: {  	s4 =	sshll.u32 s26, $0x1;
	_ =	strace $0x80000049;
	[dreg:$0x1] =	wrdreg $0xFFFFFFFF  }
0xa7: {  	s28 =	simm.s32 $_size_execute0_lowered;
	s2 =	sadd.s32 s2, s4;
	[dreg:$0x0] =	wrdreg $0x0  }
0xa8: {  	s4 =	sshll.u32 s28, $0x1;
	[dreg:$0x2] =	wrdreg s2  }
0xa9: {  	[dreg:$0x3] =	wrdreg s4  }
0xaa: {  	[dreg:$0x4] =	wrdreg $0xC0  }
0xab: {  	_ =	task [dreg:s6], $0x5FFFF  }
0xac: {  	[dreg:$0x1] =	wrdreg $0xFFFFFFFF  }
0xad: {  	[dreg:$0x0] =	wrdreg $0x60  }
0xae: {  	[dreg:$0x2] =	wrdreg s24  }
0xaf: {  	[dreg:$0x3] =	wrdreg $0x90000  }
0xb0: {  	[dreg:$0x4] =	wrdreg $0x9  }
0xb1: {  	_ =	task.clear_ibuf [dreg:s6], $0x5FFFF;
	_ =	strace $0x90000049  }
0xb2: {  	s29 =	simm.s32 $0x9;
	_ =	strace $0x8000004B  }
0xb3: {  	_ =	swait.ge [sflag:s29], $0x1  }
0xb4: {  	[sflag:s29] =	ssyncadd.s32 $0xFFFFFFFF  }
0xb5: {  	_ =	strace $0x9000004B  }
0xb6: {  	_ =	sfence  }
0xb7: {  	s30 =	sld [smem:$0x0];
	_ =	sdelay $0x2  }
0xb8: {  	s31 =	sshll.u32 s1, $0xD;
	s1 =	sshrl.u32 s1, $0x2  }
0xb9: {  	s3 =	sand.u32 $0x4000, s31;
	s1 =	sadd.s32 s1, s30  }
0xba: {  	s0 =	sor.u32 s3, s0;
	s1 =	sshll.u32 s1, $0x11  }
0xbb: {  	s0 =	sor.u32 s1, s0  }
0xbc: {  	s0 =	sadd.s32 $0x8F2B, s0  }
0xbd: {  	[sflag:s0] =	ssyncadd.remote.s32 $0x1  }
0xbe: {  	_ =	sfence.sel $0xFFFF  }
0xbf: {  	[dreg:$0x0] =	wrdreg $0xFFFFFFFF;
	(pc) =	sbr.abs _section_cstart, $3  }
0xc0: {  	[dreg:$0x1] =	wrdreg $0xFFFFFFFF  }
0xc1: {  	_ =	task.clear_ibuf [dreg:s6], $0x2FFFF;
	_ =	strace $0x9FFFFFFF  }
0xc2: {  	(tm) =	ssettm $0x7FFFFFFF  }
0xc3: {  	_ =	shalt  }
tec
execute0_lowered:
.L_overlay_start_1:
0x0: {  	(tag) =	ssettag $0x1  }
0x1: {  	s6 =	rddreg [dreg:$0x0]  }
0x2: {  	s1 =	rddreg [dreg:$0x1]  }
0x3: {  	s0 =	rddreg [dreg:$0x2];
	s3 =	simm.s32 $0x0;
	s2 =	srdreg.scid  }
0x4: {  	s16 =	simm.s32 $0x50;
	s17 =	simm.s32 $0x4000;
	s18 =	simm.s32 $0x6800  }
0x5: {  	s19 =	simm.s32 $0x1;
	s21 =	simm.s32 $0x3F00;
	s22 =	simm.s32 $0x0  }
0x6: {  	[smem:$0x7FF] =	sst s3;
	s7 =	sand.u32 $0x1, s2;
	s2 =	stileid.u32  }
0x7: {  	s4 =	sadd.s32 $0x22E00, s6;
	s9 =	sadd.s32 $0x2E00, s6;
	s5 =	smul.u32 $0x140000, s7  }
0x8: {  	s10 =	sadd.s32 $0x12E00, s6;
	_ =	strace $0x8000004A;
	s8 =	smul.u32 $0x14000, s2  }
0x9: {  	s11 =	ssub.s32 $0x2, s7;
	s12 =	smul.u32 $0x50000, s2;
	s28 =	sshll.u32 s2, $0x6  }
0xa: {  	s29 =	sshll.u32 s7, $0xE;
	s30 =	sshll.u32 s2, $0xA;
	s20 =	smul.u32 $0x1400, s7  }
0xb: {  	s13 =	sshrl.u32 s11, $0x1;
	s31 =	sor.u32 s30, s29;
	s8 =	sadd.s32 s8, s5  }
0xc: {  	s5 =	sadd.s32 $0x4A000, s6;
	s13 =	ssub.s32 s11, s13;
	s26 =	sshrl.u32 s12, $0x2  }
0xd: {  	s7 =	sadd.s32 s9, s31;
	s11 =	sor.u32 $0x8000, s31;
	v0 =	vmov s20;
	s20 =	simm.s32 $0x2  }
0xe: {  	s8 =	sshrl.u32 s8, $0x3;
	s15 =	sadd.s32 s26, s1;
	s9 =	sadd.s32 s9, s11  }
0xf: {  	s12 =	smax.u32 s13, $0x1;
	s14 =	sadd.s32 s8, s6;
	s6 =	sor.u32 $0x1C03, s28  }
0x10: {  	s8 =	sadd.s32 s10, s31;
	s10 =	sadd.s32 s10, s11;
	s13 =	sshrl.u32 s15, $0x3  }
0x11: {  	s15 =	simm.s32 $0x2000;
	s11 =	sadd.s32 $0x4C800, s14;
	s14 =	simm.s32 $0x3  }
.LBB2_1:
0x12: {  	[spmem:s13], [sflag:s6] =	dma.local [hbm:s5], $0x2800  }
0x13: {  	_ =	swait.ge [sflag:s14], $0x2800  }
0x14: {  	[sflag:s14] =	ssyncset.done $0x0  }
0x15: {  	[sflag:s14] =	ssyncadd.s32 $0xFFFFD800  }
0x16: {  	[tilespmem:s3], [sflag:$0x3] =	stream.linear.gather [hbm4b:s7+s3], $0x1F80, $0x38;
	[tilespmem:$0x1D000] =	vst v63  }
0x17: {  	_ =	swait.ge [sflag:s14], $0x1F80  }
0x18: {  	[sflag:s14] =	ssyncset.done $0x0  }
0x19: {  	[sflag:s14] =	ssyncadd.s32 $0xFFFFE080  }
0x1a: {  	[tilespmem:s15], [sflag:$0x3] =	stream.linear.gather [hbm4b:s8+s3], $0x1F80, $0x38;
	[tilespmem:$0x1D000] =	vst v63  }
0x1b: {  	_ =	swait.ge [sflag:s14], $0x1F80  }
0x1c: {  	[sflag:s14] =	ssyncset.done $0x0  }
0x1d: {  	s23 =	simm.s32 $0x0;
	[sflag:s14] =	ssyncadd.s32 $0xFFFFE080  }
0x1e: {  	v1 =	vld [tilespmem:s23+$0x2000]  }
0x1f: {  	v2 =	vld [tilespmem:s23+$0x2040];
	_ =	sdelay $0x2  }
0x20: {  	v3 =	vld [tilespmem:s23+$0x2010]  }
0x21: {  	v5 =	vadd.s32 v0, v1  }
0x22: {  	v1 =	vld [tilespmem:s23+$0x2030];
	v4 =	vadd.s32 v0, v2;
	vm0 =	vgt.s32 v5, $0x27FF;
	v6 =	vadd.s32 $0xFFFFD800, v5  }
0x23: {  	s25 =	simm.s32 $0x200;
	s24 =	simm.s32 $0x400;
	v2 =	vld [tilespmem:s23+$0x2020];
	v5 =	vsel vm0, v6, v5;
	vm0 =	vgt.s32 v4, $0x27FF;
	v6 =	vadd.s32 $0xFFFFD800, v4  }
.LBB2_2:
0x24: {  	p0 =	sne.s32 s24, $0x7C00  }
0x25: {  	s26 =	sshra.s32 s25, $0x2;
	[tilespmem:s23+$0x2000] =	vst v5;
	v3 =	vadd.s32 v0, v3;
	v4 =	vsel vm0, v6, v4;
	s25 =	smov.u32 s24;
	s24 =	sadd.s32 $0x200, s24  }
0x26: {  	v5 =	vld [tilespmem:s26+$0x2000];
	vm0 =	vgt.s32 v3, $0x27FF;
	v6 =	vadd.s32 $0xFFFFD800, v3;
	[tilespmem:s23+$0x2040] =	vst v4  }
0x27: {  	v4 =	vld [tilespmem:s26+$0x2040];
	v3 =	vsel vm0, v6, v3;
	v1 =	vadd.s32 v0, v1  }
0x28: {  	[tilespmem:s23+$0x2010] =	vst v3;
	v2 =	vadd.s32 v0, v2;
	vm0 =	vgt.s32 v1, $0x27FF;
	v6 =	vadd.s32 $0xFFFFD800, v1  }
.Ltmp0:
0x29: {  	v3 =	vld [tilespmem:s26+$0x2010];
	vm1 =	vgt.s32 v2, $0x27FF;
	v7 =	vadd.s32 $0xFFFFD800, v2;
	v1 =	vsel vm0, v6, v1;
	(pc) =	sbr.rel @p0 .LBB2_2-.Ltmp0, $4  }
0x2a: {  	v2 =	vsel vm1, v7, v2;
	[tilespmem:s23+$0x2030] =	vst v1  }
0x2b: {  	v5 =	vadd.s32 v0, v5;
	v1 =	vld [tilespmem:s26+$0x2030];
	[tilespmem:s23+$0x2020] =	vst v2;
	s23 =	smov.u32 s26  }
0x2c: {  	vm0 =	vgt.s32 v5, $0x27FF;
	v6 =	vadd.s32 $0xFFFFD800, v5;
	v2 =	vld [tilespmem:s23+$0x2020];
	v4 =	vadd.s32 v0, v4  }
0x2d: {  	v5 =	vsel vm0, v6, v5;
	vm0 =	vgt.s32 v4, $0x27FF;
	v6 =	vadd.s32 $0xFFFFD800, v4  }
0x2e: {  	v3 =	vadd.s32 v0, v3  }
0x2f: {  	s24 =	sshra.s32 s25, $0x2;
	[tilespmem:s23+$0x2000] =	vst v5;
	v4 =	vsel vm0, v6, v4;
	vm9 =	vgt.s32 v3, $0x27FF;
	v58 =	vadd.s32 $0xFFFFD800, v3  }
0x30: {  	v5 =	vld [tilespmem:s24+$0x2000];
	[tilespmem:s23+$0x2040] =	vst v4;
	v3 =	vsel vm9, v58, v3;
	v1 =	vadd.s32 v0, v1  }
0x31: {  	v4 =	vld [tilespmem:s24+$0x2040];
	[tilespmem:s23+$0x2010] =	vst v3;
	vm10 =	vgt.s32 v1, $0x27FF;
	v3 =	vadd.s32 $0xFFFFD800, v1;
	v2 =	vadd.s32 v0, v2  }
0x32: {  	v59 =	vld [tilespmem:s24+$0x2010];
	v1 =	vsel vm10, v3, v1;
	vm11 =	vgt.s32 v2, $0x27FF;
	v3 =	vadd.s32 $0xFFFFD800, v2  }
0x33: {  	[tilespmem:s23+$0x2030] =	vst v1;
	v1 =	vsel vm11, v3, v2  }
0x34: {  	v2 =	vld [tilespmem:s24+$0x2030];
	[tilespmem:s23+$0x2020] =	vst v1  }
0x35: {  	v1 =	vadd.s32 v0, v5;
	v3 =	vld [tilespmem:s24+$0x2020]  }
0x36: {  	vm12 =	vgt.s32 v1, $0x27FF;
	v5 =	vadd.s32 $0xFFFFD800, v1;
	v4 =	vadd.s32 v0, v4  }
0x37: {  	v1 =	vsel vm12, v5, v1;
	vm13 =	vgt.s32 v4, $0x27FF;
	v60 =	vadd.s32 v0, v59  }
0x38: {  	v61 =	vadd.s32 $0xFFFFD800, v4;
	vm1 =	vgt.s32 v60, $0x27FF;
	v7 =	vadd.s32 $0xFFFFD800, v60  }
0x39: {  	[tilespmem:s24+$0x2000] =	vst v1;
	v1 =	vsel vm13, v61, v4;
	v62 =	vsel vm1, v7, v60;
	v2 =	vadd.s32 v0, v2  }
0x3a: {  	[tilespmem:s24+$0x2040] =	vst v1;
	v1 =	vadd.s32 v0, v3;
	vm14 =	vgt.s32 v2, $0x27FF;
	v3 =	vadd.s32 $0xFFFFD800, v2  }
0x3b: {  	[tilespmem:s24+$0x2010] =	vst v62;
	vm15 =	vgt.s32 v1, $0x27FF;
	v63 =	vadd.s32 $0xFFFFD800, v1;
	v2 =	vsel vm14, v3, v2  }
0x3c: {  	v1 =	vsel vm15, v63, v1;
	[tilespmem:s24+$0x2030] =	vst v2  }
0x3d: {  	[tilespmem:s24+$0x2020] =	vst v1  }
0x3e: {  	s26 =	simm.s32 $0x0;
	[bflag:$0x0] =	sbarrier.arrive $0xFFFF  }
0x3f: {  	[tilespmem:s17], [sflag:$0x1] =	stream.indirect.gather [hbm4b:s4+s16], $0x80, s26, s16, $0xb8;
	[tilespmem:$0x1D000] =	vst v63  }
0x40: {  	s28 =	simm.s32 $0x80  }
0x41: {  	[tilespmem:s18], [sflag:$0x2] =	stream.indirect.gather [hbm4b:s4+s16], $0x80, s28, s16, $0xb8;
	[tilespmem:$0x1D000] =	vst v63  }
0x42: {  	_ =	swait.ge [sflag:s19], $0x2800  }
0x43: {  	[sflag:s19] =	ssyncset.done $0x0  }
0x44: {  	s29 =	simm.s32 $0x2000;
	[sflag:s19] =	ssyncadd.s32 $0xFFFFD800  }
0x45: {  	[spmem:s1] =	stream.indirect.scatter.add.f32 [tilespmem:s17], [sflag:$0x3], $0x80, s29, s16, $0xb8;
	[tilespmem:$0x1D000] =	vst v63  }
0x46: {  	_ =	swait.ge [sflag:s14], $0x2800  }
0x47: {  	[sflag:s14] =	ssyncset.done $0x0  }
0x48: {  	s30 =	simm.s32 $0x100;
	[sflag:s14] =	ssyncadd.s32 $0xFFFFD800  }
0x49: {  	[tilespmem:s17], [sflag:$0x1] =	stream.indirect.gather [hbm4b:s4+s16], $0x80, s30, s16, $0xb8;
	[tilespmem:$0x1D000] =	vst v63  }
0x4a: {  	_ =	swait.ge [sflag:s20], $0x2800  }
0x4b: {  	[sflag:s20] =	ssyncset.done $0x0  }
0x4c: {  	s31 =	simm.s32 $0x2080;
	[sflag:s20] =	ssyncadd.s32 $0xFFFFD800  }
0x4d: {  	[spmem:s1] =	stream.indirect.scatter.add.f32 [tilespmem:s18], [sflag:$0x3], $0x80, s31, s16, $0xb8;
	[tilespmem:$0x1D000] =	vst v63  }
0x4e: {  	_ =	swait.ge [sflag:s14], $0x2800  }
0x4f: {  	s23 =	simm.s32 $0x100;
	s24 =	simm.s32 $0x800;
	[sflag:s14] =	ssyncset.done $0x0  }
.LBB2_4:
0x50: {  	s25 =	sadd.s32 $0x80, s23  }
0x51: {  	[sflag:s14] =	ssyncadd.s32 $0xFFFFD800;
	s26 =	smov.u32 s24;
	s28 =	sadd.s32 $0x400, s24  }
0x52: {  	[tilespmem:s18], [sflag:$0x2] =	stream.indirect.gather [hbm4b:s4+s16], $0x80, s25, s16, $0xb8;
	[tilespmem:$0x1D000] =	vst v63  }
0x53: {  	p0 =	sne.s32 s24, $0x7800;
	_ =	swait.ge [sflag:s19], $0x2800  }
0x54: {  	[sflag:s19] =	ssyncset.done $0x0  }
0x55: {  	s24 =	sadd.s32 $0x2000, s23;
	[sflag:s19] =	ssyncadd.s32 $0xFFFFD800  }
0x56: {  	[spmem:s1] =	stream.indirect.scatter.add.f32 [tilespmem:s17], [sflag:$0x3], $0x80, s24, s16, $0xb8;
	[tilespmem:$0x1D000] =	vst v63  }
0x57: {  	_ =	swait.ge [sflag:s14], $0x2800  }
0x58: {  	[sflag:s14] =	ssyncset.done $0x0  }
0x59: {  	s24 =	sadd.s32 $0x100, s23;
	[sflag:s14] =	ssyncadd.s32 $0xFFFFD800  }
0x5a: {  	[tilespmem:s17], [sflag:$0x1] =	stream.indirect.gather [hbm4b:s4+s16], $0x80, s24, s16, $0xb8;
	[tilespmem:$0x1D000] =	vst v63  }
0x5b: {  	_ =	swait.ge [sflag:s20], $0x2800  }
.Ltmp1:
0x5c: {  	[sflag:s20] =	ssyncset.done $0x0;
	(pc) =	sbr.rel @p0 .LBB2_4-.Ltmp1, $4  }
0x5d: {  	s23 =	sadd.s32 $0x2080, s23;
	[sflag:s20] =	ssyncadd.s32 $0xFFFFD800  }
0x5e: {  	[spmem:s1] =	stream.indirect.scatter.add.f32 [tilespmem:s18], [sflag:$0x3], $0x80, s23, s16, $0xb8;
	[tilespmem:$0x1D000] =	vst v63  }
0x5f: {  	_ =	swait.ge [sflag:s14], $0x2800  }
0x60: {  	s24 =	smov.u32 s28;
	s23 =	sshra.s32 s26, $0x2;
	[sflag:s14] =	ssyncset.done $0x0  }
0x61: {  	s24 =	sadd.s32 $0x80, s23;
	[sflag:s14] =	ssyncadd.s32 $0xFFFFD800  }
0x62: {  	[tilespmem:s18], [sflag:$0x2] =	stream.indirect.gather [hbm4b:s4+s16], $0x80, s24, s16, $0xb8;
	[tilespmem:$0x1D000] =	vst v63  }
0x63: {  	_ =	swait.ge [sflag:s19], $0x2800  }
0x64: {  	[sflag:s19] =	ssyncset.done $0x0  }
0x65: {  	s28 =	sadd.s32 $0x2000, s23;
	[sflag:s19] =	ssyncadd.s32 $0xFFFFD800  }
0x66: {  	[spmem:s1] =	stream.indirect.scatter.add.f32 [tilespmem:s17], [sflag:$0x3], $0x80, s28, s16, $0xb8;
	[tilespmem:$0x1D000] =	vst v63  }
0x67: {  	_ =	swait.ge [sflag:s14], $0x2800  }
0x68: {  	[sflag:s14] =	ssyncset.done $0x0  }
0x69: {  	s29 =	sadd.s32 $0x100, s23;
	[sflag:s14] =	ssyncadd.s32 $0xFFFFD800  }
0x6a: {  	[tilespmem:s17], [sflag:$0x1] =	stream.indirect.gather [hbm4b:s4+s16], $0x80, s29, s16, $0xb8;
	[tilespmem:$0x1D000] =	vst v63  }
0x6b: {  	_ =	swait.ge [sflag:s20], $0x2800  }
0x6c: {  	[sflag:s20] =	ssyncset.done $0x0  }
0x6d: {  	s30 =	sadd.s32 $0x2080, s23;
	[sflag:s20] =	ssyncadd.s32 $0xFFFFD800  }
0x6e: {  	[spmem:s1] =	stream.indirect.scatter.add.f32 [tilespmem:s18], [sflag:$0x3], $0x80, s30, s16, $0xb8;
	[tilespmem:$0x1D000] =	vst v63  }
0x6f: {  	_ =	swait.ge [sflag:s14], $0x2800  }
0x70: {  	[sflag:s14] =	ssyncset.done $0x0  }
0x71: {  	[sflag:s14] =	ssyncadd.s32 $0xFFFFD800  }
0x72: {  	_ =	swait.ge [sflag:s19], $0x2800  }
0x73: {  	[sflag:s19] =	ssyncset.done $0x0  }
0x74: {  	[sflag:s19] =	ssyncadd.s32 $0xFFFFD800  }
0x75: {  	[spmem:s1] =	stream.indirect.scatter.add.f32 [tilespmem:s17], [sflag:$0x3], $0x80, s21, s16, $0xb8;
	[tilespmem:$0x1D000] =	vst v63  }
0x76: {  	_ =	swait.ge [sflag:s14], $0x2800  }
0x77: {  	[sflag:s14] =	ssyncset.done $0x0  }
0x78: {  	s31 =	simm.s32 $0x0;
	[sflag:s14] =	ssyncadd.s32 $0xFFFFD800  }
0x79: {  	[tilespmem:s31], [sflag:$0x3] =	stream.linear.gather [hbm4b:s9+s31], $0x1F80, $0x38;
	[tilespmem:$0x1D000] =	vst v63  }
0x7a: {  	_ =	swait.ge [sflag:s14], $0x1F80  }
0x7b: {  	[sflag:s14] =	ssyncset.done $0x0  }
0x7c: {  	[sflag:s14] =	ssyncadd.s32 $0xFFFFE080  }
0x7d: {  	[tilespmem:s15], [sflag:$0x3] =	stream.linear.gather [hbm4b:s10+s31], $0x1F80, $0x38;
	[tilespmem:$0x1D000] =	vst v63  }
0x7e: {  	_ =	swait.ge [sflag:s14], $0x1F80  }
0x7f: {  	[sflag:s14] =	ssyncset.done $0x0  }
0x80: {  	s23 =	simm.s32 $0x0;
	[sflag:s14] =	ssyncadd.s32 $0xFFFFE080  }
0x81: {  	v1 =	vld [tilespmem:s23+$0x2000]  }
0x82: {  	v2 =	vld [tilespmem:s23+$0x2040];
	_ =	sdelay $0x2  }
0x83: {  	v3 =	vld [tilespmem:s23+$0x2010]  }
0x84: {  	v5 =	vadd.s32 v0, v1  }
0x85: {  	v1 =	vld [tilespmem:s23+$0x2030];
	v4 =	vadd.s32 v0, v2;
	vm0 =	vgt.s32 v5, $0x27FF;
	v6 =	vadd.s32 $0xFFFFD800, v5  }
0x86: {  	s25 =	simm.s32 $0x200;
	s24 =	simm.s32 $0x400;
	v2 =	vld [tilespmem:s23+$0x2020];
	v5 =	vsel vm0, v6, v5;
	vm0 =	vgt.s32 v4, $0x27FF;
	v6 =	vadd.s32 $0xFFFFD800, v4  }
.LBB2_6:
0x87: {  	p0 =	sne.s32 s24, $0x7C00  }
0x88: {  	s26 =	sshra.s32 s25, $0x2;
	[tilespmem:s23+$0x2000] =	vst v5;
	v3 =	vadd.s32 v0, v3;
	v4 =	vsel vm0, v6, v4;
	s25 =	smov.u32 s24;
	s24 =	sadd.s32 $0x200, s24  }
0x89: {  	v5 =	vld [tilespmem:s26+$0x2000];
	vm0 =	vgt.s32 v3, $0x27FF;
	v6 =	vadd.s32 $0xFFFFD800, v3;
	[tilespmem:s23+$0x2040] =	vst v4  }
0x8a: {  	v4 =	vld [tilespmem:s26+$0x2040];
	v3 =	vsel vm0, v6, v3;
	v1 =	vadd.s32 v0, v1  }
0x8b: {  	[tilespmem:s23+$0x2010] =	vst v3;
	v2 =	vadd.s32 v0, v2;
	vm0 =	vgt.s32 v1, $0x27FF;
	v6 =	vadd.s32 $0xFFFFD800, v1  }
.Ltmp2:
0x8c: {  	v3 =	vld [tilespmem:s26+$0x2010];
	vm1 =	vgt.s32 v2, $0x27FF;
	v7 =	vadd.s32 $0xFFFFD800, v2;
	v1 =	vsel vm0, v6, v1;
	(pc) =	sbr.rel @p0 .LBB2_6-.Ltmp2, $4  }
0x8d: {  	v2 =	vsel vm1, v7, v2;
	[tilespmem:s23+$0x2030] =	vst v1  }
0x8e: {  	v5 =	vadd.s32 v0, v5;
	v1 =	vld [tilespmem:s26+$0x2030];
	[tilespmem:s23+$0x2020] =	vst v2;
	s23 =	smov.u32 s26  }
0x8f: {  	vm0 =	vgt.s32 v5, $0x27FF;
	v6 =	vadd.s32 $0xFFFFD800, v5;
	v2 =	vld [tilespmem:s23+$0x2020];
	v4 =	vadd.s32 v0, v4  }
0x90: {  	v5 =	vsel vm0, v6, v5;
	vm0 =	vgt.s32 v4, $0x27FF;
	v6 =	vadd.s32 $0xFFFFD800, v4  }
0x91: {  	v3 =	vadd.s32 v0, v3  }
0x92: {  	s24 =	sshra.s32 s25, $0x2;
	[tilespmem:s23+$0x2000] =	vst v5;
	v4 =	vsel vm0, v6, v4;
	vm9 =	vgt.s32 v3, $0x27FF;
	v58 =	vadd.s32 $0xFFFFD800, v3  }
0x93: {  	v5 =	vld [tilespmem:s24+$0x2000];
	[tilespmem:s23+$0x2040] =	vst v4;
	v3 =	vsel vm9, v58, v3;
	v1 =	vadd.s32 v0, v1  }
0x94: {  	v4 =	vld [tilespmem:s24+$0x2040];
	[tilespmem:s23+$0x2010] =	vst v3;
	vm10 =	vgt.s32 v1, $0x27FF;
	v3 =	vadd.s32 $0xFFFFD800, v1;
	v2 =	vadd.s32 v0, v2  }
0x95: {  	v59 =	vld [tilespmem:s24+$0x2010];
	v1 =	vsel vm10, v3, v1;
	vm11 =	vgt.s32 v2, $0x27FF;
	v3 =	vadd.s32 $0xFFFFD800, v2  }
0x96: {  	[tilespmem:s23+$0x2030] =	vst v1;
	v1 =	vsel vm11, v3, v2  }
0x97: {  	v2 =	vld [tilespmem:s24+$0x2030];
	[tilespmem:s23+$0x2020] =	vst v1  }
0x98: {  	v1 =	vadd.s32 v0, v5;
	v3 =	vld [tilespmem:s24+$0x2020]  }
0x99: {  	vm12 =	vgt.s32 v1, $0x27FF;
	v5 =	vadd.s32 $0xFFFFD800, v1;
	v4 =	vadd.s32 v0, v4  }
0x9a: {  	v1 =	vsel vm12, v5, v1;
	vm13 =	vgt.s32 v4, $0x27FF;
	v60 =	vadd.s32 v0, v59  }
0x9b: {  	v61 =	vadd.s32 $0xFFFFD800, v4;
	vm1 =	vgt.s32 v60, $0x27FF;
	v7 =	vadd.s32 $0xFFFFD800, v60  }
0x9c: {  	[tilespmem:s24+$0x2000] =	vst v1;
	v1 =	vsel vm13, v61, v4;
	v62 =	vsel vm1, v7, v60;
	v2 =	vadd.s32 v0, v2  }
0x9d: {  	[tilespmem:s24+$0x2040] =	vst v1;
	v1 =	vadd.s32 v0, v3;
	vm14 =	vgt.s32 v2, $0x27FF;
	v3 =	vadd.s32 $0xFFFFD800, v2  }
0x9e: {  	[tilespmem:s24+$0x2010] =	vst v62;
	vm15 =	vgt.s32 v1, $0x27FF;
	v63 =	vadd.s32 $0xFFFFD800, v1;
	v2 =	vsel vm14, v3, v2  }
0x9f: {  	v1 =	vsel vm15, v63, v1;
	[tilespmem:s24+$0x2030] =	vst v2  }
0xa0: {  	s26 =	simm.s32 $0x0;
	[tilespmem:s24+$0x2020] =	vst v1  }
0xa1: {  	[tilespmem:s17], [sflag:$0x1] =	stream.indirect.gather [hbm4b:s4+s16], $0x80, s26, s16, $0xb8;
	[tilespmem:$0x1D000] =	vst v63  }
0xa2: {  	s28 =	simm.s32 $0x80  }
0xa3: {  	[tilespmem:s18], [sflag:$0x2] =	stream.indirect.gather [hbm4b:s4+s16], $0x80, s28, s16, $0xb8;
	[tilespmem:$0x1D000] =	vst v63  }
0xa4: {  	_ =	swait.ge [sflag:s19], $0x2800  }
0xa5: {  	[sflag:s19] =	ssyncset.done $0x0  }
0xa6: {  	s29 =	simm.s32 $0x2000;
	[sflag:s19] =	ssyncadd.s32 $0xFFFFD800  }
0xa7: {  	[spmem:s1] =	stream.indirect.scatter.add.f32 [tilespmem:s17], [sflag:$0x3], $0x80, s29, s16, $0xb8;
	[tilespmem:$0x1D000] =	vst v63  }
0xa8: {  	_ =	swait.ge [sflag:s14], $0x2800  }
0xa9: {  	[sflag:s14] =	ssyncset.done $0x0  }
0xaa: {  	s30 =	simm.s32 $0x100;
	[sflag:s14] =	ssyncadd.s32 $0xFFFFD800  }
0xab: {  	[tilespmem:s17], [sflag:$0x1] =	stream.indirect.gather [hbm4b:s4+s16], $0x80, s30, s16, $0xb8;
	[tilespmem:$0x1D000] =	vst v63  }
0xac: {  	_ =	swait.ge [sflag:s20], $0x2800  }
0xad: {  	[sflag:s20] =	ssyncset.done $0x0  }
0xae: {  	s31 =	simm.s32 $0x2080;
	[sflag:s20] =	ssyncadd.s32 $0xFFFFD800  }
0xaf: {  	[spmem:s1] =	stream.indirect.scatter.add.f32 [tilespmem:s18], [sflag:$0x3], $0x80, s31, s16, $0xb8;
	[tilespmem:$0x1D000] =	vst v63  }
0xb0: {  	_ =	swait.ge [sflag:s14], $0x2800  }
0xb1: {  	s23 =	simm.s32 $0x100;
	s24 =	simm.s32 $0x800;
	[sflag:s14] =	ssyncset.done $0x0  }
.LBB2_8:
0xb2: {  	s25 =	sadd.s32 $0x80, s23  }
0xb3: {  	[sflag:s14] =	ssyncadd.s32 $0xFFFFD800;
	s26 =	smov.u32 s24;
	s28 =	sadd.s32 $0x400, s24  }
0xb4: {  	[tilespmem:s18], [sflag:$0x2] =	stream.indirect.gather [hbm4b:s4+s16], $0x80, s25, s16, $0xb8;
	[tilespmem:$0x1D000] =	vst v63  }
0xb5: {  	p0 =	sne.s32 s24, $0x7800;
	_ =	swait.ge [sflag:s19], $0x2800  }
0xb6: {  	[sflag:s19] =	ssyncset.done $0x0  }
0xb7: {  	s24 =	sadd.s32 $0x2000, s23;
	[sflag:s19] =	ssyncadd.s32 $0xFFFFD800  }
0xb8: {  	[spmem:s1] =	stream.indirect.scatter.add.f32 [tilespmem:s17], [sflag:$0x3], $0x80, s24, s16, $0xb8;
	[tilespmem:$0x1D000] =	vst v63  }
0xb9: {  	_ =	swait.ge [sflag:s14], $0x2800  }
0xba: {  	[sflag:s14] =	ssyncset.done $0x0  }
0xbb: {  	s24 =	sadd.s32 $0x100, s23;
	[sflag:s14] =	ssyncadd.s32 $0xFFFFD800  }
0xbc: {  	[tilespmem:s17], [sflag:$0x1] =	stream.indirect.gather [hbm4b:s4+s16], $0x80, s24, s16, $0xb8;
	[tilespmem:$0x1D000] =	vst v63  }
0xbd: {  	_ =	swait.ge [sflag:s20], $0x2800  }
.Ltmp3:
0xbe: {  	[sflag:s20] =	ssyncset.done $0x0;
	(pc) =	sbr.rel @p0 .LBB2_8-.Ltmp3, $4  }
0xbf: {  	s23 =	sadd.s32 $0x2080, s23;
	[sflag:s20] =	ssyncadd.s32 $0xFFFFD800  }
0xc0: {  	[spmem:s1] =	stream.indirect.scatter.add.f32 [tilespmem:s18], [sflag:$0x3], $0x80, s23, s16, $0xb8;
	[tilespmem:$0x1D000] =	vst v63  }
0xc1: {  	_ =	swait.ge [sflag:s14], $0x2800  }
0xc2: {  	s24 =	smov.u32 s28;
	s23 =	sshra.s32 s26, $0x2;
	[sflag:s14] =	ssyncset.done $0x0  }
0xc3: {  	s24 =	sadd.s32 $0x80, s23;
	[sflag:s14] =	ssyncadd.s32 $0xFFFFD800  }
0xc4: {  	[tilespmem:s18], [sflag:$0x2] =	stream.indirect.gather [hbm4b:s4+s16], $0x80, s24, s16, $0xb8;
	[tilespmem:$0x1D000] =	vst v63  }
0xc5: {  	_ =	swait.ge [sflag:s19], $0x2800  }
0xc6: {  	[sflag:s19] =	ssyncset.done $0x0  }
0xc7: {  	s29 =	sadd.s32 $0x2000, s23;
	[sflag:s19] =	ssyncadd.s32 $0xFFFFD800  }
0xc8: {  	[spmem:s1] =	stream.indirect.scatter.add.f32 [tilespmem:s17], [sflag:$0x3], $0x80, s29, s16, $0xb8;
	[tilespmem:$0x1D000] =	vst v63  }
0xc9: {  	_ =	swait.ge [sflag:s14], $0x2800  }
0xca: {  	[sflag:s14] =	ssyncset.done $0x0  }
0xcb: {  	s30 =	sadd.s32 $0x100, s23;
	[sflag:s14] =	ssyncadd.s32 $0xFFFFD800  }
0xcc: {  	[tilespmem:s17], [sflag:$0x1] =	stream.indirect.gather [hbm4b:s4+s16], $0x80, s30, s16, $0xb8;
	[tilespmem:$0x1D000] =	vst v63  }
0xcd: {  	_ =	swait.ge [sflag:s20], $0x2800  }
0xce: {  	[sflag:s20] =	ssyncset.done $0x0  }
0xcf: {  	s31 =	sadd.s32 $0x2080, s23;
	[sflag:s20] =	ssyncadd.s32 $0xFFFFD800  }
0xd0: {  	[spmem:s1] =	stream.indirect.scatter.add.f32 [tilespmem:s18], [sflag:$0x3], $0x80, s31, s16, $0xb8;
	[tilespmem:$0x1D000] =	vst v63  }
0xd1: {  	_ =	swait.ge [sflag:s14], $0x2800  }
0xd2: {  	[sflag:s14] =	ssyncset.done $0x0  }
0xd3: {  	[sflag:s14] =	ssyncadd.s32 $0xFFFFD800  }
0xd4: {  	_ =	swait.ge [sflag:s19], $0x2800  }
0xd5: {  	[sflag:s19] =	ssyncset.done $0x0  }
0xd6: {  	[sflag:s19] =	ssyncadd.s32 $0xFFFFD800  }
0xd7: {  	[spmem:s1] =	stream.indirect.scatter.add.f32 [tilespmem:s17], [sflag:$0x3], $0x80, s21, s16, $0xb8;
	[tilespmem:$0x1D000] =	vst v63  }
0xd8: {  	_ =	swait.ge [sflag:s14], $0x2800  }
0xd9: {  	s22 =	sadd.s32 $0x1, s22;
	[sflag:s14] =	ssyncset.done $0x0  }
0xda: {  	p0 =	sne.s32 s22, s12;
	[sflag:s14] =	ssyncadd.s32 $0xFFFFD800  }
.Ltmp4:
0xdb: {  	[bflag:$0x0] =	sbarrier.arrive $0xFFFF;
	(pc) =	sbr.rel @p0 .LBB2_1-.Ltmp4, $4  }
0xdc: {  	[hbm:s11], [sflag:s6] =	dma.local [spmem:s13], $0x2800  }
0xdd: {  	_ =	swait.ge [sflag:s14], $0x2800  }
0xde: {  	[sflag:s14] =	ssyncset.done $0x0  }
0xdf: {  	[sflag:s14] =	ssyncadd.s32 $0xFFFFD800  }
0xe0: {  	_ =	sfence.sel $0x180000  }
0xe1: {  	[bflag:$0x0] =	sbarrier.arrive $0xFFFF  }
0xe2: {  	p0 =	sne.s32 s2, $0x0;
	_ =	strace $0x9000004A  }
0xe3: {  	s0 =	sadd.s32 @!p0 $0x100000, s0;
	[bflag:$0x2] =	sbarrier.arrive $0xFFFF  }
0xe4: {  	[sflag:s0] =	ssyncadd.tile.s32 @!p0 $0x1;
	_ =	shalt  }
.Lfunc_end2:
_tile_overlayer_lowered:
.L_overlay_start_2:
0xe5: {  	(tag) =	ssettag $0x2  }
0xe6: {  	s0 =	rddreg [dreg:$0x0];
	s2 =	stileid.u32  }
0xe7: {  	s1 =	rddreg [dreg:$0x1];
	p0 =	sne.s32 s2, $0x0  }
0xe8: {  	s3 =	rddreg [dreg:$0x2];
	[bflag:$0x3] =	sbarrier.arrive $0xFFFF;
	s2 =	simm.s32 @!p0 $0x1C03  }
0xe9: {  	[timem:s3], [sflag:s2] =	dma.local @!p0 [hbm:s0], s1  }
0xea: {  	s0 =	simm.s32 @!p0 $0x3  }
0xeb: {  	_ =	swait.ge @!p0 [sflag:s0], s1  }
0xec: {  	s1 =	ssub.s32 @!p0 $0x0, s1;
	[sflag:s0] =	ssyncset.done @!p0 $0x0  }
0xed: {  	[sflag:s0] =	ssyncadd.s32 @!p0 s1  }
0xee: {  	[bflag:$0x3] =	sbarrier.arrive $0xFFFF  }
0xef: {  	_ =	shalt  }

// kernel: kernel.15.cloned.1.call-start
scs
__scs_entry_jumppad:
0x0: {  	(pc) =	sbr.rel $0x88, $3  }
0x1: {  	(tag) =	ssettag $0x0;
	lr =	simm.s32 $0x1  }
0x2: {  	[smem:$0x3F95] =	sst lr;
	_ =	strace $0xD0000000  }
0x3: {  	_ = 	snop  }
0x4: {  	_ = 	snop  }
0x5: {  	_ = 	snop  }
0x6: {  	_ = 	snop  }
0x7: {  	_ = 	snop  }
__scs_overlays_trampoline_lowered:
0x8: {  	[smem:$0x3FA4] =	sst s0  }
0x9: {  	[smem:$0x3FA5] =	sst s1  }
0xa: {  	[smem:$0x3FA6] =	sst s2  }
0xb: {  	[smem:$0x3FA7] =	sst s3  }
0xc: {  	[smem:$0x3FA8] =	sst s4  }
0xd: {  	[smem:$0x3FA9] =	sst s5  }
0xe: {  	[smem:$0x3FAA] =	sst s6  }
0xf: {  	[smem:$0x3FAB] =	sst s7  }
0x10: {  	[smem:$0x3FAC] =	sst s8  }
0x11: {  	[smem:$0x3FAD] =	sst s9;
	s0 =	simm.s32 @!p0 $0x0  }
0x12: {  	s1 =	sld [smem:$0x3F93];
	s0 =	simm.s32 @p0 $0x1  }
0x13: {  	[smem:$0x3FAE] =	sst s0;
	s0 =	simm.s32 @!p1 $0x0  }
0x14: {  	s2 =	sld [smem:$0x3F92];
	s0 =	simm.s32 @p1 $0x1  }
0x15: {  	[smem:$0x3FAF] =	sst s0;
	s0 =	simm.s32 @!p2 $0x0  }
0x16: {  	s3 =	sld [smem:$0x3FDB];
	s0 =	simm.s32 @p2 $0x1  }
0x17: {  	s4 =	simm.s32 $0x1BF5;
	[smem:$0x3FB1] =	sst s0  }
0x18: {  	s0 =	sld [smem:$0x3F94];
	_ =	swait.ge [sflag:s4], $0x0  }
0x19: {  	s7 =	sld [smem:$0x3F95]  }
0x1a: {  	s8 =	sadd.s32 $0xFFFFE003, lr  }
0x1b: {  	s9 =	sadd.s32 $0xFFFFFEF7, lr;
	s5 =	simm.s32 $0xFFFFFFFF;
	p2 =	slt.u32 s8, $0xFFFFF086  }
0x1c: {  	p1 =	slt.u32 s9, $0xF7A;
	s5 =	simm.s32 @!p2 $0x0  }
0x1d: {  	s5 =	simm.s32 @p1 $0x1;
	p0 =	seq.s32 s7, s2  }
0x1e: {  	s7 =	smul.u32 @!p0 $0xF7A, s2;
	p2 =	seq.s32 @!p0 s5, $0x0  }
0x1f: {  	s9 =	smul.u32 $0xF7A, s1;
	s8 =	simm.s32 @!p0 $0x1BF5;
	p2 =	por !p2, p0  }
0x20: {  	[sflag:s8] =	ssyncset.s32 @!p0 $0xFFFFF086;
	s6 =	sadd.s32 @!p0 s3, s7;
	s7 =	simm.s32 @!p0 $0x108  }
0x21: {  	s3 =	sadd.s32 s3, s9;
	s6 =	sadd.s32 @!p0 $0x88, s6;
	s7 =	simm.s32 @p2 $0x1082  }
0x22: {  	[simem:s7], [sflag:s8] =	dma.local @!p0 [hbm:s6], $0xF7A  }
0x23: {  	s9 =	sor.u32 $0xD0000000, s2;
	s6 =	simm.s32 $0x108;
	_ =	swait.ge @!p0 [sflag:s8], $0x0  }
0x24: {  	s3 =	sadd.s32 $0x88, s3;
	s6 =	simm.s32 @!p1 $0x1082;
	[sflag:s4] =	ssyncset.s32 $0xFFFFF086  }
0x25: {  	[simem:s6], [sflag:s4] =	dma.local [hbm:s3], $0xF7A  }
0x26: {  	[smem:$0x3F95] =	sst s1;
	(tag) =	ssettag s2;
	_ =	strace s9  }
0x27: {  	s1 =	sld [smem:$0x3FA5]  }
0x28: {  	s2 =	sld [smem:$0x3FA6]  }
0x29: {  	s4 =	sld [smem:$0x3FA8]  }
0x2a: {  	p0 =	seq.s32 s5, $0x0;
	s5 =	sld [smem:$0x3FA9]  }
0x2b: {  	s6 =	sld [smem:$0x3FAA]  }
0x2c: {  	s7 =	sld [smem:$0x3FAB]  }
0x2d: {  	s3 =	simm.s32 $0x108;
	s8 =	sld [smem:$0x3FAC]  }
0x2e: {  	s3 =	simm.s32 @!p0 $0x1082;
	s9 =	sld [smem:$0x3FAD]  }
0x2f: {  	lr =	sadd.s32 s0, s3;
	s0 =	sld [smem:$0x3FA4]  }
0x30: {  	s3 =	sld [smem:$0x3FA7]  }
0x31: {  	[smem:$0x3FB0] =	sst s10  }
0x32: {  	s10 =	sld [smem:$0x3FAE];
	_ =	sdelay $0x3  }
0x33: {  	p0 =	seq.s32 s10, $0x1;
	s10 =	sld [smem:$0x3FB0];
	_ =	sdelay $0x3  }
0x34: {  	[smem:$0x3FB0] =	sst s10  }
0x35: {  	s10 =	sld [smem:$0x3FAF];
	_ =	sdelay $0x3  }
0x36: {  	p1 =	seq.s32 s10, $0x1;
	s10 =	sld [smem:$0x3FB0];
	_ =	sdelay $0x3  }
0x37: {  	[smem:$0x3FB0] =	sst s10  }
0x38: {  	s10 =	sld [smem:$0x3FB1]  }
0x39: {  	_ = 	snop;
	(pc) =	sbr.ind lr, $3  }
0x3a: {  	_ = 	snop  }
0x3b: {  	_ = 	snop  }
0x3c: {  	p2 =	seq.s32 s10, $0x1;
	s10 =	sld [smem:$0x3FB0]  }
0x3d: {  	_ =	shalt  }
0x3e: {  	_ =	shalt  }
0x3f: {  	_ =	shalt  }
0x40: {  	_ =	shalt  }
0x41: {  	_ =	shalt  }
0x42: {  	_ =	shalt  }
0x43: {  	_ =	shalt  }
0x44: {  	_ =	shalt  }
0x45: {  	_ =	shalt  }
0x46: {  	_ =	shalt  }
0x47: {  	_ =	shalt  }
0x48: {  	_ =	shalt  }
0x49: {  	_ =	shalt  }
0x4a: {  	_ =	shalt  }
0x4b: {  	_ =	shalt  }
0x4c: {  	_ =	shalt  }
0x4d: {  	_ =	shalt  }
0x4e: {  	_ =	shalt  }
0x4f: {  	_ =	shalt  }
0x50: {  	_ =	shalt  }
0x51: {  	_ =	shalt  }
0x52: {  	_ =	shalt  }
0x53: {  	_ =	shalt  }
0x54: {  	_ =	shalt  }
0x55: {  	_ =	shalt  }
0x56: {  	_ =	shalt  }
0x57: {  	_ =	shalt  }
0x58: {  	_ =	shalt  }
0x59: {  	_ =	shalt  }
0x5a: {  	_ =	shalt  }
0x5b: {  	_ =	shalt  }
0x5c: {  	_ =	shalt  }
0x5d: {  	_ =	shalt  }
0x5e: {  	_ =	shalt  }
0x5f: {  	_ =	shalt  }
0x60: {  	_ =	shalt  }
0x61: {  	_ =	shalt  }
0x62: {  	_ =	shalt  }
0x63: {  	_ =	shalt  }
0x64: {  	_ =	shalt  }
0x65: {  	_ =	shalt  }
0x66: {  	_ =	shalt  }
0x67: {  	_ =	shalt  }
0x68: {  	_ =	shalt  }
0x69: {  	_ =	shalt  }
0x6a: {  	_ =	shalt  }
0x6b: {  	_ =	shalt  }
0x6c: {  	_ =	shalt  }
0x6d: {  	_ =	shalt  }
0x6e: {  	_ =	shalt  }
0x6f: {  	_ =	shalt  }
0x70: {  	_ =	shalt  }
0x71: {  	_ =	shalt  }
0x72: {  	_ =	shalt  }
0x73: {  	_ =	shalt  }
0x74: {  	_ =	shalt  }
0x75: {  	_ =	shalt  }
0x76: {  	_ =	shalt  }
0x77: {  	_ =	shalt  }
0x78: {  	_ =	shalt  }
0x79: {  	_ =	shalt  }
0x7a: {  	_ =	shalt  }
0x7b: {  	_ =	shalt  }
0x7c: {  	_ =	shalt  }
0x7d: {  	_ =	shalt  }
0x7e: {  	_ =	shalt  }
0x7f: {  	_ =	shalt  }
0x80: {  	_ =	shalt  }
0x81: {  	_ =	shalt  }
0x82: {  	_ =	shalt  }
0x83: {  	_ =	shalt  }
0x84: {  	_ =	shalt  }
0x85: {  	_ =	shalt  }
0x86: {  	_ =	shalt  }
0x87: {  	_ =	shalt  }
.Lfunc_end0:
.L_simem_size_0:
called_computation.2_lowered:
.L_overlay_start_0:
0x88: {  	s2 =	sld [smem:$0x3FD9]  }
0x89: {  	s3 =	sld [smem:$0x3FFE];
	_ =	sdelay $0x1  }
0x8a: {  	s1 =	srdreg.scid  }
0x8b: {  	s0 =	sand.u32 $0x1, s1  }
0x8c: {  	s16 =	sshll.u32 s0, $0xA;
	s2 =	sadd.s32 s3, s2  }
0x8d: {  	s2 =	sadd.s32 s2, s16  }
0x8e: {  	[smem:$0x3FBC] =	sst s2  }
0x8f: {  	_ = 	snop  }
0x90: {  	(tm) =	ssettm $0x1  }
0x91: {  	s17 =	sld [smem:$0x3FFB];
	_ =	sdelay $0x3  }
0x92: {  	_ =	strace s17  }
0x93: {  	s2 =	sld [smem:$0x3FFC];
	_ =	sdelay $0x3  }
0x94: {  	_ =	strace s2  }
0x95: {  	s2 =	sld [smem:$0x3FFD];
	_ =	sdelay $0x3  }
0x96: {  	_ =	strace s2  }
0x97: {  	_ =	strace $0x8FFFFFFF  }
0x98: {  	s18 =	sld [smem:$0x3FDB];
	_ =	sdelay $0x1  }
0x99: {  	s19 =	simm.s32 $_scs_section_size  }
0x9a: {  	s4 =	simm.s32 $_size__tile_overlayer_lowered;
	s5 =	simm.s32 $_tile_overlayer_lowered  }
0x9b: {  	s22 =	simm.s32 $0x1BFF;
	s21 =	sshll.u32 s5, $0x1;
	s2 =	sadd.s32 s19, s18  }
0x9c: {  	s6 =	simm.s32 $0x0;
	s20 =	sshll.u32 s4, $0x1;
	s4 =	sadd.s32 s21, s2  }
0x9d: {  	[timem:s6], [sflag:s22] =	dma.local [hbm:s4], s20  }
0x9e: {  	_ =	swait.ge [sflag:s22], s20  }
0x9f: {  	s3 =	ssub.s32 $0x0, s20;
	[sflag:s22] =	ssyncset.done $0x0  }
0xa0: {  	[sflag:s22] =	ssyncadd.s32 s3;
	_ =	sdelay $0x1  }
0xa1: {  	s23 =	simm.s32 $0x1B8B  }
0xa2: {  	_ =	swait.ge [sflag:s23], $0x1  }
0xa3: {  	[sflag:s23] =	ssyncset.done $0x0  }
0xa4: {  	s25 =	simm.s32 $0x1B8E;
	s24 =	sld [smem:$0x3FFE];
	[sflag:s23] =	ssyncadd.s32 $0xFFFFFFFF  }
0xa5: {  	s26 =	simm.s32 $execute0_lowered;
	[smem:$0x3FD2] =	sst s25  }
0xa6: {  	s4 =	sshll.u32 s26, $0x1;
	_ =	strace $0x8000004C;
	[dreg:$0x1] =	wrdreg $0xFFFFFFFF  }
0xa7: {  	s28 =	simm.s32 $_size_execute0_lowered;
	s2 =	sadd.s32 s2, s4;
	[dreg:$0x0] =	wrdreg $0x0  }
0xa8: {  	s4 =	sshll.u32 s28, $0x1;
	[dreg:$0x2] =	wrdreg s2  }
0xa9: {  	[dreg:$0x3] =	wrdreg s4  }
0xaa: {  	[dreg:$0x4] =	wrdreg $0xC0  }
0xab: {  	_ =	task [dreg:s6], $0x5FFFF  }
0xac: {  	[dreg:$0x1] =	wrdreg $0xFFFFFFFF  }
0xad: {  	[dreg:$0x0] =	wrdreg $0x60  }
0xae: {  	[dreg:$0x2] =	wrdreg s24  }
0xaf: {  	[dreg:$0x3] =	wrdreg $0x90000  }
0xb0: {  	[dreg:$0x4] =	wrdreg $0x9  }
0xb1: {  	_ =	task.clear_ibuf [dreg:s6], $0x5FFFF;
	_ =	strace $0x9000004C  }
0xb2: {  	s29 =	simm.s32 $0x9;
	_ =	strace $0x8000004E  }
0xb3: {  	_ =	swait.ge [sflag:s29], $0x1  }
0xb4: {  	[sflag:s29] =	ssyncadd.s32 $0xFFFFFFFF  }
0xb5: {  	_ =	strace $0x9000004E  }
0xb6: {  	_ =	sfence  }
0xb7: {  	s30 =	sld [smem:$0x0];
	_ =	sdelay $0x2  }
0xb8: {  	s31 =	sshll.u32 s1, $0xD;
	s1 =	sshrl.u32 s1, $0x2  }
0xb9: {  	s3 =	sand.u32 $0x4000, s31;
	s1 =	sadd.s32 s1, s30  }
0xba: {  	s0 =	sor.u32 s3, s0;
	s1 =	sshll.u32 s1, $0x11  }
0xbb: {  	s0 =	sor.u32 s1, s0  }
0xbc: {  	s0 =	sadd.s32 $0x8F2B, s0  }
0xbd: {  	[sflag:s0] =	ssyncadd.remote.s32 $0x1  }
0xbe: {  	_ =	sfence.sel $0xFFFF  }
0xbf: {  	[dreg:$0x0] =	wrdreg $0xFFFFFFFF;
	(pc) =	sbr.abs _section_cstart, $3  }
0xc0: {  	[dreg:$0x1] =	wrdreg $0xFFFFFFFF  }
0xc1: {  	_ =	task.clear_ibuf [dreg:s6], $0x2FFFF;
	_ =	strace $0x9FFFFFFF  }
0xc2: {  	(tm) =	ssettm $0x7FFFFFFF  }
0xc3: {  	_ =	shalt  }
tec
execute0_lowered:
.L_overlay_start_1:
0x0: {  	(tag) =	ssettag $0x1  }
0x1: {  	s6 =	rddreg [dreg:$0x0]  }
0x2: {  	s1 =	rddreg [dreg:$0x1]  }
0x3: {  	s0 =	rddreg [dreg:$0x2];
	s3 =	simm.s32 $0x0;
	s2 =	srdreg.scid  }
0x4: {  	s16 =	simm.s32 $0x50;
	s17 =	simm.s32 $0x4000;
	s18 =	simm.s32 $0x6800  }
0x5: {  	s19 =	simm.s32 $0x1;
	s21 =	simm.s32 $0x3F00;
	s22 =	simm.s32 $0x0  }
0x6: {  	[smem:$0x7FF] =	sst s3;
	s7 =	sand.u32 $0x1, s2;
	s2 =	stileid.u32  }
0x7: {  	s4 =	sadd.s32 $0x22E00, s6;
	s9 =	sadd.s32 $0x2E00, s6;
	s5 =	smul.u32 $0x140000, s7  }
0x8: {  	s10 =	sadd.s32 $0x12E00, s6;
	_ =	strace $0x8000004D;
	s8 =	smul.u32 $0x14000, s2  }
0x9: {  	s11 =	ssub.s32 $0x2, s7;
	s12 =	smul.u32 $0x50000, s2;
	s28 =	sshll.u32 s2, $0x6  }
0xa: {  	s29 =	sshll.u32 s7, $0xE;
	s30 =	sshll.u32 s2, $0xA;
	s20 =	smul.u32 $0x1400, s7  }
0xb: {  	s13 =	sshrl.u32 s11, $0x1;
	s31 =	sor.u32 s30, s29;
	s8 =	sadd.s32 s8, s5  }
0xc: {  	s5 =	sadd.s32 $0x4A000, s6;
	s13 =	ssub.s32 s11, s13;
	s26 =	sshrl.u32 s12, $0x2  }
0xd: {  	s7 =	sadd.s32 s9, s31;
	s11 =	sor.u32 $0x8000, s31;
	v0 =	vmov s20;
	s20 =	simm.s32 $0x2  }
0xe: {  	s8 =	sshrl.u32 s8, $0x3;
	s15 =	sadd.s32 s26, s1;
	s9 =	sadd.s32 s9, s11  }
0xf: {  	s12 =	smax.u32 s13, $0x1;
	s14 =	sadd.s32 s8, s6;
	s6 =	sor.u32 $0x1C03, s28  }
0x10: {  	s8 =	sadd.s32 s10, s31;
	s10 =	sadd.s32 s10, s11;
	s13 =	sshrl.u32 s15, $0x3  }
0x11: {  	s15 =	simm.s32 $0x2000;
	s11 =	sadd.s32 $0x4C800, s14;
	s14 =	simm.s32 $0x3  }
.LBB2_1:
0x12: {  	[spmem:s13], [sflag:s6] =	dma.local [hbm:s5], $0x2800  }
0x13: {  	_ =	swait.ge [sflag:s14], $0x2800  }
0x14: {  	[sflag:s14] =	ssyncset.done $0x0  }
0x15: {  	[sflag:s14] =	ssyncadd.s32 $0xFFFFD800  }
0x16: {  	[tilespmem:s3], [sflag:$0x3] =	stream.linear.gather [hbm4b:s7+s3], $0x1F80, $0x38;
	[tilespmem:$0x1D000] =	vst v63  }
0x17: {  	_ =	swait.ge [sflag:s14], $0x1F80  }
0x18: {  	[sflag:s14] =	ssyncset.done $0x0  }
0x19: {  	[sflag:s14] =	ssyncadd.s32 $0xFFFFE080  }
0x1a: {  	[tilespmem:s15], [sflag:$0x3] =	stream.linear.gather [hbm4b:s8+s3], $0x1F80, $0x38;
	[tilespmem:$0x1D000] =	vst v63  }
0x1b: {  	_ =	swait.ge [sflag:s14], $0x1F80  }
0x1c: {  	[sflag:s14] =	ssyncset.done $0x0  }
0x1d: {  	s23 =	simm.s32 $0x0;
	[sflag:s14] =	ssyncadd.s32 $0xFFFFE080  }
0x1e: {  	v1 =	vld [tilespmem:s23+$0x2000]  }
0x1f: {  	v2 =	vld [tilespmem:s23+$0x2040];
	_ =	sdelay $0x2  }
0x20: {  	v3 =	vld [tilespmem:s23+$0x2010]  }
0x21: {  	v5 =	vadd.s32 v0, v1  }
0x22: {  	v1 =	vld [tilespmem:s23+$0x2030];
	v4 =	vadd.s32 v0, v2;
	vm0 =	vgt.s32 v5, $0x27FF;
	v6 =	vadd.s32 $0xFFFFD800, v5  }
0x23: {  	s25 =	simm.s32 $0x200;
	s24 =	simm.s32 $0x400;
	v2 =	vld [tilespmem:s23+$0x2020];
	v5 =	vsel vm0, v6, v5;
	vm0 =	vgt.s32 v4, $0x27FF;
	v6 =	vadd.s32 $0xFFFFD800, v4  }
.LBB2_2:
0x24: {  	p0 =	sne.s32 s24, $0x7C00  }
0x25: {  	s26 =	sshra.s32 s25, $0x2;
	[tilespmem:s23+$0x2000] =	vst v5;
	v3 =	vadd.s32 v0, v3;
	v4 =	vsel vm0, v6, v4;
	s25 =	smov.u32 s24;
	s24 =	sadd.s32 $0x200, s24  }
0x26: {  	v5 =	vld [tilespmem:s26+$0x2000];
	vm0 =	vgt.s32 v3, $0x27FF;
	v6 =	vadd.s32 $0xFFFFD800, v3;
	[tilespmem:s23+$0x2040] =	vst v4  }
0x27: {  	v4 =	vld [tilespmem:s26+$0x2040];
	v3 =	vsel vm0, v6, v3;
	v1 =	vadd.s32 v0, v1  }
0x28: {  	[tilespmem:s23+$0x2010] =	vst v3;
	v2 =	vadd.s32 v0, v2;
	vm0 =	vgt.s32 v1, $0x27FF;
	v6 =	vadd.s32 $0xFFFFD800, v1  }
.Ltmp0:
0x29: {  	v3 =	vld [tilespmem:s26+$0x2010];
	vm1 =	vgt.s32 v2, $0x27FF;
	v7 =	vadd.s32 $0xFFFFD800, v2;
	v1 =	vsel vm0, v6, v1;
	(pc) =	sbr.rel @p0 .LBB2_2-.Ltmp0, $4  }
0x2a: {  	v2 =	vsel vm1, v7, v2;
	[tilespmem:s23+$0x2030] =	vst v1  }
0x2b: {  	v5 =	vadd.s32 v0, v5;
	v1 =	vld [tilespmem:s26+$0x2030];
	[tilespmem:s23+$0x2020] =	vst v2;
	s23 =	smov.u32 s26  }
0x2c: {  	vm0 =	vgt.s32 v5, $0x27FF;
	v6 =	vadd.s32 $0xFFFFD800, v5;
	v2 =	vld [tilespmem:s23+$0x2020];
	v4 =	vadd.s32 v0, v4  }
0x2d: {  	v5 =	vsel vm0, v6, v5;
	vm0 =	vgt.s32 v4, $0x27FF;
	v6 =	vadd.s32 $0xFFFFD800, v4  }
0x2e: {  	v3 =	vadd.s32 v0, v3  }
0x2f: {  	s24 =	sshra.s32 s25, $0x2;
	[tilespmem:s23+$0x2000] =	vst v5;
	v4 =	vsel vm0, v6, v4;
	vm9 =	vgt.s32 v3, $0x27FF;
	v58 =	vadd.s32 $0xFFFFD800, v3  }
0x30: {  	v5 =	vld [tilespmem:s24+$0x2000];
	[tilespmem:s23+$0x2040] =	vst v4;
	v3 =	vsel vm9, v58, v3;
	v1 =	vadd.s32 v0, v1  }
0x31: {  	v4 =	vld [tilespmem:s24+$0x2040];
	[tilespmem:s23+$0x2010] =	vst v3;
	vm10 =	vgt.s32 v1, $0x27FF;
	v3 =	vadd.s32 $0xFFFFD800, v1;
	v2 =	vadd.s32 v0, v2  }
0x32: {  	v59 =	vld [tilespmem:s24+$0x2010];
	v1 =	vsel vm10, v3, v1;
	vm11 =	vgt.s32 v2, $0x27FF;
	v3 =	vadd.s32 $0xFFFFD800, v2  }
0x33: {  	[tilespmem:s23+$0x2030] =	vst v1;
	v1 =	vsel vm11, v3, v2  }
0x34: {  	v2 =	vld [tilespmem:s24+$0x2030];
	[tilespmem:s23+$0x2020] =	vst v1  }
0x35: {  	v1 =	vadd.s32 v0, v5;
	v3 =	vld [tilespmem:s24+$0x2020]  }
0x36: {  	vm12 =	vgt.s32 v1, $0x27FF;
	v5 =	vadd.s32 $0xFFFFD800, v1;
	v4 =	vadd.s32 v0, v4  }
0x37: {  	v1 =	vsel vm12, v5, v1;
	vm13 =	vgt.s32 v4, $0x27FF;
	v60 =	vadd.s32 v0, v59  }
0x38: {  	v61 =	vadd.s32 $0xFFFFD800, v4;
	vm1 =	vgt.s32 v60, $0x27FF;
	v7 =	vadd.s32 $0xFFFFD800, v60  }
0x39: {  	[tilespmem:s24+$0x2000] =	vst v1;
	v1 =	vsel vm13, v61, v4;
	v62 =	vsel vm1, v7, v60;
	v2 =	vadd.s32 v0, v2  }
0x3a: {  	[tilespmem:s24+$0x2040] =	vst v1;
	v1 =	vadd.s32 v0, v3;
	vm14 =	vgt.s32 v2, $0x27FF;
	v3 =	vadd.s32 $0xFFFFD800, v2  }
0x3b: {  	[tilespmem:s24+$0x2010] =	vst v62;
	vm15 =	vgt.s32 v1, $0x27FF;
	v63 =	vadd.s32 $0xFFFFD800, v1;
	v2 =	vsel vm14, v3, v2  }
0x3c: {  	v1 =	vsel vm15, v63, v1;
	[tilespmem:s24+$0x2030] =	vst v2  }
0x3d: {  	[tilespmem:s24+$0x2020] =	vst v1  }
0x3e: {  	s26 =	simm.s32 $0x0;
	[bflag:$0x0] =	sbarrier.arrive $0xFFFF  }
0x3f: {  	[tilespmem:s17], [sflag:$0x1] =	stream.indirect.gather [hbm4b:s4+s16], $0x80, s26, s16, $0xb8;
	[tilespmem:$0x1D000] =	vst v63  }
0x40: {  	s28 =	simm.s32 $0x80  }
0x41: {  	[tilespmem:s18], [sflag:$0x2] =	stream.indirect.gather [hbm4b:s4+s16], $0x80, s28, s16, $0xb8;
	[tilespmem:$0x1D000] =	vst v63  }
0x42: {  	_ =	swait.ge [sflag:s19], $0x2800  }
0x43: {  	[sflag:s19] =	ssyncset.done $0x0  }
0x44: {  	s29 =	simm.s32 $0x2000;
	[sflag:s19] =	ssyncadd.s32 $0xFFFFD800  }
0x45: {  	[spmem:s1] =	stream.indirect.scatter.add.f32 [tilespmem:s17], [sflag:$0x3], $0x80, s29, s16, $0xb8;
	[tilespmem:$0x1D000] =	vst v63  }
0x46: {  	_ =	swait.ge [sflag:s14], $0x2800  }
0x47: {  	[sflag:s14] =	ssyncset.done $0x0  }
0x48: {  	s30 =	simm.s32 $0x100;
	[sflag:s14] =	ssyncadd.s32 $0xFFFFD800  }
0x49: {  	[tilespmem:s17], [sflag:$0x1] =	stream.indirect.gather [hbm4b:s4+s16], $0x80, s30, s16, $0xb8;
	[tilespmem:$0x1D000] =	vst v63  }
0x4a: {  	_ =	swait.ge [sflag:s20], $0x2800  }
0x4b: {  	[sflag:s20] =	ssyncset.done $0x0  }
0x4c: {  	s31 =	simm.s32 $0x2080;
	[sflag:s20] =	ssyncadd.s32 $0xFFFFD800  }
0x4d: {  	[spmem:s1] =	stream.indirect.scatter.add.f32 [tilespmem:s18], [sflag:$0x3], $0x80, s31, s16, $0xb8;
	[tilespmem:$0x1D000] =	vst v63  }
0x4e: {  	_ =	swait.ge [sflag:s14], $0x2800  }
0x4f: {  	s23 =	simm.s32 $0x100;
	s24 =	simm.s32 $0x800;
	[sflag:s14] =	ssyncset.done $0x0  }
.LBB2_4:
0x50: {  	s25 =	sadd.s32 $0x80, s23  }
0x51: {  	[sflag:s14] =	ssyncadd.s32 $0xFFFFD800;
	s26 =	smov.u32 s24;
	s28 =	sadd.s32 $0x400, s24  }
0x52: {  	[tilespmem:s18], [sflag:$0x2] =	stream.indirect.gather [hbm4b:s4+s16], $0x80, s25, s16, $0xb8;
	[tilespmem:$0x1D000] =	vst v63  }
0x53: {  	p0 =	sne.s32 s24, $0x7800;
	_ =	swait.ge [sflag:s19], $0x2800  }
0x54: {  	[sflag:s19] =	ssyncset.done $0x0  }
0x55: {  	s24 =	sadd.s32 $0x2000, s23;
	[sflag:s19] =	ssyncadd.s32 $0xFFFFD800  }
0x56: {  	[spmem:s1] =	stream.indirect.scatter.add.f32 [tilespmem:s17], [sflag:$0x3], $0x80, s24, s16, $0xb8;
	[tilespmem:$0x1D000] =	vst v63  }
0x57: {  	_ =	swait.ge [sflag:s14], $0x2800  }
0x58: {  	[sflag:s14] =	ssyncset.done $0x0  }
0x59: {  	s24 =	sadd.s32 $0x100, s23;
	[sflag:s14] =	ssyncadd.s32 $0xFFFFD800  }
0x5a: {  	[tilespmem:s17], [sflag:$0x1] =	stream.indirect.gather [hbm4b:s4+s16], $0x80, s24, s16, $0xb8;
	[tilespmem:$0x1D000] =	vst v63  }
0x5b: {  	_ =	swait.ge [sflag:s20], $0x2800  }
.Ltmp1:
0x5c: {  	[sflag:s20] =	ssyncset.done $0x0;
	(pc) =	sbr.rel @p0 .LBB2_4-.Ltmp1, $4  }
0x5d: {  	s23 =	sadd.s32 $0x2080, s23;
	[sflag:s20] =	ssyncadd.s32 $0xFFFFD800  }
0x5e: {  	[spmem:s1] =	stream.indirect.scatter.add.f32 [tilespmem:s18], [sflag:$0x3], $0x80, s23, s16, $0xb8;
	[tilespmem:$0x1D000] =	vst v63  }
0x5f: {  	_ =	swait.ge [sflag:s14], $0x2800  }
0x60: {  	s24 =	smov.u32 s28;
	s23 =	sshra.s32 s26, $0x2;
	[sflag:s14] =	ssyncset.done $0x0  }
0x61: {  	s24 =	sadd.s32 $0x80, s23;
	[sflag:s14] =	ssyncadd.s32 $0xFFFFD800  }
0x62: {  	[tilespmem:s18], [sflag:$0x2] =	stream.indirect.gather [hbm4b:s4+s16], $0x80, s24, s16, $0xb8;
	[tilespmem:$0x1D000] =	vst v63  }
0x63: {  	_ =	swait.ge [sflag:s19], $0x2800  }
0x64: {  	[sflag:s19] =	ssyncset.done $0x0  }
0x65: {  	s28 =	sadd.s32 $0x2000, s23;
	[sflag:s19] =	ssyncadd.s32 $0xFFFFD800  }
0x66: {  	[spmem:s1] =	stream.indirect.scatter.add.f32 [tilespmem:s17], [sflag:$0x3], $0x80, s28, s16, $0xb8;
	[tilespmem:$0x1D000] =	vst v63  }
0x67: {  	_ =	swait.ge [sflag:s14], $0x2800  }
0x68: {  	[sflag:s14] =	ssyncset.done $0x0  }
0x69: {  	s29 =	sadd.s32 $0x100, s23;
	[sflag:s14] =	ssyncadd.s32 $0xFFFFD800  }
0x6a: {  	[tilespmem:s17], [sflag:$0x1] =	stream.indirect.gather [hbm4b:s4+s16], $0x80, s29, s16, $0xb8;
	[tilespmem:$0x1D000] =	vst v63  }
0x6b: {  	_ =	swait.ge [sflag:s20], $0x2800  }
0x6c: {  	[sflag:s20] =	ssyncset.done $0x0  }
0x6d: {  	s30 =	sadd.s32 $0x2080, s23;
	[sflag:s20] =	ssyncadd.s32 $0xFFFFD800  }
0x6e: {  	[spmem:s1] =	stream.indirect.scatter.add.f32 [tilespmem:s18], [sflag:$0x3], $0x80, s30, s16, $0xb8;
	[tilespmem:$0x1D000] =	vst v63  }
0x6f: {  	_ =	swait.ge [sflag:s14], $0x2800  }
0x70: {  	[sflag:s14] =	ssyncset.done $0x0  }
0x71: {  	[sflag:s14] =	ssyncadd.s32 $0xFFFFD800  }
0x72: {  	_ =	swait.ge [sflag:s19], $0x2800  }
0x73: {  	[sflag:s19] =	ssyncset.done $0x0  }
0x74: {  	[sflag:s19] =	ssyncadd.s32 $0xFFFFD800  }
0x75: {  	[spmem:s1] =	stream.indirect.scatter.add.f32 [tilespmem:s17], [sflag:$0x3], $0x80, s21, s16, $0xb8;
	[tilespmem:$0x1D000] =	vst v63  }
0x76: {  	_ =	swait.ge [sflag:s14], $0x2800  }
0x77: {  	[sflag:s14] =	ssyncset.done $0x0  }
0x78: {  	s31 =	simm.s32 $0x0;
	[sflag:s14] =	ssyncadd.s32 $0xFFFFD800  }
0x79: {  	[tilespmem:s31], [sflag:$0x3] =	stream.linear.gather [hbm4b:s9+s31], $0x1F80, $0x38;
	[tilespmem:$0x1D000] =	vst v63  }
0x7a: {  	_ =	swait.ge [sflag:s14], $0x1F80  }
0x7b: {  	[sflag:s14] =	ssyncset.done $0x0  }
0x7c: {  	[sflag:s14] =	ssyncadd.s32 $0xFFFFE080  }
0x7d: {  	[tilespmem:s15], [sflag:$0x3] =	stream.linear.gather [hbm4b:s10+s31], $0x1F80, $0x38;
	[tilespmem:$0x1D000] =	vst v63  }
0x7e: {  	_ =	swait.ge [sflag:s14], $0x1F80  }
0x7f: {  	[sflag:s14] =	ssyncset.done $0x0  }
0x80: {  	s23 =	simm.s32 $0x0;
	[sflag:s14] =	ssyncadd.s32 $0xFFFFE080  }
0x81: {  	v1 =	vld [tilespmem:s23+$0x2000]  }
0x82: {  	v2 =	vld [tilespmem:s23+$0x2040];
	_ =	sdelay $0x2  }
0x83: {  	v3 =	vld [tilespmem:s23+$0x2010]  }
0x84: {  	v5 =	vadd.s32 v0, v1  }
0x85: {  	v1 =	vld [tilespmem:s23+$0x2030];
	v4 =	vadd.s32 v0, v2;
	vm0 =	vgt.s32 v5, $0x27FF;
	v6 =	vadd.s32 $0xFFFFD800, v5  }
0x86: {  	s25 =	simm.s32 $0x200;
	s24 =	simm.s32 $0x400;
	v2 =	vld [tilespmem:s23+$0x2020];
	v5 =	vsel vm0, v6, v5;
	vm0 =	vgt.s32 v4, $0x27FF;
	v6 =	vadd.s32 $0xFFFFD800, v4  }
.LBB2_6:
0x87: {  	p0 =	sne.s32 s24, $0x7C00  }
0x88: {  	s26 =	sshra.s32 s25, $0x2;
	[tilespmem:s23+$0x2000] =	vst v5;
	v3 =	vadd.s32 v0, v3;
	v4 =	vsel vm0, v6, v4;
	s25 =	smov.u32 s24;
	s24 =	sadd.s32 $0x200, s24  }
0x89: {  	v5 =	vld [tilespmem:s26+$0x2000];
	vm0 =	vgt.s32 v3, $0x27FF;
	v6 =	vadd.s32 $0xFFFFD800, v3;
	[tilespmem:s23+$0x2040] =	vst v4  }
0x8a: {  	v4 =	vld [tilespmem:s26+$0x2040];
	v3 =	vsel vm0, v6, v3;
	v1 =	vadd.s32 v0, v1  }
0x8b: {  	[tilespmem:s23+$0x2010] =	vst v3;
	v2 =	vadd.s32 v0, v2;
	vm0 =	vgt.s32 v1, $0x27FF;
	v6 =	vadd.s32 $0xFFFFD800, v1  }
.Ltmp2:
0x8c: {  	v3 =	vld [tilespmem:s26+$0x2010];
	vm1 =	vgt.s32 v2, $0x27FF;
	v7 =	vadd.s32 $0xFFFFD800, v2;
	v1 =	vsel vm0, v6, v1;
	(pc) =	sbr.rel @p0 .LBB2_6-.Ltmp2, $4  }
0x8d: {  	v2 =	vsel vm1, v7, v2;
	[tilespmem:s23+$0x2030] =	vst v1  }
0x8e: {  	v5 =	vadd.s32 v0, v5;
	v1 =	vld [tilespmem:s26+$0x2030];
	[tilespmem:s23+$0x2020] =	vst v2;
	s23 =	smov.u32 s26  }
0x8f: {  	vm0 =	vgt.s32 v5, $0x27FF;
	v6 =	vadd.s32 $0xFFFFD800, v5;
	v2 =	vld [tilespmem:s23+$0x2020];
	v4 =	vadd.s32 v0, v4  }
0x90: {  	v5 =	vsel vm0, v6, v5;
	vm0 =	vgt.s32 v4, $0x27FF;
	v6 =	vadd.s32 $0xFFFFD800, v4  }
0x91: {  	v3 =	vadd.s32 v0, v3  }
0x92: {  	s24 =	sshra.s32 s25, $0x2;
	[tilespmem:s23+$0x2000] =	vst v5;
	v4 =	vsel vm0, v6, v4;
	vm9 =	vgt.s32 v3, $0x27FF;
	v58 =	vadd.s32 $0xFFFFD800, v3  }
0x93: {  	v5 =	vld [tilespmem:s24+$0x2000];
	[tilespmem:s23+$0x2040] =	vst v4;
	v3 =	vsel vm9, v58, v3;
	v1 =	vadd.s32 v0, v1  }
0x94: {  	v4 =	vld [tilespmem:s24+$0x2040];
	[tilespmem:s23+$0x2010] =	vst v3;
	vm10 =	vgt.s32 v1, $0x27FF;
	v3 =	vadd.s32 $0xFFFFD800, v1;
	v2 =	vadd.s32 v0, v2  }
0x95: {  	v59 =	vld [tilespmem:s24+$0x2010];
	v1 =	vsel vm10, v3, v1;
	vm11 =	vgt.s32 v2, $0x27FF;
	v3 =	vadd.s32 $0xFFFFD800, v2  }
0x96: {  	[tilespmem:s23+$0x2030] =	vst v1;
	v1 =	vsel vm11, v3, v2  }
0x97: {  	v2 =	vld [tilespmem:s24+$0x2030];
	[tilespmem:s23+$0x2020] =	vst v1  }
0x98: {  	v1 =	vadd.s32 v0, v5;
	v3 =	vld [tilespmem:s24+$0x2020]  }
0x99: {  	vm12 =	vgt.s32 v1, $0x27FF;
	v5 =	vadd.s32 $0xFFFFD800, v1;
	v4 =	vadd.s32 v0, v4  }
0x9a: {  	v1 =	vsel vm12, v5, v1;
	vm13 =	vgt.s32 v4, $0x27FF;
	v60 =	vadd.s32 v0, v59  }
0x9b: {  	v61 =	vadd.s32 $0xFFFFD800, v4;
	vm1 =	vgt.s32 v60, $0x27FF;
	v7 =	vadd.s32 $0xFFFFD800, v60  }
0x9c: {  	[tilespmem:s24+$0x2000] =	vst v1;
	v1 =	vsel vm13, v61, v4;
	v62 =	vsel vm1, v7, v60;
	v2 =	vadd.s32 v0, v2  }
0x9d: {  	[tilespmem:s24+$0x2040] =	vst v1;
	v1 =	vadd.s32 v0, v3;
	vm14 =	vgt.s32 v2, $0x27FF;
	v3 =	vadd.s32 $0xFFFFD800, v2  }
0x9e: {  	[tilespmem:s24+$0x2010] =	vst v62;
	vm15 =	vgt.s32 v1, $0x27FF;
	v63 =	vadd.s32 $0xFFFFD800, v1;
	v2 =	vsel vm14, v3, v2  }
0x9f: {  	v1 =	vsel vm15, v63, v1;
	[tilespmem:s24+$0x2030] =	vst v2  }
0xa0: {  	s26 =	simm.s32 $0x0;
	[tilespmem:s24+$0x2020] =	vst v1  }
0xa1: {  	[tilespmem:s17], [sflag:$0x1] =	stream.indirect.gather [hbm4b:s4+s16], $0x80, s26, s16, $0xb8;
	[tilespmem:$0x1D000] =	vst v63  }
0xa2: {  	s28 =	simm.s32 $0x80  }
0xa3: {  	[tilespmem:s18], [sflag:$0x2] =	stream.indirect.gather [hbm4b:s4+s16], $0x80, s28, s16, $0xb8;
	[tilespmem:$0x1D000] =	vst v63  }
0xa4: {  	_ =	swait.ge [sflag:s19], $0x2800  }
0xa5: {  	[sflag:s19] =	ssyncset.done $0x0  }
0xa6: {  	s29 =	simm.s32 $0x2000;
	[sflag:s19] =	ssyncadd.s32 $0xFFFFD800  }
0xa7: {  	[spmem:s1] =	stream.indirect.scatter.add.f32 [tilespmem:s17], [sflag:$0x3], $0x80, s29, s16, $0xb8;
	[tilespmem:$0x1D000] =	vst v63  }
0xa8: {  	_ =	swait.ge [sflag:s14], $0x2800  }
0xa9: {  	[sflag:s14] =	ssyncset.done $0x0  }
0xaa: {  	s30 =	simm.s32 $0x100;
	[sflag:s14] =	ssyncadd.s32 $0xFFFFD800  }
0xab: {  	[tilespmem:s17], [sflag:$0x1] =	stream.indirect.gather [hbm4b:s4+s16], $0x80, s30, s16, $0xb8;
	[tilespmem:$0x1D000] =	vst v63  }
0xac: {  	_ =	swait.ge [sflag:s20], $0x2800  }
0xad: {  	[sflag:s20] =	ssyncset.done $0x0  }
0xae: {  	s31 =	simm.s32 $0x2080;
	[sflag:s20] =	ssyncadd.s32 $0xFFFFD800  }
0xaf: {  	[spmem:s1] =	stream.indirect.scatter.add.f32 [tilespmem:s18], [sflag:$0x3], $0x80, s31, s16, $0xb8;
	[tilespmem:$0x1D000] =	vst v63  }
0xb0: {  	_ =	swait.ge [sflag:s14], $0x2800  }
0xb1: {  	s23 =	simm.s32 $0x100;
	s24 =	simm.s32 $0x800;
	[sflag:s14] =	ssyncset.done $0x0  }
.LBB2_8:
0xb2: {  	s25 =	sadd.s32 $0x80, s23  }
0xb3: {  	[sflag:s14] =	ssyncadd.s32 $0xFFFFD800;
	s26 =	smov.u32 s24;
	s28 =	sadd.s32 $0x400, s24  }
0xb4: {  	[tilespmem:s18], [sflag:$0x2] =	stream.indirect.gather [hbm4b:s4+s16], $0x80, s25, s16, $0xb8;
	[tilespmem:$0x1D000] =	vst v63  }
0xb5: {  	p0 =	sne.s32 s24, $0x7800;
	_ =	swait.ge [sflag:s19], $0x2800  }
0xb6: {  	[sflag:s19] =	ssyncset.done $0x0  }
0xb7: {  	s24 =	sadd.s32 $0x2000, s23;
	[sflag:s19] =	ssyncadd.s32 $0xFFFFD800  }
0xb8: {  	[spmem:s1] =	stream.indirect.scatter.add.f32 [tilespmem:s17], [sflag:$0x3], $0x80, s24, s16, $0xb8;
	[tilespmem:$0x1D000] =	vst v63  }
0xb9: {  	_ =	swait.ge [sflag:s14], $0x2800  }
0xba: {  	[sflag:s14] =	ssyncset.done $0x0  }
0xbb: {  	s24 =	sadd.s32 $0x100, s23;
	[sflag:s14] =	ssyncadd.s32 $0xFFFFD800  }
0xbc: {  	[tilespmem:s17], [sflag:$0x1] =	stream.indirect.gather [hbm4b:s4+s16], $0x80, s24, s16, $0xb8;
	[tilespmem:$0x1D000] =	vst v63  }
0xbd: {  	_ =	swait.ge [sflag:s20], $0x2800  }
.Ltmp3:
0xbe: {  	[sflag:s20] =	ssyncset.done $0x0;
	(pc) =	sbr.rel @p0 .LBB2_8-.Ltmp3, $4  }
0xbf: {  	s23 =	sadd.s32 $0x2080, s23;
	[sflag:s20] =	ssyncadd.s32 $0xFFFFD800  }
0xc0: {  	[spmem:s1] =	stream.indirect.scatter.add.f32 [tilespmem:s18], [sflag:$0x3], $0x80, s23, s16, $0xb8;
	[tilespmem:$0x1D000] =	vst v63  }
0xc1: {  	_ =	swait.ge [sflag:s14], $0x2800  }
0xc2: {  	s24 =	smov.u32 s28;
	s23 =	sshra.s32 s26, $0x2;
	[sflag:s14] =	ssyncset.done $0x0  }
0xc3: {  	s24 =	sadd.s32 $0x80, s23;
	[sflag:s14] =	ssyncadd.s32 $0xFFFFD800  }
0xc4: {  	[tilespmem:s18], [sflag:$0x2] =	stream.indirect.gather [hbm4b:s4+s16], $0x80, s24, s16, $0xb8;
	[tilespmem:$0x1D000] =	vst v63  }
0xc5: {  	_ =	swait.ge [sflag:s19], $0x2800  }
0xc6: {  	[sflag:s19] =	ssyncset.done $0x0  }
0xc7: {  	s29 =	sadd.s32 $0x2000, s23;
	[sflag:s19] =	ssyncadd.s32 $0xFFFFD800  }
0xc8: {  	[spmem:s1] =	stream.indirect.scatter.add.f32 [tilespmem:s17], [sflag:$0x3], $0x80, s29, s16, $0xb8;
	[tilespmem:$0x1D000] =	vst v63  }
0xc9: {  	_ =	swait.ge [sflag:s14], $0x2800  }
0xca: {  	[sflag:s14] =	ssyncset.done $0x0  }
0xcb: {  	s30 =	sadd.s32 $0x100, s23;
	[sflag:s14] =	ssyncadd.s32 $0xFFFFD800  }
0xcc: {  	[tilespmem:s17], [sflag:$0x1] =	stream.indirect.gather [hbm4b:s4+s16], $0x80, s30, s16, $0xb8;
	[tilespmem:$0x1D000] =	vst v63  }
0xcd: {  	_ =	swait.ge [sflag:s20], $0x2800  }
0xce: {  	[sflag:s20] =	ssyncset.done $0x0  }
0xcf: {  	s31 =	sadd.s32 $0x2080, s23;
	[sflag:s20] =	ssyncadd.s32 $0xFFFFD800  }
0xd0: {  	[spmem:s1] =	stream.indirect.scatter.add.f32 [tilespmem:s18], [sflag:$0x3], $0x80, s31, s16, $0xb8;
	[tilespmem:$0x1D000] =	vst v63  }
0xd1: {  	_ =	swait.ge [sflag:s14], $0x2800  }
0xd2: {  	[sflag:s14] =	ssyncset.done $0x0  }
0xd3: {  	[sflag:s14] =	ssyncadd.s32 $0xFFFFD800  }
0xd4: {  	_ =	swait.ge [sflag:s19], $0x2800  }
0xd5: {  	[sflag:s19] =	ssyncset.done $0x0  }
0xd6: {  	[sflag:s19] =	ssyncadd.s32 $0xFFFFD800  }
0xd7: {  	[spmem:s1] =	stream.indirect.scatter.add.f32 [tilespmem:s17], [sflag:$0x3], $0x80, s21, s16, $0xb8;
	[tilespmem:$0x1D000] =	vst v63  }
0xd8: {  	_ =	swait.ge [sflag:s14], $0x2800  }
0xd9: {  	s22 =	sadd.s32 $0x1, s22;
	[sflag:s14] =	ssyncset.done $0x0  }
0xda: {  	p0 =	sne.s32 s22, s12;
	[sflag:s14] =	ssyncadd.s32 $0xFFFFD800  }
.Ltmp4:
0xdb: {  	[bflag:$0x0] =	sbarrier.arrive $0xFFFF;
	(pc) =	sbr.rel @p0 .LBB2_1-.Ltmp4, $4  }
0xdc: {  	[hbm:s11], [sflag:s6] =	dma.local [spmem:s13], $0x2800  }
0xdd: {  	_ =	swait.ge [sflag:s14], $0x2800  }
0xde: {  	[sflag:s14] =	ssyncset.done $0x0  }
0xdf: {  	[sflag:s14] =	ssyncadd.s32 $0xFFFFD800  }
0xe0: {  	_ =	sfence.sel $0x180000  }
0xe1: {  	[bflag:$0x0] =	sbarrier.arrive $0xFFFF  }
0xe2: {  	p0 =	sne.s32 s2, $0x0;
	_ =	strace $0x9000004D  }
0xe3: {  	s0 =	sadd.s32 @!p0 $0x100000, s0;
	[bflag:$0x2] =	sbarrier.arrive $0xFFFF  }
0xe4: {  	[sflag:s0] =	ssyncadd.tile.s32 @!p0 $0x1;
	_ =	shalt  }
.Lfunc_end2:
_tile_overlayer_lowered:
.L_overlay_start_2:
0xe5: {  	(tag) =	ssettag $0x2  }
0xe6: {  	s0 =	rddreg [dreg:$0x0];
	s2 =	stileid.u32  }
0xe7: {  	s1 =	rddreg [dreg:$0x1];
	p0 =	sne.s32 s2, $0x0  }
0xe8: {  	s3 =	rddreg [dreg:$0x2];
	[bflag:$0x3] =	sbarrier.arrive $0xFFFF;
	s2 =	simm.s32 @!p0 $0x1C03  }
0xe9: {  	[timem:s3], [sflag:s2] =	dma.local @!p0 [hbm:s0], s1  }
0xea: {  	s0 =	simm.s32 @!p0 $0x3  }
0xeb: {  	_ =	swait.ge @!p0 [sflag:s0], s1  }
0xec: {  	s1 =	ssub.s32 @!p0 $0x0, s1;
	[sflag:s0] =	ssyncset.done @!p0 $0x0  }
0xed: {  	[sflag:s0] =	ssyncadd.s32 @!p0 s1  }
0xee: {  	[bflag:$0x3] =	sbarrier.arrive $0xFFFF  }
0xef: {  	_ =	shalt  }

// kernel: kernel.9.cloned.1.call-start
scs
__scs_entry_jumppad:
0x0: {  	(pc) =	sbr.rel $0x88, $3  }
0x1: {  	(tag) =	ssettag $0x0;
	lr =	simm.s32 $0x1  }
0x2: {  	[smem:$0x3F95] =	sst lr;
	_ =	strace $0xD0000000  }
0x3: {  	_ = 	snop  }
0x4: {  	_ = 	snop  }
0x5: {  	_ = 	snop  }
0x6: {  	_ = 	snop  }
0x7: {  	_ = 	snop  }
__scs_overlays_trampoline_lowered:
0x8: {  	[smem:$0x3FA4] =	sst s0  }
0x9: {  	[smem:$0x3FA5] =	sst s1  }
0xa: {  	[smem:$0x3FA6] =	sst s2  }
0xb: {  	[smem:$0x3FA7] =	sst s3  }
0xc: {  	[smem:$0x3FA8] =	sst s4  }
0xd: {  	[smem:$0x3FA9] =	sst s5  }
0xe: {  	[smem:$0x3FAA] =	sst s6  }
0xf: {  	[smem:$0x3FAB] =	sst s7  }
0x10: {  	[smem:$0x3FAC] =	sst s8  }
0x11: {  	[smem:$0x3FAD] =	sst s9;
	s0 =	simm.s32 @!p0 $0x0  }
0x12: {  	s1 =	sld [smem:$0x3F93];
	s0 =	simm.s32 @p0 $0x1  }
0x13: {  	[smem:$0x3FAE] =	sst s0;
	s0 =	simm.s32 @!p1 $0x0  }
0x14: {  	s2 =	sld [smem:$0x3F92];
	s0 =	simm.s32 @p1 $0x1  }
0x15: {  	[smem:$0x3FAF] =	sst s0;
	s0 =	simm.s32 @!p2 $0x0  }
0x16: {  	s3 =	sld [smem:$0x3FDB];
	s0 =	simm.s32 @p2 $0x1  }
0x17: {  	s4 =	simm.s32 $0x1BF5;
	[smem:$0x3FB1] =	sst s0  }
0x18: {  	s0 =	sld [smem:$0x3F94];
	_ =	swait.ge [sflag:s4], $0x0  }
0x19: {  	s7 =	sld [smem:$0x3F95]  }
0x1a: {  	s8 =	sadd.s32 $0xFFFFE003, lr  }
0x1b: {  	s9 =	sadd.s32 $0xFFFFFEF7, lr;
	s5 =	simm.s32 $0xFFFFFFFF;
	p2 =	slt.u32 s8, $0xFFFFF086  }
0x1c: {  	p1 =	slt.u32 s9, $0xF7A;
	s5 =	simm.s32 @!p2 $0x0  }
0x1d: {  	s5 =	simm.s32 @p1 $0x1;
	p0 =	seq.s32 s7, s2  }
0x1e: {  	s7 =	smul.u32 @!p0 $0xF7A, s2;
	p2 =	seq.s32 @!p0 s5, $0x0  }
0x1f: {  	s9 =	smul.u32 $0xF7A, s1;
	s8 =	simm.s32 @!p0 $0x1BF5;
	p2 =	por !p2, p0  }
0x20: {  	[sflag:s8] =	ssyncset.s32 @!p0 $0xFFFFF086;
	s6 =	sadd.s32 @!p0 s3, s7;
	s7 =	simm.s32 @!p0 $0x108  }
0x21: {  	s3 =	sadd.s32 s3, s9;
	s6 =	sadd.s32 @!p0 $0x88, s6;
	s7 =	simm.s32 @p2 $0x1082  }
0x22: {  	[simem:s7], [sflag:s8] =	dma.local @!p0 [hbm:s6], $0xF7A  }
0x23: {  	s9 =	sor.u32 $0xD0000000, s2;
	s6 =	simm.s32 $0x108;
	_ =	swait.ge @!p0 [sflag:s8], $0x0  }
0x24: {  	s3 =	sadd.s32 $0x88, s3;
	s6 =	simm.s32 @!p1 $0x1082;
	[sflag:s4] =	ssyncset.s32 $0xFFFFF086  }
0x25: {  	[simem:s6], [sflag:s4] =	dma.local [hbm:s3], $0xF7A  }
0x26: {  	[smem:$0x3F95] =	sst s1;
	(tag) =	ssettag s2;
	_ =	strace s9  }
0x27: {  	s1 =	sld [smem:$0x3FA5]  }
0x28: {  	s2 =	sld [smem:$0x3FA6]  }
0x29: {  	s4 =	sld [smem:$0x3FA8]  }
0x2a: {  	p0 =	seq.s32 s5, $0x0;
	s5 =	sld [smem:$0x3FA9]  }
0x2b: {  	s6 =	sld [smem:$0x3FAA]  }
0x2c: {  	s7 =	sld [smem:$0x3FAB]  }
0x2d: {  	s3 =	simm.s32 $0x108;
	s8 =	sld [smem:$0x3FAC]  }
0x2e: {  	s3 =	simm.s32 @!p0 $0x1082;
	s9 =	sld [smem:$0x3FAD]  }
0x2f: {  	lr =	sadd.s32 s0, s3;
	s0 =	sld [smem:$0x3FA4]  }
0x30: {  	s3 =	sld [smem:$0x3FA7]  }
0x31: {  	[smem:$0x3FB0] =	sst s10  }
0x32: {  	s10 =	sld [smem:$0x3FAE];
	_ =	sdelay $0x3  }
0x33: {  	p0 =	seq.s32 s10, $0x1;
	s10 =	sld [smem:$0x3FB0];
	_ =	sdelay $0x3  }
0x34: {  	[smem:$0x3FB0] =	sst s10  }
0x35: {  	s10 =	sld [smem:$0x3FAF];
	_ =	sdelay $0x3  }
0x36: {  	p1 =	seq.s32 s10, $0x1;
	s10 =	sld [smem:$0x3FB0];
	_ =	sdelay $0x3  }
0x37: {  	[smem:$0x3FB0] =	sst s10  }
0x38: {  	s10 =	sld [smem:$0x3FB1]  }
0x39: {  	_ = 	snop;
	(pc) =	sbr.ind lr, $3  }
0x3a: {  	_ = 	snop  }
0x3b: {  	_ = 	snop  }
0x3c: {  	p2 =	seq.s32 s10, $0x1;
	s10 =	sld [smem:$0x3FB0]  }
0x3d: {  	_ =	shalt  }
0x3e: {  	_ =	shalt  }
0x3f: {  	_ =	shalt  }
0x40: {  	_ =	shalt  }
0x41: {  	_ =	shalt  }
0x42: {  	_ =	shalt  }
0x43: {  	_ =	shalt  }
0x44: {  	_ =	shalt  }
0x45: {  	_ =	shalt  }
0x46: {  	_ =	shalt  }
0x47: {  	_ =	shalt  }
0x48: {  	_ =	shalt  }
0x49: {  	_ =	shalt  }
0x4a: {  	_ =	shalt  }
0x4b: {  	_ =	shalt  }
0x4c: {  	_ =	shalt  }
0x4d: {  	_ =	shalt  }
0x4e: {  	_ =	shalt  }
0x4f: {  	_ =	shalt  }
0x50: {  	_ =	shalt  }
0x51: {  	_ =	shalt  }
0x52: {  	_ =	shalt  }
0x53: {  	_ =	shalt  }
0x54: {  	_ =	shalt  }
0x55: {  	_ =	shalt  }
0x56: {  	_ =	shalt  }
0x57: {  	_ =	shalt  }
0x58: {  	_ =	shalt  }
0x59: {  	_ =	shalt  }
0x5a: {  	_ =	shalt  }
0x5b: {  	_ =	shalt  }
0x5c: {  	_ =	shalt  }
0x5d: {  	_ =	shalt  }
0x5e: {  	_ =	shalt  }
0x5f: {  	_ =	shalt  }
0x60: {  	_ =	shalt  }
0x61: {  	_ =	shalt  }
0x62: {  	_ =	shalt  }
0x63: {  	_ =	shalt  }
0x64: {  	_ =	shalt  }
0x65: {  	_ =	shalt  }
0x66: {  	_ =	shalt  }
0x67: {  	_ =	shalt  }
0x68: {  	_ =	shalt  }
0x69: {  	_ =	shalt  }
0x6a: {  	_ =	shalt  }
0x6b: {  	_ =	shalt  }
0x6c: {  	_ =	shalt  }
0x6d: {  	_ =	shalt  }
0x6e: {  	_ =	shalt  }
0x6f: {  	_ =	shalt  }
0x70: {  	_ =	shalt  }
0x71: {  	_ =	shalt  }
0x72: {  	_ =	shalt  }
0x73: {  	_ =	shalt  }
0x74: {  	_ =	shalt  }
0x75: {  	_ =	shalt  }
0x76: {  	_ =	shalt  }
0x77: {  	_ =	shalt  }
0x78: {  	_ =	shalt  }
0x79: {  	_ =	shalt  }
0x7a: {  	_ =	shalt  }
0x7b: {  	_ =	shalt  }
0x7c: {  	_ =	shalt  }
0x7d: {  	_ =	shalt  }
0x7e: {  	_ =	shalt  }
0x7f: {  	_ =	shalt  }
0x80: {  	_ =	shalt  }
0x81: {  	_ =	shalt  }
0x82: {  	_ =	shalt  }
0x83: {  	_ =	shalt  }
0x84: {  	_ =	shalt  }
0x85: {  	_ =	shalt  }
0x86: {  	_ =	shalt  }
0x87: {  	_ =	shalt  }
.Lfunc_end0:
.L_simem_size_0:
called_computation_lowered:
.L_overlay_start_0:
0x88: {  	s2 =	sld [smem:$0x3FD9]  }
0x89: {  	s3 =	sld [smem:$0x3FFE];
	_ =	sdelay $0x1  }
0x8a: {  	s1 =	srdreg.scid  }
0x8b: {  	s0 =	sand.u32 $0x1, s1  }
0x8c: {  	s16 =	sshll.u32 s0, $0xA;
	s2 =	sadd.s32 s3, s2  }
0x8d: {  	s2 =	sadd.s32 s2, s16  }
0x8e: {  	[smem:$0x3FBC] =	sst s2  }
0x8f: {  	_ = 	snop  }
0x90: {  	(tm) =	ssettm $0x1  }
0x91: {  	s17 =	sld [smem:$0x3FFB];
	_ =	sdelay $0x3  }
0x92: {  	_ =	strace s17  }
0x93: {  	s2 =	sld [smem:$0x3FFC];
	_ =	sdelay $0x3  }
0x94: {  	_ =	strace s2  }
0x95: {  	s2 =	sld [smem:$0x3FFD];
	_ =	sdelay $0x3  }
0x96: {  	_ =	strace s2  }
0x97: {  	_ =	strace $0x8FFFFFFF  }
0x98: {  	s18 =	sld [smem:$0x3FDB];
	_ =	sdelay $0x1  }
0x99: {  	s19 =	simm.s32 $_scs_section_size  }
0x9a: {  	s4 =	simm.s32 $_size__tile_overlayer_lowered;
	s5 =	simm.s32 $_tile_overlayer_lowered  }
0x9b: {  	s22 =	simm.s32 $0x1BFF;
	s21 =	sshll.u32 s5, $0x1;
	s2 =	sadd.s32 s19, s18  }
0x9c: {  	s6 =	simm.s32 $0x0;
	s20 =	sshll.u32 s4, $0x1;
	s4 =	sadd.s32 s21, s2  }
0x9d: {  	[timem:s6], [sflag:s22] =	dma.local [hbm:s4], s20  }
0x9e: {  	_ =	swait.ge [sflag:s22], s20  }
0x9f: {  	s3 =	ssub.s32 $0x0, s20;
	[sflag:s22] =	ssyncset.done $0x0  }
0xa0: {  	[sflag:s22] =	ssyncadd.s32 s3;
	_ =	sdelay $0x1  }
0xa1: {  	s23 =	simm.s32 $0x1B8B  }
0xa2: {  	_ =	swait.ge [sflag:s23], $0x1  }
0xa3: {  	[sflag:s23] =	ssyncset.done $0x0  }
0xa4: {  	s25 =	simm.s32 $0x1B8E;
	s24 =	sld [smem:$0x3FFE];
	[sflag:s23] =	ssyncadd.s32 $0xFFFFFFFF  }
0xa5: {  	s26 =	simm.s32 $execute0_lowered;
	[smem:$0x3FD2] =	sst s25  }
0xa6: {  	s4 =	sshll.u32 s26, $0x1;
	_ =	strace $0x80000046;
	[dreg:$0x1] =	wrdreg $0xFFFFFFFF  }
0xa7: {  	s28 =	simm.s32 $_size_execute0_lowered;
	s2 =	sadd.s32 s2, s4;
	[dreg:$0x0] =	wrdreg $0x0  }
0xa8: {  	s4 =	sshll.u32 s28, $0x1;
	[dreg:$0x2] =	wrdreg s2  }
0xa9: {  	[dreg:$0x3] =	wrdreg s4  }
0xaa: {  	[dreg:$0x4] =	wrdreg $0xC0  }
0xab: {  	_ =	task [dreg:s6], $0x5FFFF  }
0xac: {  	[dreg:$0x1] =	wrdreg $0xFFFFFFFF  }
0xad: {  	[dreg:$0x0] =	wrdreg $0x60  }
0xae: {  	[dreg:$0x2] =	wrdreg s24  }
0xaf: {  	[dreg:$0x3] =	wrdreg $0x90000  }
0xb0: {  	[dreg:$0x4] =	wrdreg $0x9  }
0xb1: {  	_ =	task.clear_ibuf [dreg:s6], $0x5FFFF;
	_ =	strace $0x90000046  }
0xb2: {  	s29 =	simm.s32 $0x9;
	_ =	strace $0x80000048  }
0xb3: {  	_ =	swait.ge [sflag:s29], $0x1  }
0xb4: {  	[sflag:s29] =	ssyncadd.s32 $0xFFFFFFFF  }
0xb5: {  	_ =	strace $0x90000048  }
0xb6: {  	_ =	sfence  }
0xb7: {  	s30 =	sld [smem:$0x0];
	_ =	sdelay $0x2  }
0xb8: {  	s31 =	sshll.u32 s1, $0xD;
	s1 =	sshrl.u32 s1, $0x2  }
0xb9: {  	s3 =	sand.u32 $0x4000, s31;
	s1 =	sadd.s32 s1, s30  }
0xba: {  	s0 =	sor.u32 s3, s0;
	s1 =	sshll.u32 s1, $0x11  }
0xbb: {  	s0 =	sor.u32 s1, s0  }
0xbc: {  	s0 =	sadd.s32 $0x8F2B, s0  }
0xbd: {  	[sflag:s0] =	ssyncadd.remote.s32 $0x1  }
0xbe: {  	_ =	sfence.sel $0xFFFF  }
0xbf: {  	[dreg:$0x0] =	wrdreg $0xFFFFFFFF;
	(pc) =	sbr.abs _section_cstart, $3  }
0xc0: {  	[dreg:$0x1] =	wrdreg $0xFFFFFFFF  }
0xc1: {  	_ =	task.clear_ibuf [dreg:s6], $0x2FFFF;
	_ =	strace $0x9FFFFFFF  }
0xc2: {  	(tm) =	ssettm $0x7FFFFFFF  }
0xc3: {  	_ =	shalt  }
tec
execute0_lowered:
.L_overlay_start_1:
0x0: {  	(tag) =	ssettag $0x1  }
0x1: {  	s6 =	rddreg [dreg:$0x0]  }
0x2: {  	s1 =	rddreg [dreg:$0x1]  }
0x3: {  	s0 =	rddreg [dreg:$0x2];
	s3 =	simm.s32 $0x0;
	s2 =	srdreg.scid  }
0x4: {  	s16 =	simm.s32 $0x50;
	s17 =	simm.s32 $0x4000;
	s18 =	simm.s32 $0x6800  }
0x5: {  	s19 =	simm.s32 $0x1;
	s21 =	simm.s32 $0x3F00;
	s22 =	simm.s32 $0x0  }
0x6: {  	[smem:$0x7FF] =	sst s3;
	s7 =	sand.u32 $0x1, s2;
	s2 =	stileid.u32  }
0x7: {  	s4 =	sadd.s32 $0x22E00, s6;
	s9 =	sadd.s32 $0x2E00, s6;
	s5 =	smul.u32 $0x140000, s7  }
0x8: {  	s10 =	sadd.s32 $0x12E00, s6;
	_ =	strace $0x80000047;
	s8 =	smul.u32 $0x14000, s2  }
0x9: {  	s11 =	ssub.s32 $0x2, s7;
	s12 =	smul.u32 $0x50000, s2;
	s28 =	sshll.u32 s2, $0x6  }
0xa: {  	s29 =	sshll.u32 s7, $0xE;
	s30 =	sshll.u32 s2, $0xA;
	s20 =	smul.u32 $0x1400, s7  }
0xb: {  	s13 =	sshrl.u32 s11, $0x1;
	s31 =	sor.u32 s30, s29;
	s8 =	sadd.s32 s8, s5  }
0xc: {  	s5 =	sadd.s32 $0x4A000, s6;
	s13 =	ssub.s32 s11, s13;
	s26 =	sshrl.u32 s12, $0x2  }
0xd: {  	s7 =	sadd.s32 s9, s31;
	s11 =	sor.u32 $0x8000, s31;
	v0 =	vmov s20;
	s20 =	simm.s32 $0x2  }
0xe: {  	s8 =	sshrl.u32 s8, $0x3;
	s15 =	sadd.s32 s26, s1;
	s9 =	sadd.s32 s9, s11  }
0xf: {  	s12 =	smax.u32 s13, $0x1;
	s14 =	sadd.s32 s8, s6;
	s6 =	sor.u32 $0x1C03, s28  }
0x10: {  	s8 =	sadd.s32 s10, s31;
	s10 =	sadd.s32 s10, s11;
	s13 =	sshrl.u32 s15, $0x3  }
0x11: {  	s15 =	simm.s32 $0x2000;
	s11 =	sadd.s32 $0x4C800, s14;
	s14 =	simm.s32 $0x3  }
.LBB2_1:
0x12: {  	[spmem:s13], [sflag:s6] =	dma.local [hbm:s5], $0x2800  }
0x13: {  	_ =	swait.ge [sflag:s14], $0x2800  }
0x14: {  	[sflag:s14] =	ssyncset.done $0x0  }
0x15: {  	[sflag:s14] =	ssyncadd.s32 $0xFFFFD800  }
0x16: {  	[tilespmem:s3], [sflag:$0x3] =	stream.linear.gather [hbm4b:s7+s3], $0x1F80, $0x38;
	[tilespmem:$0x1D000] =	vst v63  }
0x17: {  	_ =	swait.ge [sflag:s14], $0x1F80  }
0x18: {  	[sflag:s14] =	ssyncset.done $0x0  }
0x19: {  	[sflag:s14] =	ssyncadd.s32 $0xFFFFE080  }
0x1a: {  	[tilespmem:s15], [sflag:$0x3] =	stream.linear.gather [hbm4b:s8+s3], $0x1F80, $0x38;
	[tilespmem:$0x1D000] =	vst v63  }
0x1b: {  	_ =	swait.ge [sflag:s14], $0x1F80  }
0x1c: {  	[sflag:s14] =	ssyncset.done $0x0  }
0x1d: {  	s23 =	simm.s32 $0x0;
	[sflag:s14] =	ssyncadd.s32 $0xFFFFE080  }
0x1e: {  	v1 =	vld [tilespmem:s23+$0x2000]  }
0x1f: {  	v2 =	vld [tilespmem:s23+$0x2040];
	_ =	sdelay $0x2  }
0x20: {  	v3 =	vld [tilespmem:s23+$0x2010]  }
0x21: {  	v5 =	vadd.s32 v0, v1  }
0x22: {  	v1 =	vld [tilespmem:s23+$0x2030];
	v4 =	vadd.s32 v0, v2;
	vm0 =	vgt.s32 v5, $0x27FF;
	v6 =	vadd.s32 $0xFFFFD800, v5  }
0x23: {  	s25 =	simm.s32 $0x200;
	s24 =	simm.s32 $0x400;
	v2 =	vld [tilespmem:s23+$0x2020];
	v5 =	vsel vm0, v6, v5;
	vm0 =	vgt.s32 v4, $0x27FF;
	v6 =	vadd.s32 $0xFFFFD800, v4  }
.LBB2_2:
0x24: {  	p0 =	sne.s32 s24, $0x7C00  }
0x25: {  	s26 =	sshra.s32 s25, $0x2;
	[tilespmem:s23+$0x2000] =	vst v5;
	v3 =	vadd.s32 v0, v3;
	v4 =	vsel vm0, v6, v4;
	s25 =	smov.u32 s24;
	s24 =	sadd.s32 $0x200, s24  }
0x26: {  	v5 =	vld [tilespmem:s26+$0x2000];
	vm0 =	vgt.s32 v3, $0x27FF;
	v6 =	vadd.s32 $0xFFFFD800, v3;
	[tilespmem:s23+$0x2040] =	vst v4  }
0x27: {  	v4 =	vld [tilespmem:s26+$0x2040];
	v3 =	vsel vm0, v6, v3;
	v1 =	vadd.s32 v0, v1  }
0x28: {  	[tilespmem:s23+$0x2010] =	vst v3;
	v2 =	vadd.s32 v0, v2;
	vm0 =	vgt.s32 v1, $0x27FF;
	v6 =	vadd.s32 $0xFFFFD800, v1  }
.Ltmp0:
0x29: {  	v3 =	vld [tilespmem:s26+$0x2010];
	vm1 =	vgt.s32 v2, $0x27FF;
	v7 =	vadd.s32 $0xFFFFD800, v2;
	v1 =	vsel vm0, v6, v1;
	(pc) =	sbr.rel @p0 .LBB2_2-.Ltmp0, $4  }
0x2a: {  	v2 =	vsel vm1, v7, v2;
	[tilespmem:s23+$0x2030] =	vst v1  }
0x2b: {  	v5 =	vadd.s32 v0, v5;
	v1 =	vld [tilespmem:s26+$0x2030];
	[tilespmem:s23+$0x2020] =	vst v2;
	s23 =	smov.u32 s26  }
0x2c: {  	vm0 =	vgt.s32 v5, $0x27FF;
	v6 =	vadd.s32 $0xFFFFD800, v5;
	v2 =	vld [tilespmem:s23+$0x2020];
	v4 =	vadd.s32 v0, v4  }
0x2d: {  	v5 =	vsel vm0, v6, v5;
	vm0 =	vgt.s32 v4, $0x27FF;
	v6 =	vadd.s32 $0xFFFFD800, v4  }
0x2e: {  	v3 =	vadd.s32 v0, v3  }
0x2f: {  	s24 =	sshra.s32 s25, $0x2;
	[tilespmem:s23+$0x2000] =	vst v5;
	v4 =	vsel vm0, v6, v4;
	vm9 =	vgt.s32 v3, $0x27FF;
	v58 =	vadd.s32 $0xFFFFD800, v3  }
0x30: {  	v5 =	vld [tilespmem:s24+$0x2000];
	[tilespmem:s23+$0x2040] =	vst v4;
	v3 =	vsel vm9, v58, v3;
	v1 =	vadd.s32 v0, v1  }
0x31: {  	v4 =	vld [tilespmem:s24+$0x2040];
	[tilespmem:s23+$0x2010] =	vst v3;
	vm10 =	vgt.s32 v1, $0x27FF;
	v3 =	vadd.s32 $0xFFFFD800, v1;
	v2 =	vadd.s32 v0, v2  }
0x32: {  	v59 =	vld [tilespmem:s24+$0x2010];
	v1 =	vsel vm10, v3, v1;
	vm11 =	vgt.s32 v2, $0x27FF;
	v3 =	vadd.s32 $0xFFFFD800, v2  }
0x33: {  	[tilespmem:s23+$0x2030] =	vst v1;
	v1 =	vsel vm11, v3, v2  }
0x34: {  	v2 =	vld [tilespmem:s24+$0x2030];
	[tilespmem:s23+$0x2020] =	vst v1  }
0x35: {  	v1 =	vadd.s32 v0, v5;
	v3 =	vld [tilespmem:s24+$0x2020]  }
0x36: {  	vm12 =	vgt.s32 v1, $0x27FF;
	v5 =	vadd.s32 $0xFFFFD800, v1;
	v4 =	vadd.s32 v0, v4  }
0x37: {  	v1 =	vsel vm12, v5, v1;
	vm13 =	vgt.s32 v4, $0x27FF;
	v60 =	vadd.s32 v0, v59  }
0x38: {  	v61 =	vadd.s32 $0xFFFFD800, v4;
	vm1 =	vgt.s32 v60, $0x27FF;
	v7 =	vadd.s32 $0xFFFFD800, v60  }
0x39: {  	[tilespmem:s24+$0x2000] =	vst v1;
	v1 =	vsel vm13, v61, v4;
	v62 =	vsel vm1, v7, v60;
	v2 =	vadd.s32 v0, v2  }
0x3a: {  	[tilespmem:s24+$0x2040] =	vst v1;
	v1 =	vadd.s32 v0, v3;
	vm14 =	vgt.s32 v2, $0x27FF;
	v3 =	vadd.s32 $0xFFFFD800, v2  }
0x3b: {  	[tilespmem:s24+$0x2010] =	vst v62;
	vm15 =	vgt.s32 v1, $0x27FF;
	v63 =	vadd.s32 $0xFFFFD800, v1;
	v2 =	vsel vm14, v3, v2  }
0x3c: {  	v1 =	vsel vm15, v63, v1;
	[tilespmem:s24+$0x2030] =	vst v2  }
0x3d: {  	[tilespmem:s24+$0x2020] =	vst v1  }
0x3e: {  	s26 =	simm.s32 $0x0;
	[bflag:$0x0] =	sbarrier.arrive $0xFFFF  }
0x3f: {  	[tilespmem:s17], [sflag:$0x1] =	stream.indirect.gather [hbm4b:s4+s16], $0x80, s26, s16, $0xb8;
	[tilespmem:$0x1D000] =	vst v63  }
0x40: {  	s28 =	simm.s32 $0x80  }
0x41: {  	[tilespmem:s18], [sflag:$0x2] =	stream.indirect.gather [hbm4b:s4+s16], $0x80, s28, s16, $0xb8;
	[tilespmem:$0x1D000] =	vst v63  }
0x42: {  	_ =	swait.ge [sflag:s19], $0x2800  }
0x43: {  	[sflag:s19] =	ssyncset.done $0x0  }
0x44: {  	s29 =	simm.s32 $0x2000;
	[sflag:s19] =	ssyncadd.s32 $0xFFFFD800  }
0x45: {  	[spmem:s1] =	stream.indirect.scatter.add.f32 [tilespmem:s17], [sflag:$0x3], $0x80, s29, s16, $0xb8;
	[tilespmem:$0x1D000] =	vst v63  }
0x46: {  	_ =	swait.ge [sflag:s14], $0x2800  }
0x47: {  	[sflag:s14] =	ssyncset.done $0x0  }
0x48: {  	s30 =	simm.s32 $0x100;
	[sflag:s14] =	ssyncadd.s32 $0xFFFFD800  }
0x49: {  	[tilespmem:s17], [sflag:$0x1] =	stream.indirect.gather [hbm4b:s4+s16], $0x80, s30, s16, $0xb8;
	[tilespmem:$0x1D000] =	vst v63  }
0x4a: {  	_ =	swait.ge [sflag:s20], $0x2800  }
0x4b: {  	[sflag:s20] =	ssyncset.done $0x0  }
0x4c: {  	s31 =	simm.s32 $0x2080;
	[sflag:s20] =	ssyncadd.s32 $0xFFFFD800  }
0x4d: {  	[spmem:s1] =	stream.indirect.scatter.add.f32 [tilespmem:s18], [sflag:$0x3], $0x80, s31, s16, $0xb8;
	[tilespmem:$0x1D000] =	vst v63  }
0x4e: {  	_ =	swait.ge [sflag:s14], $0x2800  }
0x4f: {  	s23 =	simm.s32 $0x100;
	s24 =	simm.s32 $0x800;
	[sflag:s14] =	ssyncset.done $0x0  }
.LBB2_4:
0x50: {  	s25 =	sadd.s32 $0x80, s23  }
0x51: {  	[sflag:s14] =	ssyncadd.s32 $0xFFFFD800;
	s26 =	smov.u32 s24;
	s28 =	sadd.s32 $0x400, s24  }
0x52: {  	[tilespmem:s18], [sflag:$0x2] =	stream.indirect.gather [hbm4b:s4+s16], $0x80, s25, s16, $0xb8;
	[tilespmem:$0x1D000] =	vst v63  }
0x53: {  	p0 =	sne.s32 s24, $0x7800;
	_ =	swait.ge [sflag:s19], $0x2800  }
0x54: {  	[sflag:s19] =	ssyncset.done $0x0  }
0x55: {  	s24 =	sadd.s32 $0x2000, s23;
	[sflag:s19] =	ssyncadd.s32 $0xFFFFD800  }
0x56: {  	[spmem:s1] =	stream.indirect.scatter.add.f32 [tilespmem:s17], [sflag:$0x3], $0x80, s24, s16, $0xb8;
	[tilespmem:$0x1D000] =	vst v63  }
0x57: {  	_ =	swait.ge [sflag:s14], $0x2800  }
0x58: {  	[sflag:s14] =	ssyncset.done $0x0  }
0x59: {  	s24 =	sadd.s32 $0x100, s23;
	[sflag:s14] =	ssyncadd.s32 $0xFFFFD800  }
0x5a: {  	[tilespmem:s17], [sflag:$0x1] =	stream.indirect.gather [hbm4b:s4+s16], $0x80, s24, s16, $0xb8;
	[tilespmem:$0x1D000] =	vst v63  }
0x5b: {  	_ =	swait.ge [sflag:s20], $0x2800  }
.Ltmp1:
0x5c: {  	[sflag:s20] =	ssyncset.done $0x0;
	(pc) =	sbr.rel @p0 .LBB2_4-.Ltmp1, $4  }
0x5d: {  	s23 =	sadd.s32 $0x2080, s23;
	[sflag:s20] =	ssyncadd.s32 $0xFFFFD800  }
0x5e: {  	[spmem:s1] =	stream.indirect.scatter.add.f32 [tilespmem:s18], [sflag:$0x3], $0x80, s23, s16, $0xb8;
	[tilespmem:$0x1D000] =	vst v63  }
0x5f: {  	_ =	swait.ge [sflag:s14], $0x2800  }
0x60: {  	s24 =	smov.u32 s28;
	s23 =	sshra.s32 s26, $0x2;
	[sflag:s14] =	ssyncset.done $0x0  }
0x61: {  	s24 =	sadd.s32 $0x80, s23;
	[sflag:s14] =	ssyncadd.s32 $0xFFFFD800  }
0x62: {  	[tilespmem:s18], [sflag:$0x2] =	stream.indirect.gather [hbm4b:s4+s16], $0x80, s24, s16, $0xb8;
	[tilespmem:$0x1D000] =	vst v63  }
0x63: {  	_ =	swait.ge [sflag:s19], $0x2800  }
0x64: {  	[sflag:s19] =	ssyncset.done $0x0  }
0x65: {  	s28 =	sadd.s32 $0x2000, s23;
	[sflag:s19] =	ssyncadd.s32 $0xFFFFD800  }
0x66: {  	[spmem:s1] =	stream.indirect.scatter.add.f32 [tilespmem:s17], [sflag:$0x3], $0x80, s28, s16, $0xb8;
	[tilespmem:$0x1D000] =	vst v63  }
0x67: {  	_ =	swait.ge [sflag:s14], $0x2800  }
0x68: {  	[sflag:s14] =	ssyncset.done $0x0  }
0x69: {  	s29 =	sadd.s32 $0x100, s23;
	[sflag:s14] =	ssyncadd.s32 $0xFFFFD800  }
0x6a: {  	[tilespmem:s17], [sflag:$0x1] =	stream.indirect.gather [hbm4b:s4+s16], $0x80, s29, s16, $0xb8;
	[tilespmem:$0x1D000] =	vst v63  }
0x6b: {  	_ =	swait.ge [sflag:s20], $0x2800  }
0x6c: {  	[sflag:s20] =	ssyncset.done $0x0  }
0x6d: {  	s30 =	sadd.s32 $0x2080, s23;
	[sflag:s20] =	ssyncadd.s32 $0xFFFFD800  }
0x6e: {  	[spmem:s1] =	stream.indirect.scatter.add.f32 [tilespmem:s18], [sflag:$0x3], $0x80, s30, s16, $0xb8;
	[tilespmem:$0x1D000] =	vst v63  }
0x6f: {  	_ =	swait.ge [sflag:s14], $0x2800  }
0x70: {  	[sflag:s14] =	ssyncset.done $0x0  }
0x71: {  	[sflag:s14] =	ssyncadd.s32 $0xFFFFD800  }
0x72: {  	_ =	swait.ge [sflag:s19], $0x2800  }
0x73: {  	[sflag:s19] =	ssyncset.done $0x0  }
0x74: {  	[sflag:s19] =	ssyncadd.s32 $0xFFFFD800  }
0x75: {  	[spmem:s1] =	stream.indirect.scatter.add.f32 [tilespmem:s17], [sflag:$0x3], $0x80, s21, s16, $0xb8;
	[tilespmem:$0x1D000] =	vst v63  }
0x76: {  	_ =	swait.ge [sflag:s14], $0x2800  }
0x77: {  	[sflag:s14] =	ssyncset.done $0x0  }
0x78: {  	s31 =	simm.s32 $0x0;
	[sflag:s14] =	ssyncadd.s32 $0xFFFFD800  }
0x79: {  	[tilespmem:s31], [sflag:$0x3] =	stream.linear.gather [hbm4b:s9+s31], $0x1F80, $0x38;
	[tilespmem:$0x1D000] =	vst v63  }
0x7a: {  	_ =	swait.ge [sflag:s14], $0x1F80  }
0x7b: {  	[sflag:s14] =	ssyncset.done $0x0  }
0x7c: {  	[sflag:s14] =	ssyncadd.s32 $0xFFFFE080  }
0x7d: {  	[tilespmem:s15], [sflag:$0x3] =	stream.linear.gather [hbm4b:s10+s31], $0x1F80, $0x38;
	[tilespmem:$0x1D000] =	vst v63  }
0x7e: {  	_ =	swait.ge [sflag:s14], $0x1F80  }
0x7f: {  	[sflag:s14] =	ssyncset.done $0x0  }
0x80: {  	s23 =	simm.s32 $0x0;
	[sflag:s14] =	ssyncadd.s32 $0xFFFFE080  }
0x81: {  	v1 =	vld [tilespmem:s23+$0x2000]  }
0x82: {  	v2 =	vld [tilespmem:s23+$0x2040];
	_ =	sdelay $0x2  }
0x83: {  	v3 =	vld [tilespmem:s23+$0x2010]  }
0x84: {  	v5 =	vadd.s32 v0, v1  }
0x85: {  	v1 =	vld [tilespmem:s23+$0x2030];
	v4 =	vadd.s32 v0, v2;
	vm0 =	vgt.s32 v5, $0x27FF;
	v6 =	vadd.s32 $0xFFFFD800, v5  }
0x86: {  	s25 =	simm.s32 $0x200;
	s24 =	simm.s32 $0x400;
	v2 =	vld [tilespmem:s23+$0x2020];
	v5 =	vsel vm0, v6, v5;
	vm0 =	vgt.s32 v4, $0x27FF;
	v6 =	vadd.s32 $0xFFFFD800, v4  }
.LBB2_6:
0x87: {  	p0 =	sne.s32 s24, $0x7C00  }
0x88: {  	s26 =	sshra.s32 s25, $0x2;
	[tilespmem:s23+$0x2000] =	vst v5;
	v3 =	vadd.s32 v0, v3;
	v4 =	vsel vm0, v6, v4;
	s25 =	smov.u32 s24;
	s24 =	sadd.s32 $0x200, s24  }
0x89: {  	v5 =	vld [tilespmem:s26+$0x2000];
	vm0 =	vgt.s32 v3, $0x27FF;
	v6 =	vadd.s32 $0xFFFFD800, v3;
	[tilespmem:s23+$0x2040] =	vst v4  }
0x8a: {  	v4 =	vld [tilespmem:s26+$0x2040];
	v3 =	vsel vm0, v6, v3;
	v1 =	vadd.s32 v0, v1  }
0x8b: {  	[tilespmem:s23+$0x2010] =	vst v3;
	v2 =	vadd.s32 v0, v2;
	vm0 =	vgt.s32 v1, $0x27FF;
	v6 =	vadd.s32 $0xFFFFD800, v1  }
.Ltmp2:
0x8c: {  	v3 =	vld [tilespmem:s26+$0x2010];
	vm1 =	vgt.s32 v2, $0x27FF;
	v7 =	vadd.s32 $0xFFFFD800, v2;
	v1 =	vsel vm0, v6, v1;
	(pc) =	sbr.rel @p0 .LBB2_6-.Ltmp2, $4  }
0x8d: {  	v2 =	vsel vm1, v7, v2;
	[tilespmem:s23+$0x2030] =	vst v1  }
0x8e: {  	v5 =	vadd.s32 v0, v5;
	v1 =	vld [tilespmem:s26+$0x2030];
	[tilespmem:s23+$0x2020] =	vst v2;
	s23 =	smov.u32 s26  }
0x8f: {  	vm0 =	vgt.s32 v5, $0x27FF;
	v6 =	vadd.s32 $0xFFFFD800, v5;
	v2 =	vld [tilespmem:s23+$0x2020];
	v4 =	vadd.s32 v0, v4  }
0x90: {  	v5 =	vsel vm0, v6, v5;
	vm0 =	vgt.s32 v4, $0x27FF;
	v6 =	vadd.s32 $0xFFFFD800, v4  }
0x91: {  	v3 =	vadd.s32 v0, v3  }
0x92: {  	s24 =	sshra.s32 s25, $0x2;
	[tilespmem:s23+$0x2000] =	vst v5;
	v4 =	vsel vm0, v6, v4;
	vm9 =	vgt.s32 v3, $0x27FF;
	v58 =	vadd.s32 $0xFFFFD800, v3  }
0x93: {  	v5 =	vld [tilespmem:s24+$0x2000];
	[tilespmem:s23+$0x2040] =	vst v4;
	v3 =	vsel vm9, v58, v3;
	v1 =	vadd.s32 v0, v1  }
0x94: {  	v4 =	vld [tilespmem:s24+$0x2040];
	[tilespmem:s23+$0x2010] =	vst v3;
	vm10 =	vgt.s32 v1, $0x27FF;
	v3 =	vadd.s32 $0xFFFFD800, v1;
	v2 =	vadd.s32 v0, v2  }
0x95: {  	v59 =	vld [tilespmem:s24+$0x2010];
	v1 =	vsel vm10, v3, v1;
	vm11 =	vgt.s32 v2, $0x27FF;
	v3 =	vadd.s32 $0xFFFFD800, v2  }
0x96: {  	[tilespmem:s23+$0x2030] =	vst v1;
	v1 =	vsel vm11, v3, v2  }
0x97: {  	v2 =	vld [tilespmem:s24+$0x2030];
	[tilespmem:s23+$0x2020] =	vst v1  }
0x98: {  	v1 =	vadd.s32 v0, v5;
	v3 =	vld [tilespmem:s24+$0x2020]  }
0x99: {  	vm12 =	vgt.s32 v1, $0x27FF;
	v5 =	vadd.s32 $0xFFFFD800, v1;
	v4 =	vadd.s32 v0, v4  }
0x9a: {  	v1 =	vsel vm12, v5, v1;
	vm13 =	vgt.s32 v4, $0x27FF;
	v60 =	vadd.s32 v0, v59  }
0x9b: {  	v61 =	vadd.s32 $0xFFFFD800, v4;
	vm1 =	vgt.s32 v60, $0x27FF;
	v7 =	vadd.s32 $0xFFFFD800, v60  }
0x9c: {  	[tilespmem:s24+$0x2000] =	vst v1;
	v1 =	vsel vm13, v61, v4;
	v62 =	vsel vm1, v7, v60;
	v2 =	vadd.s32 v0, v2  }
0x9d: {  	[tilespmem:s24+$0x2040] =	vst v1;
	v1 =	vadd.s32 v0, v3;
	vm14 =	vgt.s32 v2, $0x27FF;
	v3 =	vadd.s32 $0xFFFFD800, v2  }
0x9e: {  	[tilespmem:s24+$0x2010] =	vst v62;
	vm15 =	vgt.s32 v1, $0x27FF;
	v63 =	vadd.s32 $0xFFFFD800, v1;
	v2 =	vsel vm14, v3, v2  }
0x9f: {  	v1 =	vsel vm15, v63, v1;
	[tilespmem:s24+$0x2030] =	vst v2  }
0xa0: {  	s26 =	simm.s32 $0x0;
	[tilespmem:s24+$0x2020] =	vst v1  }
0xa1: {  	[tilespmem:s17], [sflag:$0x1] =	stream.indirect.gather [hbm4b:s4+s16], $0x80, s26, s16, $0xb8;
	[tilespmem:$0x1D000] =	vst v63  }
0xa2: {  	s28 =	simm.s32 $0x80  }
0xa3: {  	[tilespmem:s18], [sflag:$0x2] =	stream.indirect.gather [hbm4b:s4+s16], $0x80, s28, s16, $0xb8;
	[tilespmem:$0x1D000] =	vst v63  }
0xa4: {  	_ =	swait.ge [sflag:s19], $0x2800  }
0xa5: {  	[sflag:s19] =	ssyncset.done $0x0  }
0xa6: {  	s29 =	simm.s32 $0x2000;
	[sflag:s19] =	ssyncadd.s32 $0xFFFFD800  }
0xa7: {  	[spmem:s1] =	stream.indirect.scatter.add.f32 [tilespmem:s17], [sflag:$0x3], $0x80, s29, s16, $0xb8;
	[tilespmem:$0x1D000] =	vst v63  }
0xa8: {  	_ =	swait.ge [sflag:s14], $0x2800  }
0xa9: {  	[sflag:s14] =	ssyncset.done $0x0  }
0xaa: {  	s30 =	simm.s32 $0x100;
	[sflag:s14] =	ssyncadd.s32 $0xFFFFD800  }
0xab: {  	[tilespmem:s17], [sflag:$0x1] =	stream.indirect.gather [hbm4b:s4+s16], $0x80, s30, s16, $0xb8;
	[tilespmem:$0x1D000] =	vst v63  }
0xac: {  	_ =	swait.ge [sflag:s20], $0x2800  }
0xad: {  	[sflag:s20] =	ssyncset.done $0x0  }
0xae: {  	s31 =	simm.s32 $0x2080;
	[sflag:s20] =	ssyncadd.s32 $0xFFFFD800  }
0xaf: {  	[spmem:s1] =	stream.indirect.scatter.add.f32 [tilespmem:s18], [sflag:$0x3], $0x80, s31, s16, $0xb8;
	[tilespmem:$0x1D000] =	vst v63  }
0xb0: {  	_ =	swait.ge [sflag:s14], $0x2800  }
0xb1: {  	s23 =	simm.s32 $0x100;
	s24 =	simm.s32 $0x800;
	[sflag:s14] =	ssyncset.done $0x0  }
.LBB2_8:
0xb2: {  	s25 =	sadd.s32 $0x80, s23  }
0xb3: {  	[sflag:s14] =	ssyncadd.s32 $0xFFFFD800;
	s26 =	smov.u32 s24;
	s28 =	sadd.s32 $0x400, s24  }
0xb4: {  	[tilespmem:s18], [sflag:$0x2] =	stream.indirect.gather [hbm4b:s4+s16], $0x80, s25, s16, $0xb8;
	[tilespmem:$0x1D000] =	vst v63  }
0xb5: {  	p0 =	sne.s32 s24, $0x7800;
	_ =	swait.ge [sflag:s19], $0x2800  }
0xb6: {  	[sflag:s19] =	ssyncset.done $0x0  }
0xb7: {  	s24 =	sadd.s32 $0x2000, s23;
	[sflag:s19] =	ssyncadd.s32 $0xFFFFD800  }
0xb8: {  	[spmem:s1] =	stream.indirect.scatter.add.f32 [tilespmem:s17], [sflag:$0x3], $0x80, s24, s16, $0xb8;
	[tilespmem:$0x1D000] =	vst v63  }
0xb9: {  	_ =	swait.ge [sflag:s14], $0x2800  }
0xba: {  	[sflag:s14] =	ssyncset.done $0x0  }
0xbb: {  	s24 =	sadd.s32 $0x100, s23;
	[sflag:s14] =	ssyncadd.s32 $0xFFFFD800  }
0xbc: {  	[tilespmem:s17], [sflag:$0x1] =	stream.indirect.gather [hbm4b:s4+s16], $0x80, s24, s16, $0xb8;
	[tilespmem:$0x1D000] =	vst v63  }
0xbd: {  	_ =	swait.ge [sflag:s20], $0x2800  }
.Ltmp3:
0xbe: {  	[sflag:s20] =	ssyncset.done $0x0;
	(pc) =	sbr.rel @p0 .LBB2_8-.Ltmp3, $4  }
0xbf: {  	s23 =	sadd.s32 $0x2080, s23;
	[sflag:s20] =	ssyncadd.s32 $0xFFFFD800  }
0xc0: {  	[spmem:s1] =	stream.indirect.scatter.add.f32 [tilespmem:s18], [sflag:$0x3], $0x80, s23, s16, $0xb8;
	[tilespmem:$0x1D000] =	vst v63  }
0xc1: {  	_ =	swait.ge [sflag:s14], $0x2800  }
0xc2: {  	s24 =	smov.u32 s28;
	s23 =	sshra.s32 s26, $0x2;
	[sflag:s14] =	ssyncset.done $0x0  }
0xc3: {  	s24 =	sadd.s32 $0x80, s23;
	[sflag:s14] =	ssyncadd.s32 $0xFFFFD800  }
0xc4: {  	[tilespmem:s18], [sflag:$0x2] =	stream.indirect.gather [hbm4b:s4+s16], $0x80, s24, s16, $0xb8;
	[tilespmem:$0x1D000] =	vst v63  }
0xc5: {  	_ =	swait.ge [sflag:s19], $0x2800  }
0xc6: {  	[sflag:s19] =	ssyncset.done $0x0  }
0xc7: {  	s29 =	sadd.s32 $0x2000, s23;
	[sflag:s19] =	ssyncadd.s32 $0xFFFFD800  }
0xc8: {  	[spmem:s1] =	stream.indirect.scatter.add.f32 [tilespmem:s17], [sflag:$0x3], $0x80, s29, s16, $0xb8;
	[tilespmem:$0x1D000] =	vst v63  }
0xc9: {  	_ =	swait.ge [sflag:s14], $0x2800  }
0xca: {  	[sflag:s14] =	ssyncset.done $0x0  }
0xcb: {  	s30 =	sadd.s32 $0x100, s23;
	[sflag:s14] =	ssyncadd.s32 $0xFFFFD800  }
0xcc: {  	[tilespmem:s17], [sflag:$0x1] =	stream.indirect.gather [hbm4b:s4+s16], $0x80, s30, s16, $0xb8;
	[tilespmem:$0x1D000] =	vst v63  }
0xcd: {  	_ =	swait.ge [sflag:s20], $0x2800  }
0xce: {  	[sflag:s20] =	ssyncset.done $0x0  }
0xcf: {  	s31 =	sadd.s32 $0x2080, s23;
	[sflag:s20] =	ssyncadd.s32 $0xFFFFD800  }
0xd0: {  	[spmem:s1] =	stream.indirect.scatter.add.f32 [tilespmem:s18], [sflag:$0x3], $0x80, s31, s16, $0xb8;
	[tilespmem:$0x1D000] =	vst v63  }
0xd1: {  	_ =	swait.ge [sflag:s14], $0x2800  }
0xd2: {  	[sflag:s14] =	ssyncset.done $0x0  }
0xd3: {  	[sflag:s14] =	ssyncadd.s32 $0xFFFFD800  }
0xd4: {  	_ =	swait.ge [sflag:s19], $0x2800  }
0xd5: {  	[sflag:s19] =	ssyncset.done $0x0  }
0xd6: {  	[sflag:s19] =	ssyncadd.s32 $0xFFFFD800  }
0xd7: {  	[spmem:s1] =	stream.indirect.scatter.add.f32 [tilespmem:s17], [sflag:$0x3], $0x80, s21, s16, $0xb8;
	[tilespmem:$0x1D000] =	vst v63  }
0xd8: {  	_ =	swait.ge [sflag:s14], $0x2800  }
0xd9: {  	s22 =	sadd.s32 $0x1, s22;
	[sflag:s14] =	ssyncset.done $0x0  }
0xda: {  	p0 =	sne.s32 s22, s12;
	[sflag:s14] =	ssyncadd.s32 $0xFFFFD800  }
.Ltmp4:
0xdb: {  	[bflag:$0x0] =	sbarrier.arrive $0xFFFF;
	(pc) =	sbr.rel @p0 .LBB2_1-.Ltmp4, $4  }
0xdc: {  	[hbm:s11], [sflag:s6] =	dma.local [spmem:s13], $0x2800  }
0xdd: {  	_ =	swait.ge [sflag:s14], $0x2800  }
0xde: {  	[sflag:s14] =	ssyncset.done $0x0  }
0xdf: {  	[sflag:s14] =	ssyncadd.s32 $0xFFFFD800  }
0xe0: {  	_ =	sfence.sel $0x180000  }
0xe1: {  	[bflag:$0x0] =	sbarrier.arrive $0xFFFF  }
0xe2: {  	p0 =	sne.s32 s2, $0x0;
	_ =	strace $0x90000047  }
0xe3: {  	s0 =	sadd.s32 @!p0 $0x100000, s0;
	[bflag:$0x2] =	sbarrier.arrive $0xFFFF  }
0xe4: {  	[sflag:s0] =	ssyncadd.tile.s32 @!p0 $0x1;
	_ =	shalt  }
.Lfunc_end2:
_tile_overlayer_lowered:
.L_overlay_start_2:
0xe5: {  	(tag) =	ssettag $0x2  }
0xe6: {  	s0 =	rddreg [dreg:$0x0];
	s2 =	stileid.u32  }
0xe7: {  	s1 =	rddreg [dreg:$0x1];
	p0 =	sne.s32 s2, $0x0  }
0xe8: {  	s3 =	rddreg [dreg:$0x2];
	[bflag:$0x3] =	sbarrier.arrive $0xFFFF;
	s2 =	simm.s32 @!p0 $0x1C03  }
0xe9: {  	[timem:s3], [sflag:s2] =	dma.local @!p0 [hbm:s0], s1  }
0xea: {  	s0 =	simm.s32 @!p0 $0x3  }
0xeb: {  	_ =	swait.ge @!p0 [sflag:s0], s1  }
0xec: {  	s1 =	ssub.s32 @!p0 $0x0, s1;
	[sflag:s0] =	ssyncset.done @!p0 $0x0  }
0xed: {  	[sflag:s0] =	ssyncadd.s32 @!p0 s1  }
0xee: {  	[bflag:$0x3] =	sbarrier.arrive $0xFFFF  }
0xef: {  	_ =	shalt  }

</sc_bundles>
